<compile_context>
chip_gen: v7x
topology: tpu7x:2x2x1
jax: 0.10.2.dev20260603
libtpu: 0.0.44.dev20260713+nightly
codegen_flags: <defaults>
</compile_context>

<pallas_src>
import functools

import jax
import jax.numpy as jnp
from jax import lax
from jax.experimental import pallas as pl
from jax.experimental.pallas import tpu as pltpu
from jax.experimental.pallas import tpu_sc as plsc

_B, _N, _C_IN, _C_OUT = 4, 1024, 768, 384
_G = _N // 8
_EW = _N // 16


def _knn_body(x_ref, theta_ref, xt_ref, g1_ref, g2_ref, g3_ref):
    b = pl.program_id(0)
    xb = x_ref[0]

    inner = -2.0 * jnp.dot(xb, xb.T)
    sq = jnp.sum(xb * xb, axis=1, keepdims=True)
    dis = sq + inner + sq.T

    col = jax.lax.broadcasted_iota(jnp.int32, (_N, _N), 1)

    m1 = jnp.min(dis, axis=1, keepdims=True)
    i1 = jnp.min(jnp.where(dis == m1, col, _N), axis=1, keepdims=True)
    dis2 = jnp.where(col == i1, jnp.inf, dis)
    m2 = jnp.min(dis2, axis=1, keepdims=True)
    i2 = jnp.min(jnp.where(dis2 == m2, col, _N), axis=1, keepdims=True)

    xt_ref[0] = jnp.dot(xb, theta_ref[...])

    rowvec = jax.lax.broadcasted_iota(jnp.int32, (_N, 1), 0)
    sel = (i1 != rowvec) & (i2 != rowvec)
    g1_ref[0] = (i1 + b * _N).T
    g2_ref[0] = (i2 + b * _N).T
    g3_ref[0] = jnp.where(sel, rowvec + b * _N, _B * _N).T


def _make_sc_gather():
    mesh = plsc.VectorSubcoreMesh(core_axis_name="c", subcore_axis_name="s")

    @functools.partial(
        pl.kernel,
        mesh=mesh,
        out_type=jax.ShapeDtypeStruct((_B * _N, _C_OUT), jnp.float32),
        scratch_types=[
            pltpu.VMEM((_EW,), jnp.int32),
            pltpu.VMEM((_EW,), jnp.int32),
            pltpu.VMEM((_EW,), jnp.int32),
            pltpu.VMEM((_EW, _C_OUT), jnp.float32),
            pltpu.VMEM((_EW, _C_OUT), jnp.float32),
        ],
    )
    def sc_gather(xt_hbm, g1_hbm, g2_hbm, g3_hbm, xe_out, l1, l2, l3, r1, r2):
        cid = lax.axis_index("c")
        sid = lax.axis_index("s")
        base = sid * _EW
        nch = _C_OUT // 16

        def accumulate(j, carry):
            for t in range(nch):
                r1[j, pl.ds(t * 16, 16)] = (r1[j, pl.ds(t * 16, 16)]
                                            + r2[j, pl.ds(t * 16, 16)])
            return carry

        for bi in range(2):
            b = cid * 2 + bi
            gbase = b * _N + base
            pltpu.sync_copy(g1_hbm.at[pl.ds(gbase, _EW)], l1)
            pltpu.sync_copy(g2_hbm.at[pl.ds(gbase, _EW)], l2)
            pltpu.sync_copy(g3_hbm.at[pl.ds(gbase, _EW)], l3)

            pltpu.sync_copy(xt_hbm.at[l1], r1)
            pltpu.sync_copy(xt_hbm.at[l2], r2)
            lax.fori_loop(0, _EW, accumulate, 0)
            pltpu.sync_copy(xt_hbm.at[l3], r2)
            lax.fori_loop(0, _EW, accumulate, 0)

            pltpu.sync_copy(r1, xe_out.at[pl.ds(gbase, _EW)])

    return sc_gather


_sc_gather_cache = []


def _sc_gather(*args):
    if not _sc_gather_cache:
        _sc_gather_cache.append(_make_sc_gather())
    return _sc_gather_cache[0](*args)


def _stats(xn):
    g = xn.reshape(_G, 8, _C_OUT)
    rsum = jnp.sum(g, axis=2)
    p2a = jnp.sum(g[:, 2, 0:256], axis=1, keepdims=True)
    p5a = jnp.sum(g[:, 5, 0:128], axis=1, keepdims=True)
    s0 = rsum[:, 0:1] + rsum[:, 1:2] + p2a
    s1 = (rsum[:, 2:3] - p2a) + rsum[:, 3:4] + rsum[:, 4:5] + p5a
    s2 = (rsum[:, 5:6] - p5a) + rsum[:, 6:7] + rsum[:, 7:8]
    return s0, s1, s2


def _agg_bn_body(xe_ref, g1_ref, g2_ref, bias_ref, w_ref, b_ref,
                 out_ref, acc_ref):
    b = pl.program_id(0)

    @pl.when(b == 0)
    def _zero():
        acc_ref[...] = jnp.zeros_like(acc_ref)

    xesum = xe_ref[0]
    i1 = g1_ref[0].T - b * _N
    i2 = g2_ref[0].T - b * _N
    bias = bias_ref[...]

    rowvec = jax.lax.broadcasted_iota(jnp.int32, (_N, 1), 0)
    de = (3.0
          - (i1 == rowvec).astype(jnp.float32)
          - (i2 == rowvec).astype(jnp.float32))
    xe = xesum / de

    col = jax.lax.broadcasted_iota(jnp.int32, (_N, _N), 1)
    row = jax.lax.broadcasted_iota(jnp.int32, (_N, _N), 0)
    h = ((row == i1.T) | (row == i2.T) | (row == col)).astype(jnp.float32)
    dn = jnp.sum(h, axis=1, keepdims=True)
    xn = jnp.dot(h, xe) / dn + bias
    out_ref[b] = xn

    s0, s1, s2 = _stats(xn)
    q0, q1, q2 = _stats(xn * xn)
    acc_ref[:, 0:1] += s0
    acc_ref[:, 1:2] += s1
    acc_ref[:, 2:3] += s2
    acc_ref[:, 4:5] += q0
    acc_ref[:, 5:6] += q1
    acc_ref[:, 6:7] += q2

    @pl.when(b == _B - 1)
    def _normalize():
        cnt = jnp.float32(_B * _N)
        w2 = w_ref[...]
        b2 = b_ref[...]
        r3 = jax.lax.broadcasted_iota(jnp.int32, (_G, 8, _C_OUT), 1)
        c3 = jax.lax.broadcasted_iota(jnp.int32, (_G, 8, _C_OUT), 2)
        ch = (r3 * _C_OUT + c3) // _N

        def full(t):
            mean = acc_ref[:, t:t + 1] / cnt
            var = acc_ref[:, t + 4:t + 5] / cnt - mean * mean
            scale = w2[:, t:t + 1] / jnp.sqrt(var + 1e-5)
            shift = b2[:, t:t + 1] - mean * scale
            return scale[:, :, None], shift[:, :, None]

        sc0, sh0 = full(0)
        sc1, sh1 = full(1)
        sc2, sh2 = full(2)
        scalef = jnp.where(ch == 0, sc0, jnp.where(ch == 1, sc1, sc2))
        shiftf = jnp.where(ch == 0, sh0, jnp.where(ch == 1, sh1, sh2))
        for bb in range(_B):
            v = out_ref[bb].reshape(_G, 8, _C_OUT)
            y = jnp.maximum(v * scalef + shiftf, 0.0)
            out_ref[bb] = y.reshape(_N, _C_OUT)


def kernel(x, theta, bias, bn_weight, bn_bias):
    xt, g1, g2, g3 = pl.pallas_call(
        _knn_body,
        grid=(_B,),
        in_specs=[
            pl.BlockSpec((1, _N, _C_IN), lambda b: (b, 0, 0)),
            pl.BlockSpec((_C_IN, _C_OUT), lambda b: (0, 0)),
        ],
        out_specs=[
            pl.BlockSpec((1, _N, _C_OUT), lambda b: (b, 0, 0)),
            pl.BlockSpec((1, 1, _N), lambda b: (b, 0, 0)),
            pl.BlockSpec((1, 1, _N), lambda b: (b, 0, 0)),
            pl.BlockSpec((1, 1, _N), lambda b: (b, 0, 0)),
        ],
        out_shape=[
            jax.ShapeDtypeStruct((_B, _N, _C_OUT), jnp.float32),
            jax.ShapeDtypeStruct((_B, 1, _N), jnp.int32),
            jax.ShapeDtypeStruct((_B, 1, _N), jnp.int32),
            jax.ShapeDtypeStruct((_B, 1, _N), jnp.int32),
        ],
    )(x, theta)

    xt_pad = jnp.concatenate(
        [xt.reshape(_B * _N, _C_OUT),
         jnp.zeros((8, _C_OUT), jnp.float32)], axis=0)
    xe = _sc_gather(xt_pad, g1.reshape(_B * _N), g2.reshape(_B * _N),
                    g3.reshape(_B * _N))

    out = pl.pallas_call(
        _agg_bn_body,
        grid=(_B,),
        in_specs=[
            pl.BlockSpec((1, _N, _C_OUT), lambda b: (b, 0, 0)),
            pl.BlockSpec((1, 1, _N), lambda b: (b, 0, 0)),
            pl.BlockSpec((1, 1, _N), lambda b: (b, 0, 0)),
            pl.BlockSpec((1, _C_OUT), lambda b: (0, 0)),
            pl.BlockSpec((_G, 3), lambda b: (0, 0)),
            pl.BlockSpec((_G, 3), lambda b: (0, 0)),
        ],
        out_specs=pl.BlockSpec((_B, _N, _C_OUT), lambda b: (0, 0, 0)),
        out_shape=jax.ShapeDtypeStruct((_B, _N, _C_OUT), jnp.float32),
        scratch_shapes=[pltpu.VMEM((_G, 8), jnp.float32)],
    )(xe.reshape(_B, _N, _C_OUT), g1, g2,
      bias.reshape(1, _C_OUT), bn_weight.reshape(_G, 3), bn_bias.reshape(_G, 3))

    return out

# --- scband reference (transcript-rebuilt; emitter-appended) ---
"""Pipeline reference for scband-hyper-graph-block-11639361372556 (READ-ONLY COPY).

The authoritative reference and input builder live on the scoring server;
editing this copy changes nothing except your own understanding.
"""

import jax, jax.numpy as jnp
import numpy as np

B, N, C_IN, C_OUT, K = 4, 1024, 768, 384, 3


def setup_inputs(seed: int = 0) -> dict:
    key = jax.random.key(seed)
    k1, k2 = jax.random.split(key)
    x = jax.random.normal(k1, (B, N, C_IN), dtype=jnp.float32)
    limit = float(np.sqrt(6.0 / (C_IN + C_OUT)))
    theta = jax.random.uniform(k2, (C_IN, C_OUT), minval=-limit, maxval=limit, dtype=jnp.float32)
    bias = jnp.zeros((C_OUT,), jnp.float32)
    bn_weight = jnp.ones((C_OUT,), jnp.float32)
    bn_bias = jnp.zeros((C_OUT,), jnp.float32)
    return {"x": x, "theta": theta, "bias": bias, "bn_weight": bn_weight, "bn_bias": bn_bias}


def _build_H(x):
    B_, N_, _ = x.shape
    xt = jnp.swapaxes(x, 1, 2)
    inner = -2.0 * jnp.matmul(x, xt)
    sq = jnp.sum(x ** 2, axis=2, keepdims=True)
    dis = sq + inner + jnp.swapaxes(sq, 1, 2)
    _, nn_idx = jax.lax.top_k(-dis, K - 1)  # smallest K-1 distances
    self_node = jnp.broadcast_to(jnp.arange(N_)[None, :, None], (B_, N_, 1))
    nn_idx = jnp.concatenate([nn_idx, self_node], axis=2).reshape(-1)
    hyedge_idx = jnp.tile(jnp.repeat(jnp.arange(N_), K), B_)
    batch_idx = jnp.repeat(jnp.arange(B_), N_ * K)
    H = jnp.zeros((B_, N_, N_), jnp.float32).at[batch_idx, nn_idx, hyedge_idx].set(1.0)
    return H


def _forward(x, theta, bias, bn_weight, bn_bias):
    B_, N_, _ = x.shape
    H = _build_H(x)
    xt = jnp.matmul(x, theta)
    # gen_hyedge_ft: D_e^{-1} via dense inverse of diag_embed, then H @ D_e^{-1}, transpose, matmul
    De = jax.vmap(jnp.diag)(jnp.sum(H, axis=1))
    De_inv = jnp.linalg.inv(De)
    tmp = jnp.swapaxes(jnp.matmul(H, De_inv), 1, 2)
    xe = jnp.matmul(tmp, xt)
    # gen_node_ft
    Dn = jax.vmap(jnp.diag)(jnp.sum(H, axis=2))
    Dn_inv = jnp.linalg.inv(Dn)
    xn = jnp.matmul(jnp.matmul(Dn_inv, H), xe) + bias
    # x.view(B, -1, L, 1): a raw reshape (NOT a permute), faithful to torch .view
    y = jnp.reshape(xn, (B_, C_OUT, N_, 1))
    # BatchNorm2d in training mode: batch stats over (B, H, W), biased variance
    mean = jnp.mean(y, axis=(0, 2, 3), keepdims=True)
    var = jnp.var(y, axis=(0, 2, 3), keepdims=True)
    y = (y - mean) / jnp.sqrt(var + 1e-5)
    y = y * bn_weight[None, :, None, None] + bn_bias[None, :, None, None]
    y = jax.nn.relu(y)
    return jnp.reshape(y, (B_, N_, -1))


def reference(x, theta, bias, bn_weight, bn_bias):
    return _forward(x, theta, bias, bn_weight, bn_bias)

if __name__ == "__main__":
    import jax
    _d = setup_inputs()
    print(jax.jit(kernel)(*tuple(_d.values())))

</pallas_src>

<mosaic_0001>
#map = affine_map<(d0, d1) -> (0, 0)>
#map1 = affine_map<(d0, d1) -> (0)>
module attributes {stable_mosaic.version = 14 : i64} {
  func.func @sc_gather(%arg0: i32, %arg1: i32, %arg2: memref<4104x384xf32, #tpu.memory_space<hbm>>, %arg3: memref<4096xi32, #tpu.memory_space<hbm>>, %arg4: memref<4096xi32, #tpu.memory_space<hbm>>, %arg5: memref<4096xi32, #tpu.memory_space<hbm>>, %arg6: memref<4096x384xf32, #tpu.memory_space<hbm>>, %arg7: memref<64xi32, #tpu.memory_space<vmem>>, %arg8: memref<64xi32, #tpu.memory_space<vmem>>, %arg9: memref<64xi32, #tpu.memory_space<vmem>>, %arg10: memref<64x384xf32, #tpu.memory_space<vmem>>, %arg11: memref<64x384xf32, #tpu.memory_space<vmem>>) attributes {dimension_semantics = [#tpu.dimension_semantics<core_parallel>, #tpu.dimension_semantics<subcore_parallel>], iteration_bounds = array<i64: 2, 16>, scalar_prefetch = 0 : i64, scratch_operands = 5 : i64, tpu.core_type = #tpu.core_type<sc_vector_subcore>, window_params = [{transform_indices = #map}, {transform_indices = #map1}, {transform_indices = #map1}, {transform_indices = #map1}, {transform_indices = #map}]} {
    %mul3A = arith.constant 64 : i32
    %mul3A_0 = arith.muli %arg1, %mul3A : i32
    %mul3A_1 = arith.constant 2 : i32
    %mul3A_2 = arith.muli %arg0, %mul3A_1 : i32
    %add3A = arith.constant 0 : i32
    %add3A_3 = arith.addi %mul3A_2, %add3A : i32
    %mul3A_4 = arith.constant 1024 : i32
    %mul3A_5 = arith.muli %add3A_3, %mul3A_4 : i32
    %add3A_6 = arith.addi %mul3A_5, %mul3A_0 : i32
    "tpu.region"() ({
      %run_scoped3A = tpu.sem_alloc : memref<!tpu.dma_semaphore, #tpu.memory_space<semaphore_mem>>
      %dma_start3A = tpu.memref_slice %arg3[%add3A_6] : memref<4096xi32, #tpu.memory_space<hbm>> -> memref<64xi32, #tpu.memory_space<hbm>>
      %dma_start3A_37 = tpu.memref_slice %arg3[%add3A_6] : memref<4096xi32, #tpu.memory_space<hbm>> -> memref<64xi32, #tpu.memory_space<hbm>>
      tpu.enqueue_dma source(%dma_start3A_37 : memref<64xi32, #tpu.memory_space<hbm>>) target(%arg7 : memref<64xi32, #tpu.memory_space<vmem>>) target_semaphore(%run_scoped3A : memref<!tpu.dma_semaphore, #tpu.memory_space<semaphore_mem>>)
      %dma_wait3A = tpu.memref_slice %arg3[%add3A_6] : memref<4096xi32, #tpu.memory_space<hbm>> -> memref<64xi32, #tpu.memory_space<hbm>>
      %dma_wait3A_38 = tpu.memref_slice %arg3[%add3A_6] : memref<4096xi32, #tpu.memory_space<hbm>> -> memref<64xi32, #tpu.memory_space<hbm>>
      tpu.wait_dma2 semaphore(%run_scoped3A : memref<!tpu.dma_semaphore, #tpu.memory_space<semaphore_mem>>) src(%dma_wait3A_38 : memref<64xi32, #tpu.memory_space<hbm>>) dst(%arg7 : memref<64xi32, #tpu.memory_space<vmem>>)
      tpu.yield
    }) : () -> ()
    "tpu.region"() ({
      %run_scoped3A = tpu.sem_alloc : memref<!tpu.dma_semaphore, #tpu.memory_space<semaphore_mem>>
      %dma_start3A = tpu.memref_slice %arg4[%add3A_6] : memref<4096xi32, #tpu.memory_space<hbm>> -> memref<64xi32, #tpu.memory_space<hbm>>
      %dma_start3A_37 = tpu.memref_slice %arg4[%add3A_6] : memref<4096xi32, #tpu.memory_space<hbm>> -> memref<64xi32, #tpu.memory_space<hbm>>
      tpu.enqueue_dma source(%dma_start3A_37 : memref<64xi32, #tpu.memory_space<hbm>>) target(%arg8 : memref<64xi32, #tpu.memory_space<vmem>>) target_semaphore(%run_scoped3A : memref<!tpu.dma_semaphore, #tpu.memory_space<semaphore_mem>>)
      %dma_wait3A = tpu.memref_slice %arg4[%add3A_6] : memref<4096xi32, #tpu.memory_space<hbm>> -> memref<64xi32, #tpu.memory_space<hbm>>
      %dma_wait3A_38 = tpu.memref_slice %arg4[%add3A_6] : memref<4096xi32, #tpu.memory_space<hbm>> -> memref<64xi32, #tpu.memory_space<hbm>>
      tpu.wait_dma2 semaphore(%run_scoped3A : memref<!tpu.dma_semaphore, #tpu.memory_space<semaphore_mem>>) src(%dma_wait3A_38 : memref<64xi32, #tpu.memory_space<hbm>>) dst(%arg8 : memref<64xi32, #tpu.memory_space<vmem>>)
      tpu.yield
    }) : () -> ()
    "tpu.region"() ({
      %run_scoped3A = tpu.sem_alloc : memref<!tpu.dma_semaphore, #tpu.memory_space<semaphore_mem>>
      %dma_start3A = tpu.memref_slice %arg5[%add3A_6] : memref<4096xi32, #tpu.memory_space<hbm>> -> memref<64xi32, #tpu.memory_space<hbm>>
      %dma_start3A_37 = tpu.memref_slice %arg5[%add3A_6] : memref<4096xi32, #tpu.memory_space<hbm>> -> memref<64xi32, #tpu.memory_space<hbm>>
      tpu.enqueue_dma source(%dma_start3A_37 : memref<64xi32, #tpu.memory_space<hbm>>) target(%arg9 : memref<64xi32, #tpu.memory_space<vmem>>) target_semaphore(%run_scoped3A : memref<!tpu.dma_semaphore, #tpu.memory_space<semaphore_mem>>)
      %dma_wait3A = tpu.memref_slice %arg5[%add3A_6] : memref<4096xi32, #tpu.memory_space<hbm>> -> memref<64xi32, #tpu.memory_space<hbm>>
      %dma_wait3A_38 = tpu.memref_slice %arg5[%add3A_6] : memref<4096xi32, #tpu.memory_space<hbm>> -> memref<64xi32, #tpu.memory_space<hbm>>
      tpu.wait_dma2 semaphore(%run_scoped3A : memref<!tpu.dma_semaphore, #tpu.memory_space<semaphore_mem>>) src(%dma_wait3A_38 : memref<64xi32, #tpu.memory_space<hbm>>) dst(%arg9 : memref<64xi32, #tpu.memory_space<vmem>>)
      tpu.yield
    }) : () -> ()
    "tpu.region"() ({
      %run_scoped3A = tpu.sem_alloc : memref<!tpu.dma_semaphore, #tpu.memory_space<semaphore_mem>>
      %dma_start3A = arith.constant 0 : i32
      %dma_start3A_37 = arith.constant 0 : i32
      %dma_start3A_38 = tpu.memref_slice %arg2[%dma_start3A, %dma_start3A_37] : memref<4104x384xf32, #tpu.memory_space<hbm>> -> memref<4104x384xf32, #tpu.memory_space<hbm>>
      tpu.enqueue_indirect_dma source(%dma_start3A_38 : memref<4104x384xf32, #tpu.memory_space<hbm>>) target(%arg10 : memref<64x384xf32, #tpu.memory_space<vmem>>) offsets(%arg7 : memref<64xi32, #tpu.memory_space<vmem>>) semaphore(%run_scoped3A : memref<!tpu.dma_semaphore, #tpu.memory_space<semaphore_mem>>)
      %dma_wait3A = arith.constant 0 : i32
      %dma_wait3A_39 = arith.constant 0 : i32
      %dma_wait3A_40 = tpu.memref_slice %arg2[%dma_wait3A, %dma_wait3A_39] : memref<4104x384xf32, #tpu.memory_space<hbm>> -> memref<4104x384xf32, #tpu.memory_space<hbm>>
      tpu.wait_indirect_dma semaphore(%run_scoped3A : memref<!tpu.dma_semaphore, #tpu.memory_space<semaphore_mem>>) src(%dma_wait3A_40 : memref<4104x384xf32, #tpu.memory_space<hbm>>) dst(%arg10 : memref<64x384xf32, #tpu.memory_space<vmem>>)
      tpu.yield
    }) : () -> ()
    "tpu.region"() ({
      %run_scoped3A = tpu.sem_alloc : memref<!tpu.dma_semaphore, #tpu.memory_space<semaphore_mem>>
      %dma_start3A = arith.constant 0 : i32
      %dma_start3A_37 = arith.constant 0 : i32
      %dma_start3A_38 = tpu.memref_slice %arg2[%dma_start3A, %dma_start3A_37] : memref<4104x384xf32, #tpu.memory_space<hbm>> -> memref<4104x384xf32, #tpu.memory_space<hbm>>
      tpu.enqueue_indirect_dma source(%dma_start3A_38 : memref<4104x384xf32, #tpu.memory_space<hbm>>) target(%arg11 : memref<64x384xf32, #tpu.memory_space<vmem>>) offsets(%arg8 : memref<64xi32, #tpu.memory_space<vmem>>) semaphore(%run_scoped3A : memref<!tpu.dma_semaphore, #tpu.memory_space<semaphore_mem>>)
      %dma_wait3A = arith.constant 0 : i32
      %dma_wait3A_39 = arith.constant 0 : i32
      %dma_wait3A_40 = tpu.memref_slice %arg2[%dma_wait3A, %dma_wait3A_39] : memref<4104x384xf32, #tpu.memory_space<hbm>> -> memref<4104x384xf32, #tpu.memory_space<hbm>>
      tpu.wait_indirect_dma semaphore(%run_scoped3A : memref<!tpu.dma_semaphore, #tpu.memory_space<semaphore_mem>>) src(%dma_wait3A_40 : memref<4104x384xf32, #tpu.memory_space<hbm>>) dst(%arg11 : memref<64x384xf32, #tpu.memory_space<vmem>>)
      tpu.yield
    }) : () -> ()
    %scan3A = arith.constant 0 : i32
    %scan3A_7 = arith.constant 0 : i32
    %scan3A_8 = arith.constant 64 : i32
    %scan3A_9 = arith.addi %scan3A_7, %scan3A_8 : i32
    %scan3A_10 = arith.constant 1 : i32
    scf.for %scan3A_37 = %scan3A_7 to %scan3A_9 step %scan3A_10  : i32 {
      %get3A = arith.index_cast %scan3A_37 : i32 to index
      %get3A_38 = arith.constant 0 : index
      %get3A_39 = tpu.vector_load %arg10[%get3A, %get3A_38] {strides = array<i32>} : memref<64x384xf32, #tpu.memory_space<vmem>>, vector<1x16xf32>,
      %get3A_40 = vector.shape_cast %get3A_39 : vector<1x16xf32> to vector<16xf32>
      %get3A_41 = arith.index_cast %scan3A_37 : i32 to index
      %get3A_42 = arith.constant 0 : index
      %get3A_43 = tpu.vector_load %arg11[%get3A_41, %get3A_42] {strides = array<i32>} : memref<64x384xf32, #tpu.memory_space<vmem>>, vector<1x16xf32>,
      %get3A_44 = vector.shape_cast %get3A_43 : vector<1x16xf32> to vector<16xf32>
      %add3A_45 = arith.addf %get3A_40, %get3A_44 : vector<16xf32>
      %swap3A = arith.index_cast %scan3A_37 : i32 to index
      %swap3A_46 = arith.constant 0 : index
      %swap3A_47 = tpu.vector_load %arg10[%swap3A, %swap3A_46] {strides = array<i32>} : memref<64x384xf32, #tpu.memory_space<vmem>>, vector<1x16xf32>,
      %swap3A_48 = vector.shape_cast %swap3A_47 : vector<1x16xf32> to vector<16xf32>
      %swap3A_49 = vector.shape_cast %add3A_45 : vector<16xf32> to vector<1x16xf32>
      tpu.vector_store %arg10[%swap3A, %swap3A_46], %swap3A_49 {strides = array<i32>} : memref<64x384xf32, #tpu.memory_space<vmem>>, vector<1x16xf32>,
      %get3A_50 = arith.index_cast %scan3A_37 : i32 to index
      %get3A_51 = arith.constant 16 : index
      %get3A_52 = tpu.vector_load %arg10[%get3A_50, %get3A_51] {strides = array<i32>} : memref<64x384xf32, #tpu.memory_space<vmem>>, vector<1x16xf32>,
      %get3A_53 = vector.shape_cast %get3A_52 : vector<1x16xf32> to vector<16xf32>
      %get3A_54 = arith.index_cast %scan3A_37 : i32 to index
      %get3A_55 = arith.constant 16 : index
      %get3A_56 = tpu.vector_load %arg11[%get3A_54, %get3A_55] {strides = array<i32>} : memref<64x384xf32, #tpu.memory_space<vmem>>, vector<1x16xf32>,
      %get3A_57 = vector.shape_cast %get3A_56 : vector<1x16xf32> to vector<16xf32>
      %add3A_58 = arith.addf %get3A_53, %get3A_57 : vector<16xf32>
      %swap3A_59 = arith.index_cast %scan3A_37 : i32 to index
      %swap3A_60 = arith.constant 16 : index
      %swap3A_61 = tpu.vector_load %arg10[%swap3A_59, %swap3A_60] {strides = array<i32>} : memref<64x384xf32, #tpu.memory_space<vmem>>, vector<1x16xf32>,
      %swap3A_62 = vector.shape_cast %swap3A_61 : vector<1x16xf32> to vector<16xf32>
      %swap3A_63 = vector.shape_cast %add3A_58 : vector<16xf32> to vector<1x16xf32>
      tpu.vector_store %arg10[%swap3A_59, %swap3A_60], %swap3A_63 {strides = array<i32>} : memref<64x384xf32, #tpu.memory_space<vmem>>, vector<1x16xf32>,
      %get3A_64 = arith.index_cast %scan3A_37 : i32 to index
      %get3A_65 = arith.constant 32 : index
      %get3A_66 = tpu.vector_load %arg10[%get3A_64, %get3A_65] {strides = array<i32>} : memref<64x384xf32, #tpu.memory_space<vmem>>, vector<1x16xf32>,
      %get3A_67 = vector.shape_cast %get3A_66 : vector<1x16xf32> to vector<16xf32>
      %get3A_68 = arith.index_cast %scan3A_37 : i32 to index
      %get3A_69 = arith.constant 32 : index
      %get3A_70 = tpu.vector_load %arg11[%get3A_68, %get3A_69] {strides = array<i32>} : memref<64x384xf32, #tpu.memory_space<vmem>>, vector<1x16xf32>,
      %get3A_71 = vector.shape_cast %get3A_70 : vector<1x16xf32> to vector<16xf32>
      %add3A_72 = arith.addf %get3A_67, %get3A_71 : vector<16xf32>
      %swap3A_73 = arith.index_cast %scan3A_37 : i32 to index
      %swap3A_74 = arith.constant 32 : index
      %swap3A_75 = tpu.vector_load %arg10[%swap3A_73, %swap3A_74] {strides = array<i32>} : memref<64x384xf32, #tpu.memory_space<vmem>>, vector<1x16xf32>,
      %swap3A_76 = vector.shape_cast %swap3A_75 : vector<1x16xf32> to vector<16xf32>
      %swap3A_77 = vector.shape_cast %add3A_72 : vector<16xf32> to vector<1x16xf32>
      tpu.vector_store %arg10[%swap3A_73, %swap3A_74], %swap3A_77 {strides = array<i32>} : memref<64x384xf32, #tpu.memory_space<vmem>>, vector<1x16xf32>,
      %get3A_78 = arith.index_cast %scan3A_37 : i32 to index
      %get3A_79 = arith.constant 48 : index
      %get3A_80 = tpu.vector_load %arg10[%get3A_78, %get3A_79] {strides = array<i32>} : memref<64x384xf32, #tpu.memory_space<vmem>>, vector<1x16xf32>,
      %get3A_81 = vector.shape_cast %get3A_80 : vector<1x16xf32> to vector<16xf32>
      %get3A_82 = arith.index_cast %scan3A_37 : i32 to index
      %get3A_83 = arith.constant 48 : index
      %get3A_84 = tpu.vector_load %arg11[%get3A_82, %get3A_83] {strides = array<i32>} : memref<64x384xf32, #tpu.memory_space<vmem>>, vector<1x16xf32>,
      %get3A_85 = vector.shape_cast %get3A_84 : vector<1x16xf32> to vector<16xf32>
      %add3A_86 = arith.addf %get3A_81, %get3A_85 : vector<16xf32>
      %swap3A_87 = arith.index_cast %scan3A_37 : i32 to index
      %swap3A_88 = arith.constant 48 : index
      %swap3A_89 = tpu.vector_load %arg10[%swap3A_87, %swap3A_88] {strides = array<i32>} : memref<64x384xf32, #tpu.memory_space<vmem>>, vector<1x16xf32>,
      %swap3A_90 = vector.shape_cast %swap3A_89 : vector<1x16xf32> to vector<16xf32>
      %swap3A_91 = vector.shape_cast %add3A_86 : vector<16xf32> to vector<1x16xf32>
      tpu.vector_store %arg10[%swap3A_87, %swap3A_88], %swap3A_91 {strides = array<i32>} : memref<64x384xf32, #tpu.memory_space<vmem>>, vector<1x16xf32>,
      %get3A_92 = arith.index_cast %scan3A_37 : i32 to index
      %get3A_93 = arith.constant 64 : index
      %get3A_94 = tpu.vector_load %arg10[%get3A_92, %get3A_93] {strides = array<i32>} : memref<64x384xf32, #tpu.memory_space<vmem>>, vector<1x16xf32>,
      %get3A_95 = vector.shape_cast %get3A_94 : vector<1x16xf32> to vector<16xf32>
      %get3A_96 = arith.index_cast %scan3A_37 : i32 to index
      %get3A_97 = arith.constant 64 : index
      %get3A_98 = tpu.vector_load %arg11[%get3A_96, %get3A_97] {strides = array<i32>} : memref<64x384xf32, #tpu.memory_space<vmem>>, vector<1x16xf32>,
      %get3A_99 = vector.shape_cast %get3A_98 : vector<1x16xf32> to vector<16xf32>
      %add3A_100 = arith.addf %get3A_95, %get3A_99 : vector<16xf32>
      %swap3A_101 = arith.index_cast %scan3A_37 : i32 to index
      %swap3A_102 = arith.constant 64 : index
      %swap3A_103 = tpu.vector_load %arg10[%swap3A_101, %swap3A_102] {strides = array<i32>} : memref<64x384xf32, #tpu.memory_space<vmem>>, vector<1x16xf32>,
      %swap3A_104 = vector.shape_cast %swap3A_103 : vector<1x16xf32> to vector<16xf32>
      %swap3A_105 = vector.shape_cast %add3A_100 : vector<16xf32> to vector<1x16xf32>
      tpu.vector_store %arg10[%swap3A_101, %swap3A_102], %swap3A_105 {strides = array<i32>} : memref<64x384xf32, #tpu.memory_space<vmem>>, vector<1x16xf32>,
      %get3A_106 = arith.index_cast %scan3A_37 : i32 to index
      %get3A_107 = arith.constant 80 : index
      %get3A_108 = tpu.vector_load %arg10[%get3A_106, %get3A_107] {strides = array<i32>} : memref<64x384xf32, #tpu.memory_space<vmem>>, vector<1x16xf32>,
      %get3A_109 = vector.shape_cast %get3A_108 : vector<1x16xf32> to vector<16xf32>
      %get3A_110 = arith.index_cast %scan3A_37 : i32 to index
      %get3A_111 = arith.constant 80 : index
      %get3A_112 = tpu.vector_load %arg11[%get3A_110, %get3A_111] {strides = array<i32>} : memref<64x384xf32, #tpu.memory_space<vmem>>, vector<1x16xf32>,
      %get3A_113 = vector.shape_cast %get3A_112 : vector<1x16xf32> to vector<16xf32>
      %add3A_114 = arith.addf %get3A_109, %get3A_113 : vector<16xf32>
      %swap3A_115 = arith.index_cast %scan3A_37 : i32 to index
      %swap3A_116 = arith.constant 80 : index
      %swap3A_117 = tpu.vector_load %arg10[%swap3A_115, %swap3A_116] {strides = array<i32>} : memref<64x384xf32, #tpu.memory_space<vmem>>, vector<1x16xf32>,
      %swap3A_118 = vector.shape_cast %swap3A_117 : vector<1x16xf32> to vector<16xf32>
      %swap3A_119 = vector.shape_cast %add3A_114 : vector<16xf32> to vector<1x16xf32>
      tpu.vector_store %arg10[%swap3A_115, %swap3A_116], %swap3A_119 {strides = array<i32>} : memref<64x384xf32, #tpu.memory_space<vmem>>, vector<1x16xf32>,
      %get3A_120 = arith.index_cast %scan3A_37 : i32 to index
      %get3A_121 = arith.constant 96 : index
      %get3A_122 = tpu.vector_load %arg10[%get3A_120, %get3A_121] {strides = array<i32>} : memref<64x384xf32, #tpu.memory_space<vmem>>, vector<1x16xf32>,
      %get3A_123 = vector.shape_cast %get3A_122 : vector<1x16xf32> to vector<16xf32>
      %get3A_124 = arith.index_cast %scan3A_37 : i32 to index
      %get3A_125 = arith.constant 96 : index
      %get3A_126 = tpu.vector_load %arg11[%get3A_124, %get3A_125] {strides = array<i32>} : memref<64x384xf32, #tpu.memory_space<vmem>>, vector<1x16xf32>,
      %get3A_127 = vector.shape_cast %get3A_126 : vector<1x16xf32> to vector<16xf32>
      %add3A_128 = arith.addf %get3A_123, %get3A_127 : vector<16xf32>
      %swap3A_129 = arith.index_cast %scan3A_37 : i32 to index
      %swap3A_130 = arith.constant 96 : index
      %swap3A_131 = tpu.vector_load %arg10[%swap3A_129, %swap3A_130] {strides = array<i32>} : memref<64x384xf32, #tpu.memory_space<vmem>>, vector<1x16xf32>,
      %swap3A_132 = vector.shape_cast %swap3A_131 : vector<1x16xf32> to vector<16xf32>
      %swap3A_133 = vector.shape_cast %add3A_128 : vector<16xf32> to vector<1x16xf32>
      tpu.vector_store %arg10[%swap3A_129, %swap3A_130], %swap3A_133 {strides = array<i32>} : memref<64x384xf32, #tpu.memory_space<vmem>>, vector<1x16xf32>,
      %get3A_134 = arith.index_cast %scan3A_37 : i32 to index
      %get3A_135 = arith.constant 112 : index
      %get3A_136 = tpu.vector_load %arg10[%get3A_134, %get3A_135] {strides = array<i32>} : memref<64x384xf32, #tpu.memory_space<vmem>>, vector<1x16xf32>,
      %get3A_137 = vector.shape_cast %get3A_136 : vector<1x16xf32> to vector<16xf32>
      %get3A_138 = arith.index_cast %scan3A_37 : i32 to index
      %get3A_139 = arith.constant 112 : index
      %get3A_140 = tpu.vector_load %arg11[%get3A_138, %get3A_139] {strides = array<i32>} : memref<64x384xf32, #tpu.memory_space<vmem>>, vector<1x16xf32>,
      %get3A_141 = vector.shape_cast %get3A_140 : vector<1x16xf32> to vector<16xf32>
      %add3A_142 = arith.addf %get3A_137, %get3A_141 : vector<16xf32>
      %swap3A_143 = arith.index_cast %scan3A_37 : i32 to index
      %swap3A_144 = arith.constant 112 : index
      %swap3A_145 = tpu.vector_load %arg10[%swap3A_143, %swap3A_144] {strides = array<i32>} : memref<64x384xf32, #tpu.memory_space<vmem>>, vector<1x16xf32>,
      %swap3A_146 = vector.shape_cast %swap3A_145 : vector<1x16xf32> to vector<16xf32>
      %swap3A_147 = vector.shape_cast %add3A_142 : vector<16xf32> to vector<1x16xf32>
      tpu.vector_store %arg10[%swap3A_143, %swap3A_144], %swap3A_147 {strides = array<i32>} : memref<64x384xf32, #tpu.memory_space<vmem>>, vector<1x16xf32>,
      %get3A_148 = arith.index_cast %scan3A_37 : i32 to index
      %get3A_149 = arith.constant 128 : index
      %get3A_150 = tpu.vector_load %arg10[%get3A_148, %get3A_149] {strides = array<i32>} : memref<64x384xf32, #tpu.memory_space<vmem>>, vector<1x16xf32>,
      %get3A_151 = vector.shape_cast %get3A_150 : vector<1x16xf32> to vector<16xf32>
      %get3A_152 = arith.index_cast %scan3A_37 : i32 to index
      %get3A_153 = arith.constant 128 : index
      %get3A_154 = tpu.vector_load %arg11[%get3A_152, %get3A_153] {strides = array<i32>} : memref<64x384xf32, #tpu.memory_space<vmem>>, vector<1x16xf32>,
      %get3A_155 = vector.shape_cast %get3A_154 : vector<1x16xf32> to vector<16xf32>
      %add3A_156 = arith.addf %get3A_151, %get3A_155 : vector<16xf32>
      %swap3A_157 = arith.index_cast %scan3A_37 : i32 to index
      %swap3A_158 = arith.constant 128 : index
      %swap3A_159 = tpu.vector_load %arg10[%swap3A_157, %swap3A_158] {strides = array<i32>} : memref<64x384xf32, #tpu.memory_space<vmem>>, vector<1x16xf32>,
      %swap3A_160 = vector.shape_cast %swap3A_159 : vector<1x16xf32> to vector<16xf32>
      %swap3A_161 = vector.shape_cast %add3A_156 : vector<16xf32> to vector<1x16xf32>
      tpu.vector_store %arg10[%swap3A_157, %swap3A_158], %swap3A_161 {strides = array<i32>} : memref<64x384xf32, #tpu.memory_space<vmem>>, vector<1x16xf32>,
      %get3A_162 = arith.index_cast %scan3A_37 : i32 to index
      %get3A_163 = arith.constant 144 : index
      %get3A_164 = tpu.vector_load %arg10[%get3A_162, %get3A_163] {strides = array<i32>} : memref<64x384xf32, #tpu.memory_space<vmem>>, vector<1x16xf32>,
      %get3A_165 = vector.shape_cast %get3A_164 : vector<1x16xf32> to vector<16xf32>
      %get3A_166 = arith.index_cast %scan3A_37 : i32 to index
      %get3A_167 = arith.constant 144 : index
      %get3A_168 = tpu.vector_load %arg11[%get3A_166, %get3A_167] {strides = array<i32>} : memref<64x384xf32, #tpu.memory_space<vmem>>, vector<1x16xf32>,
      %get3A_169 = vector.shape_cast %get3A_168 : vector<1x16xf32> to vector<16xf32>
      %add3A_170 = arith.addf %get3A_165, %get3A_169 : vector<16xf32>
      %swap3A_171 = arith.index_cast %scan3A_37 : i32 to index
      %swap3A_172 = arith.constant 144 : index
      %swap3A_173 = tpu.vector_load %arg10[%swap3A_171, %swap3A_172] {strides = array<i32>} : memref<64x384xf32, #tpu.memory_space<vmem>>, vector<1x16xf32>,
      %swap3A_174 = vector.shape_cast %swap3A_173 : vector<1x16xf32> to vector<16xf32>
      %swap3A_175 = vector.shape_cast %add3A_170 : vector<16xf32> to vector<1x16xf32>
      tpu.vector_store %arg10[%swap3A_171, %swap3A_172], %swap3A_175 {strides = array<i32>} : memref<64x384xf32, #tpu.memory_space<vmem>>, vector<1x16xf32>,
      %get3A_176 = arith.index_cast %scan3A_37 : i32 to index
      %get3A_177 = arith.constant 160 : index
      %get3A_178 = tpu.vector_load %arg10[%get3A_176, %get3A_177] {strides = array<i32>} : memref<64x384xf32, #tpu.memory_space<vmem>>, vector<1x16xf32>,
      %get3A_179 = vector.shape_cast %get3A_178 : vector<1x16xf32> to vector<16xf32>
      %get3A_180 = arith.index_cast %scan3A_37 : i32 to index
      %get3A_181 = arith.constant 160 : index
      %get3A_182 = tpu.vector_load %arg11[%get3A_180, %get3A_181] {strides = array<i32>} : memref<64x384xf32, #tpu.memory_space<vmem>>, vector<1x16xf32>,
      %get3A_183 = vector.shape_cast %get3A_182 : vector<1x16xf32> to vector<16xf32>
      %add3A_184 = arith.addf %get3A_179, %get3A_183 : vector<16xf32>
      %swap3A_185 = arith.index_cast %scan3A_37 : i32 to index
      %swap3A_186 = arith.constant 160 : index
      %swap3A_187 = tpu.vector_load %arg10[%swap3A_185, %swap3A_186] {strides = array<i32>} : memref<64x384xf32, #tpu.memory_space<vmem>>, vector<1x16xf32>,
      %swap3A_188 = vector.shape_cast %swap3A_187 : vector<1x16xf32> to vector<16xf32>
      %swap3A_189 = vector.shape_cast %add3A_184 : vector<16xf32> to vector<1x16xf32>
      tpu.vector_store %arg10[%swap3A_185, %swap3A_186], %swap3A_189 {strides = array<i32>} : memref<64x384xf32, #tpu.memory_space<vmem>>, vector<1x16xf32>,
      %get3A_190 = arith.index_cast %scan3A_37 : i32 to index
      %get3A_191 = arith.constant 176 : index
      %get3A_192 = tpu.vector_load %arg10[%get3A_190, %get3A_191] {strides = array<i32>} : memref<64x384xf32, #tpu.memory_space<vmem>>, vector<1x16xf32>,
      %get3A_193 = vector.shape_cast %get3A_192 : vector<1x16xf32> to vector<16xf32>
      %get3A_194 = arith.index_cast %scan3A_37 : i32 to index
      %get3A_195 = arith.constant 176 : index
      %get3A_196 = tpu.vector_load %arg11[%get3A_194, %get3A_195] {strides = array<i32>} : memref<64x384xf32, #tpu.memory_space<vmem>>, vector<1x16xf32>,
      %get3A_197 = vector.shape_cast %get3A_196 : vector<1x16xf32> to vector<16xf32>
      %add3A_198 = arith.addf %get3A_193, %get3A_197 : vector<16xf32>
      %swap3A_199 = arith.index_cast %scan3A_37 : i32 to index
      %swap3A_200 = arith.constant 176 : index
      %swap3A_201 = tpu.vector_load %arg10[%swap3A_199, %swap3A_200] {strides = array<i32>} : memref<64x384xf32, #tpu.memory_space<vmem>>, vector<1x16xf32>,
      %swap3A_202 = vector.shape_cast %swap3A_201 : vector<1x16xf32> to vector<16xf32>
      %swap3A_203 = vector.shape_cast %add3A_198 : vector<16xf32> to vector<1x16xf32>
      tpu.vector_store %arg10[%swap3A_199, %swap3A_200], %swap3A_203 {strides = array<i32>} : memref<64x384xf32, #tpu.memory_space<vmem>>, vector<1x16xf32>,
      %get3A_204 = arith.index_cast %scan3A_37 : i32 to index
      %get3A_205 = arith.constant 192 : index
      %get3A_206 = tpu.vector_load %arg10[%get3A_204, %get3A_205] {strides = array<i32>} : memref<64x384xf32, #tpu.memory_space<vmem>>, vector<1x16xf32>,
      %get3A_207 = vector.shape_cast %get3A_206 : vector<1x16xf32> to vector<16xf32>
      %get3A_208 = arith.index_cast %scan3A_37 : i32 to index
      %get3A_209 = arith.constant 192 : index
      %get3A_210 = tpu.vector_load %arg11[%get3A_208, %get3A_209] {strides = array<i32>} : memref<64x384xf32, #tpu.memory_space<vmem>>, vector<1x16xf32>,
      %get3A_211 = vector.shape_cast %get3A_210 : vector<1x16xf32> to vector<16xf32>
      %add3A_212 = arith.addf %get3A_207, %get3A_211 : vector<16xf32>
      %swap3A_213 = arith.index_cast %scan3A_37 : i32 to index
      %swap3A_214 = arith.constant 192 : index
      %swap3A_215 = tpu.vector_load %arg10[%swap3A_213, %swap3A_214] {strides = array<i32>} : memref<64x384xf32, #tpu.memory_space<vmem>>, vector<1x16xf32>,
      %swap3A_216 = vector.shape_cast %swap3A_215 : vector<1x16xf32> to vector<16xf32>
      %swap3A_217 = vector.shape_cast %add3A_212 : vector<16xf32> to vector<1x16xf32>
      tpu.vector_store %arg10[%swap3A_213, %swap3A_214], %swap3A_217 {strides = array<i32>} : memref<64x384xf32, #tpu.memory_space<vmem>>, vector<1x16xf32>,
      %get3A_218 = arith.index_cast %scan3A_37 : i32 to index
      %get3A_219 = arith.constant 208 : index
      %get3A_220 = tpu.vector_load %arg10[%get3A_218, %get3A_219] {strides = array<i32>} : memref<64x384xf32, #tpu.memory_space<vmem>>, vector<1x16xf32>,
      %get3A_221 = vector.shape_cast %get3A_220 : vector<1x16xf32> to vector<16xf32>
      %get3A_222 = arith.index_cast %scan3A_37 : i32 to index
      %get3A_223 = arith.constant 208 : index
      %get3A_224 = tpu.vector_load %arg11[%get3A_222, %get3A_223] {strides = array<i32>} : memref<64x384xf32, #tpu.memory_space<vmem>>, vector<1x16xf32>,
      %get3A_225 = vector.shape_cast %get3A_224 : vector<1x16xf32> to vector<16xf32>
      %add3A_226 = arith.addf %get3A_221, %get3A_225 : vector<16xf32>
      %swap3A_227 = arith.index_cast %scan3A_37 : i32 to index
      %swap3A_228 = arith.constant 208 : index
      %swap3A_229 = tpu.vector_load %arg10[%swap3A_227, %swap3A_228] {strides = array<i32>} : memref<64x384xf32, #tpu.memory_space<vmem>>, vector<1x16xf32>,
      %swap3A_230 = vector.shape_cast %swap3A_229 : vector<1x16xf32> to vector<16xf32>
      %swap3A_231 = vector.shape_cast %add3A_226 : vector<16xf32> to vector<1x16xf32>
      tpu.vector_store %arg10[%swap3A_227, %swap3A_228], %swap3A_231 {strides = array<i32>} : memref<64x384xf32, #tpu.memory_space<vmem>>, vector<1x16xf32>,
      %get3A_232 = arith.index_cast %scan3A_37 : i32 to index
      %get3A_233 = arith.constant 224 : index
      %get3A_234 = tpu.vector_load %arg10[%get3A_232, %get3A_233] {strides = array<i32>} : memref<64x384xf32, #tpu.memory_space<vmem>>, vector<1x16xf32>,
      %get3A_235 = vector.shape_cast %get3A_234 : vector<1x16xf32> to vector<16xf32>
      %get3A_236 = arith.index_cast %scan3A_37 : i32 to index
      %get3A_237 = arith.constant 224 : index
      %get3A_238 = tpu.vector_load %arg11[%get3A_236, %get3A_237] {strides = array<i32>} : memref<64x384xf32, #tpu.memory_space<vmem>>, vector<1x16xf32>,
      %get3A_239 = vector.shape_cast %get3A_238 : vector<1x16xf32> to vector<16xf32>
      %add3A_240 = arith.addf %get3A_235, %get3A_239 : vector<16xf32>
      %swap3A_241 = arith.index_cast %scan3A_37 : i32 to index
      %swap3A_242 = arith.constant 224 : index
      %swap3A_243 = tpu.vector_load %arg10[%swap3A_241, %swap3A_242] {strides = array<i32>} : memref<64x384xf32, #tpu.memory_space<vmem>>, vector<1x16xf32>,
      %swap3A_244 = vector.shape_cast %swap3A_243 : vector<1x16xf32> to vector<16xf32>
      %swap3A_245 = vector.shape_cast %add3A_240 : vector<16xf32> to vector<1x16xf32>
      tpu.vector_store %arg10[%swap3A_241, %swap3A_242], %swap3A_245 {strides = array<i32>} : memref<64x384xf32, #tpu.memory_space<vmem>>, vector<1x16xf32>,
      %get3A_246 = arith.index_cast %scan3A_37 : i32 to index
      %get3A_247 = arith.constant 240 : index
      %get3A_248 = tpu.vector_load %arg10[%get3A_246, %get3A_247] {strides = array<i32>} : memref<64x384xf32, #tpu.memory_space<vmem>>, vector<1x16xf32>,
      %get3A_249 = vector.shape_cast %get3A_248 : vector<1x16xf32> to vector<16xf32>
      %get3A_250 = arith.index_cast %scan3A_37 : i32 to index
      %get3A_251 = arith.constant 240 : index
      %get3A_252 = tpu.vector_load %arg11[%get3A_250, %get3A_251] {strides = array<i32>} : memref<64x384xf32, #tpu.memory_space<vmem>>, vector<1x16xf32>,
      %get3A_253 = vector.shape_cast %get3A_252 : vector<1x16xf32> to vector<16xf32>
      %add3A_254 = arith.addf %get3A_249, %get3A_253 : vector<16xf32>
      %swap3A_255 = arith.index_cast %scan3A_37 : i32 to index
      %swap3A_256 = arith.constant 240 : index
      %swap3A_257 = tpu.vector_load %arg10[%swap3A_255, %swap3A_256] {strides = array<i32>} : memref<64x384xf32, #tpu.memory_space<vmem>>, vector<1x16xf32>,
      %swap3A_258 = vector.shape_cast %swap3A_257 : vector<1x16xf32> to vector<16xf32>
      %swap3A_259 = vector.shape_cast %add3A_254 : vector<16xf32> to vector<1x16xf32>
      tpu.vector_store %arg10[%swap3A_255, %swap3A_256], %swap3A_259 {strides = array<i32>} : memref<64x384xf32, #tpu.memory_space<vmem>>, vector<1x16xf32>,
      %get3A_260 = arith.index_cast %scan3A_37 : i32 to index
      %get3A_261 = arith.constant 256 : index
      %get3A_262 = tpu.vector_load %arg10[%get3A_260, %get3A_261] {strides = array<i32>} : memref<64x384xf32, #tpu.memory_space<vmem>>, vector<1x16xf32>,
      %get3A_263 = vector.shape_cast %get3A_262 : vector<1x16xf32> to vector<16xf32>
      %get3A_264 = arith.index_cast %scan3A_37 : i32 to index
      %get3A_265 = arith.constant 256 : index
      %get3A_266 = tpu.vector_load %arg11[%get3A_264, %get3A_265] {strides = array<i32>} : memref<64x384xf32, #tpu.memory_space<vmem>>, vector<1x16xf32>,
      %get3A_267 = vector.shape_cast %get3A_266 : vector<1x16xf32> to vector<16xf32>
      %add3A_268 = arith.addf %get3A_263, %get3A_267 : vector<16xf32>
      %swap3A_269 = arith.index_cast %scan3A_37 : i32 to index
      %swap3A_270 = arith.constant 256 : index
      %swap3A_271 = tpu.vector_load %arg10[%swap3A_269, %swap3A_270] {strides = array<i32>} : memref<64x384xf32, #tpu.memory_space<vmem>>, vector<1x16xf32>,
      %swap3A_272 = vector.shape_cast %swap3A_271 : vector<1x16xf32> to vector<16xf32>
      %swap3A_273 = vector.shape_cast %add3A_268 : vector<16xf32> to vector<1x16xf32>
      tpu.vector_store %arg10[%swap3A_269, %swap3A_270], %swap3A_273 {strides = array<i32>} : memref<64x384xf32, #tpu.memory_space<vmem>>, vector<1x16xf32>,
      %get3A_274 = arith.index_cast %scan3A_37 : i32 to index
      %get3A_275 = arith.constant 272 : index
      %get3A_276 = tpu.vector_load %arg10[%get3A_274, %get3A_275] {strides = array<i32>} : memref<64x384xf32, #tpu.memory_space<vmem>>, vector<1x16xf32>,
      %get3A_277 = vector.shape_cast %get3A_276 : vector<1x16xf32> to vector<16xf32>
      %get3A_278 = arith.index_cast %scan3A_37 : i32 to index
      %get3A_279 = arith.constant 272 : index
      %get3A_280 = tpu.vector_load %arg11[%get3A_278, %get3A_279] {strides = array<i32>} : memref<64x384xf32, #tpu.memory_space<vmem>>, vector<1x16xf32>,
      %get3A_281 = vector.shape_cast %get3A_280 : vector<1x16xf32> to vector<16xf32>
      %add3A_282 = arith.addf %get3A_277, %get3A_281 : vector<16xf32>
      %swap3A_283 = arith.index_cast %scan3A_37 : i32 to index
      %swap3A_284 = arith.constant 272 : index
      %swap3A_285 = tpu.vector_load %arg10[%swap3A_283, %swap3A_284] {strides = array<i32>} : memref<64x384xf32, #tpu.memory_space<vmem>>, vector<1x16xf32>,
      %swap3A_286 = vector.shape_cast %swap3A_285 : vector<1x16xf32> to vector<16xf32>
      %swap3A_287 = vector.shape_cast %add3A_282 : vector<16xf32> to vector<1x16xf32>
      tpu.vector_store %arg10[%swap3A_283, %swap3A_284], %swap3A_287 {strides = array<i32>} : memref<64x384xf32, #tpu.memory_space<vmem>>, vector<1x16xf32>,
      %get3A_288 = arith.index_cast %scan3A_37 : i32 to index
      %get3A_289 = arith.constant 288 : index
      %get3A_290 = tpu.vector_load %arg10[%get3A_288, %get3A_289] {strides = array<i32>} : memref<64x384xf32, #tpu.memory_space<vmem>>, vector<1x16xf32>,
      %get3A_291 = vector.shape_cast %get3A_290 : vector<1x16xf32> to vector<16xf32>
      %get3A_292 = arith.index_cast %scan3A_37 : i32 to index
      %get3A_293 = arith.constant 288 : index
      %get3A_294 = tpu.vector_load %arg11[%get3A_292, %get3A_293] {strides = array<i32>} : memref<64x384xf32, #tpu.memory_space<vmem>>, vector<1x16xf32>,
      %get3A_295 = vector.shape_cast %get3A_294 : vector<1x16xf32> to vector<16xf32>
      %add3A_296 = arith.addf %get3A_291, %get3A_295 : vector<16xf32>
      %swap3A_297 = arith.index_cast %scan3A_37 : i32 to index
      %swap3A_298 = arith.constant 288 : index
      %swap3A_299 = tpu.vector_load %arg10[%swap3A_297, %swap3A_298] {strides = array<i32>} : memref<64x384xf32, #tpu.memory_space<vmem>>, vector<1x16xf32>,
      %swap3A_300 = vector.shape_cast %swap3A_299 : vector<1x16xf32> to vector<16xf32>
      %swap3A_301 = vector.shape_cast %add3A_296 : vector<16xf32> to vector<1x16xf32>
      tpu.vector_store %arg10[%swap3A_297, %swap3A_298], %swap3A_301 {strides = array<i32>} : memref<64x384xf32, #tpu.memory_space<vmem>>, vector<1x16xf32>,
      %get3A_302 = arith.index_cast %scan3A_37 : i32 to index
      %get3A_303 = arith.constant 304 : index
      %get3A_304 = tpu.vector_load %arg10[%get3A_302, %get3A_303] {strides = array<i32>} : memref<64x384xf32, #tpu.memory_space<vmem>>, vector<1x16xf32>,
      %get3A_305 = vector.shape_cast %get3A_304 : vector<1x16xf32> to vector<16xf32>
      %get3A_306 = arith.index_cast %scan3A_37 : i32 to index
      %get3A_307 = arith.constant 304 : index
      %get3A_308 = tpu.vector_load %arg11[%get3A_306, %get3A_307] {strides = array<i32>} : memref<64x384xf32, #tpu.memory_space<vmem>>, vector<1x16xf32>,
      %get3A_309 = vector.shape_cast %get3A_308 : vector<1x16xf32> to vector<16xf32>
      %add3A_310 = arith.addf %get3A_305, %get3A_309 : vector<16xf32>
      %swap3A_311 = arith.index_cast %scan3A_37 : i32 to index
      %swap3A_312 = arith.constant 304 : index
      %swap3A_313 = tpu.vector_load %arg10[%swap3A_311, %swap3A_312] {strides = array<i32>} : memref<64x384xf32, #tpu.memory_space<vmem>>, vector<1x16xf32>,
      %swap3A_314 = vector.shape_cast %swap3A_313 : vector<1x16xf32> to vector<16xf32>
      %swap3A_315 = vector.shape_cast %add3A_310 : vector<16xf32> to vector<1x16xf32>
      tpu.vector_store %arg10[%swap3A_311, %swap3A_312], %swap3A_315 {strides = array<i32>} : memref<64x384xf32, #tpu.memory_space<vmem>>, vector<1x16xf32>,
      %get3A_316 = arith.index_cast %scan3A_37 : i32 to index
      %get3A_317 = arith.constant 320 : index
      %get3A_318 = tpu.vector_load %arg10[%get3A_316, %get3A_317] {strides = array<i32>} : memref<64x384xf32, #tpu.memory_space<vmem>>, vector<1x16xf32>,
      %get3A_319 = vector.shape_cast %get3A_318 : vector<1x16xf32> to vector<16xf32>
      %get3A_320 = arith.index_cast %scan3A_37 : i32 to index
      %get3A_321 = arith.constant 320 : index
      %get3A_322 = tpu.vector_load %arg11[%get3A_320, %get3A_321] {strides = array<i32>} : memref<64x384xf32, #tpu.memory_space<vmem>>, vector<1x16xf32>,
      %get3A_323 = vector.shape_cast %get3A_322 : vector<1x16xf32> to vector<16xf32>
      %add3A_324 = arith.addf %get3A_319, %get3A_323 : vector<16xf32>
      %swap3A_325 = arith.index_cast %scan3A_37 : i32 to index
      %swap3A_326 = arith.constant 320 : index
      %swap3A_327 = tpu.vector_load %arg10[%swap3A_325, %swap3A_326] {strides = array<i32>} : memref<64x384xf32, #tpu.memory_space<vmem>>, vector<1x16xf32>,
      %swap3A_328 = vector.shape_cast %swap3A_327 : vector<1x16xf32> to vector<16xf32>
      %swap3A_329 = vector.shape_cast %add3A_324 : vector<16xf32> to vector<1x16xf32>
      tpu.vector_store %arg10[%swap3A_325, %swap3A_326], %swap3A_329 {strides = array<i32>} : memref<64x384xf32, #tpu.memory_space<vmem>>, vector<1x16xf32>,
      %get3A_330 = arith.index_cast %scan3A_37 : i32 to index
      %get3A_331 = arith.constant 336 : index
      %get3A_332 = tpu.vector_load %arg10[%get3A_330, %get3A_331] {strides = array<i32>} : memref<64x384xf32, #tpu.memory_space<vmem>>, vector<1x16xf32>,
      %get3A_333 = vector.shape_cast %get3A_332 : vector<1x16xf32> to vector<16xf32>
      %get3A_334 = arith.index_cast %scan3A_37 : i32 to index
      %get3A_335 = arith.constant 336 : index
      %get3A_336 = tpu.vector_load %arg11[%get3A_334, %get3A_335] {strides = array<i32>} : memref<64x384xf32, #tpu.memory_space<vmem>>, vector<1x16xf32>,
      %get3A_337 = vector.shape_cast %get3A_336 : vector<1x16xf32> to vector<16xf32>
      %add3A_338 = arith.addf %get3A_333, %get3A_337 : vector<16xf32>
      %swap3A_339 = arith.index_cast %scan3A_37 : i32 to index
      %swap3A_340 = arith.constant 336 : index
      %swap3A_341 = tpu.vector_load %arg10[%swap3A_339, %swap3A_340] {strides = array<i32>} : memref<64x384xf32, #tpu.memory_space<vmem>>, vector<1x16xf32>,
      %swap3A_342 = vector.shape_cast %swap3A_341 : vector<1x16xf32> to vector<16xf32>
      %swap3A_343 = vector.shape_cast %add3A_338 : vector<16xf32> to vector<1x16xf32>
      tpu.vector_store %arg10[%swap3A_339, %swap3A_340], %swap3A_343 {strides = array<i32>} : memref<64x384xf32, #tpu.memory_space<vmem>>, vector<1x16xf32>,
      %get3A_344 = arith.index_cast %scan3A_37 : i32 to index
      %get3A_345 = arith.constant 352 : index
      %get3A_346 = tpu.vector_load %arg10[%get3A_344, %get3A_345] {strides = array<i32>} : memref<64x384xf32, #tpu.memory_space<vmem>>, vector<1x16xf32>,
      %get3A_347 = vector.shape_cast %get3A_346 : vector<1x16xf32> to vector<16xf32>
      %get3A_348 = arith.index_cast %scan3A_37 : i32 to index
      %get3A_349 = arith.constant 352 : index
      %get3A_350 = tpu.vector_load %arg11[%get3A_348, %get3A_349] {strides = array<i32>} : memref<64x384xf32, #tpu.memory_space<vmem>>, vector<1x16xf32>,
      %get3A_351 = vector.shape_cast %get3A_350 : vector<1x16xf32> to vector<16xf32>
      %add3A_352 = arith.addf %get3A_347, %get3A_351 : vector<16xf32>
      %swap3A_353 = arith.index_cast %scan3A_37 : i32 to index
      %swap3A_354 = arith.constant 352 : index
      %swap3A_355 = tpu.vector_load %arg10[%swap3A_353, %swap3A_354] {strides = array<i32>} : memref<64x384xf32, #tpu.memory_space<vmem>>, vector<1x16xf32>,
      %swap3A_356 = vector.shape_cast %swap3A_355 : vector<1x16xf32> to vector<16xf32>
      %swap3A_357 = vector.shape_cast %add3A_352 : vector<16xf32> to vector<1x16xf32>
      tpu.vector_store %arg10[%swap3A_353, %swap3A_354], %swap3A_357 {strides = array<i32>} : memref<64x384xf32, #tpu.memory_space<vmem>>, vector<1x16xf32>,
      %get3A_358 = arith.index_cast %scan3A_37 : i32 to index
      %get3A_359 = arith.constant 368 : index
      %get3A_360 = tpu.vector_load %arg10[%get3A_358, %get3A_359] {strides = array<i32>} : memref<64x384xf32, #tpu.memory_space<vmem>>, vector<1x16xf32>,
      %get3A_361 = vector.shape_cast %get3A_360 : vector<1x16xf32> to vector<16xf32>
      %get3A_362 = arith.index_cast %scan3A_37 : i32 to index
      %get3A_363 = arith.constant 368 : index
      %get3A_364 = tpu.vector_load %arg11[%get3A_362, %get3A_363] {strides = array<i32>} : memref<64x384xf32, #tpu.memory_space<vmem>>, vector<1x16xf32>,
      %get3A_365 = vector.shape_cast %get3A_364 : vector<1x16xf32> to vector<16xf32>
      %add3A_366 = arith.addf %get3A_361, %get3A_365 : vector<16xf32>
      %swap3A_367 = arith.index_cast %scan3A_37 : i32 to index
      %swap3A_368 = arith.constant 368 : index
      %swap3A_369 = tpu.vector_load %arg10[%swap3A_367, %swap3A_368] {strides = array<i32>} : memref<64x384xf32, #tpu.memory_space<vmem>>, vector<1x16xf32>,
      %swap3A_370 = vector.shape_cast %swap3A_369 : vector<1x16xf32> to vector<16xf32>
      %swap3A_371 = vector.shape_cast %add3A_366 : vector<16xf32> to vector<1x16xf32>
      tpu.vector_store %arg10[%swap3A_367, %swap3A_368], %swap3A_371 {strides = array<i32>} : memref<64x384xf32, #tpu.memory_space<vmem>>, vector<1x16xf32>,
    }
    %scan3A_11 = arith.constant 64 : i32
    "tpu.region"() ({
      %run_scoped3A = tpu.sem_alloc : memref<!tpu.dma_semaphore, #tpu.memory_space<semaphore_mem>>
      %dma_start3A = arith.constant 0 : i32
      %dma_start3A_37 = arith.constant 0 : i32
      %dma_start3A_38 = tpu.memref_slice %arg2[%dma_start3A, %dma_start3A_37] : memref<4104x384xf32, #tpu.memory_space<hbm>> -> memref<4104x384xf32, #tpu.memory_space<hbm>>
      tpu.enqueue_indirect_dma source(%dma_start3A_38 : memref<4104x384xf32, #tpu.memory_space<hbm>>) target(%arg11 : memref<64x384xf32, #tpu.memory_space<vmem>>) offsets(%arg9 : memref<64xi32, #tpu.memory_space<vmem>>) semaphore(%run_scoped3A : memref<!tpu.dma_semaphore, #tpu.memory_space<semaphore_mem>>)
      %dma_wait3A = arith.constant 0 : i32
      %dma_wait3A_39 = arith.constant 0 : i32
      %dma_wait3A_40 = tpu.memref_slice %arg2[%dma_wait3A, %dma_wait3A_39] : memref<4104x384xf32, #tpu.memory_space<hbm>> -> memref<4104x384xf32, #tpu.memory_space<hbm>>
      tpu.wait_indirect_dma semaphore(%run_scoped3A : memref<!tpu.dma_semaphore, #tpu.memory_space<semaphore_mem>>) src(%dma_wait3A_40 : memref<4104x384xf32, #tpu.memory_space<hbm>>) dst(%arg11 : memref<64x384xf32, #tpu.memory_space<vmem>>)
      tpu.yield
    }) : () -> ()
    %scan3A_12 = arith.constant 0 : i32
    %scan3A_13 = arith.constant 0 : i32
    %scan3A_14 = arith.constant 64 : i32
    %scan3A_15 = arith.addi %scan3A_13, %scan3A_14 : i32
    %scan3A_16 = arith.constant 1 : i32
    scf.for %scan3A_37 = %scan3A_13 to %scan3A_15 step %scan3A_16  : i32 {
      %get3A = arith.index_cast %scan3A_37 : i32 to index
      %get3A_38 = arith.constant 0 : index
      %get3A_39 = tpu.vector_load %arg10[%get3A, %get3A_38] {strides = array<i32>} : memref<64x384xf32, #tpu.memory_space<vmem>>, vector<1x16xf32>,
      %get3A_40 = vector.shape_cast %get3A_39 : vector<1x16xf32> to vector<16xf32>
      %get3A_41 = arith.index_cast %scan3A_37 : i32 to index
      %get3A_42 = arith.constant 0 : index
      %get3A_43 = tpu.vector_load %arg11[%get3A_41, %get3A_42] {strides = array<i32>} : memref<64x384xf32, #tpu.memory_space<vmem>>, vector<1x16xf32>,
      %get3A_44 = vector.shape_cast %get3A_43 : vector<1x16xf32> to vector<16xf32>
      %add3A_45 = arith.addf %get3A_40, %get3A_44 : vector<16xf32>
      %swap3A = arith.index_cast %scan3A_37 : i32 to index
      %swap3A_46 = arith.constant 0 : index
      %swap3A_47 = tpu.vector_load %arg10[%swap3A, %swap3A_46] {strides = array<i32>} : memref<64x384xf32, #tpu.memory_space<vmem>>, vector<1x16xf32>,
      %swap3A_48 = vector.shape_cast %swap3A_47 : vector<1x16xf32> to vector<16xf32>
      %swap3A_49 = vector.shape_cast %add3A_45 : vector<16xf32> to vector<1x16xf32>
      tpu.vector_store %arg10[%swap3A, %swap3A_46], %swap3A_49 {strides = array<i32>} : memref<64x384xf32, #tpu.memory_space<vmem>>, vector<1x16xf32>,
      %get3A_50 = arith.index_cast %scan3A_37 : i32 to index
      %get3A_51 = arith.constant 16 : index
      %get3A_52 = tpu.vector_load %arg10[%get3A_50, %get3A_51] {strides = array<i32>} : memref<64x384xf32, #tpu.memory_space<vmem>>, vector<1x16xf32>,
      %get3A_53 = vector.shape_cast %get3A_52 : vector<1x16xf32> to vector<16xf32>
      %get3A_54 = arith.index_cast %scan3A_37 : i32 to index
      %get3A_55 = arith.constant 16 : index
      %get3A_56 = tpu.vector_load %arg11[%get3A_54, %get3A_55] {strides = array<i32>} : memref<64x384xf32, #tpu.memory_space<vmem>>, vector<1x16xf32>,
      %get3A_57 = vector.shape_cast %get3A_56 : vector<1x16xf32> to vector<16xf32>
      %add3A_58 = arith.addf %get3A_53, %get3A_57 : vector<16xf32>
      %swap3A_59 = arith.index_cast %scan3A_37 : i32 to index
      %swap3A_60 = arith.constant 16 : index
      %swap3A_61 = tpu.vector_load %arg10[%swap3A_59, %swap3A_60] {strides = array<i32>} : memref<64x384xf32, #tpu.memory_space<vmem>>, vector<1x16xf32>,
      %swap3A_62 = vector.shape_cast %swap3A_61 : vector<1x16xf32> to vector<16xf32>
      %swap3A_63 = vector.shape_cast %add3A_58 : vector<16xf32> to vector<1x16xf32>
      tpu.vector_store %arg10[%swap3A_59, %swap3A_60], %swap3A_63 {strides = array<i32>} : memref<64x384xf32, #tpu.memory_space<vmem>>, vector<1x16xf32>,
      %get3A_64 = arith.index_cast %scan3A_37 : i32 to index
      %get3A_65 = arith.constant 32 : index
      %get3A_66 = tpu.vector_load %arg10[%get3A_64, %get3A_65] {strides = array<i32>} : memref<64x384xf32, #tpu.memory_space<vmem>>, vector<1x16xf32>,
      %get3A_67 = vector.shape_cast %get3A_66 : vector<1x16xf32> to vector<16xf32>
      %get3A_68 = arith.index_cast %scan3A_37 : i32 to index
      %get3A_69 = arith.constant 32 : index
      %get3A_70 = tpu.vector_load %arg11[%get3A_68, %get3A_69] {strides = array<i32>} : memref<64x384xf32, #tpu.memory_space<vmem>>, vector<1x16xf32>,
      %get3A_71 = vector.shape_cast %get3A_70 : vector<1x16xf32> to vector<16xf32>
      %add3A_72 = arith.addf %get3A_67, %get3A_71 : vector<16xf32>
      %swap3A_73 = arith.index_cast %scan3A_37 : i32 to index
      %swap3A_74 = arith.constant 32 : index
      %swap3A_75 = tpu.vector_load %arg10[%swap3A_73, %swap3A_74] {strides = array<i32>} : memref<64x384xf32, #tpu.memory_space<vmem>>, vector<1x16xf32>,
      %swap3A_76 = vector.shape_cast %swap3A_75 : vector<1x16xf32> to vector<16xf32>
      %swap3A_77 = vector.shape_cast %add3A_72 : vector<16xf32> to vector<1x16xf32>
      tpu.vector_store %arg10[%swap3A_73, %swap3A_74], %swap3A_77 {strides = array<i32>} : memref<64x384xf32, #tpu.memory_space<vmem>>, vector<1x16xf32>,
      %get3A_78 = arith.index_cast %scan3A_37 : i32 to index
      %get3A_79 = arith.constant 48 : index
      %get3A_80 = tpu.vector_load %arg10[%get3A_78, %get3A_79] {strides = array<i32>} : memref<64x384xf32, #tpu.memory_space<vmem>>, vector<1x16xf32>,
      %get3A_81 = vector.shape_cast %get3A_80 : vector<1x16xf32> to vector<16xf32>
      %get3A_82 = arith.index_cast %scan3A_37 : i32 to index
      %get3A_83 = arith.constant 48 : index
      %get3A_84 = tpu.vector_load %arg11[%get3A_82, %get3A_83] {strides = array<i32>} : memref<64x384xf32, #tpu.memory_space<vmem>>, vector<1x16xf32>,
      %get3A_85 = vector.shape_cast %get3A_84 : vector<1x16xf32> to vector<16xf32>
      %add3A_86 = arith.addf %get3A_81, %get3A_85 : vector<16xf32>
      %swap3A_87 = arith.index_cast %scan3A_37 : i32 to index
      %swap3A_88 = arith.constant 48 : index
      %swap3A_89 = tpu.vector_load %arg10[%swap3A_87, %swap3A_88] {strides = array<i32>} : memref<64x384xf32, #tpu.memory_space<vmem>>, vector<1x16xf32>,
      %swap3A_90 = vector.shape_cast %swap3A_89 : vector<1x16xf32> to vector<16xf32>
      %swap3A_91 = vector.shape_cast %add3A_86 : vector<16xf32> to vector<1x16xf32>
      tpu.vector_store %arg10[%swap3A_87, %swap3A_88], %swap3A_91 {strides = array<i32>} : memref<64x384xf32, #tpu.memory_space<vmem>>, vector<1x16xf32>,
      %get3A_92 = arith.index_cast %scan3A_37 : i32 to index
      %get3A_93 = arith.constant 64 : index
      %get3A_94 = tpu.vector_load %arg10[%get3A_92, %get3A_93] {strides = array<i32>} : memref<64x384xf32, #tpu.memory_space<vmem>>, vector<1x16xf32>,
      %get3A_95 = vector.shape_cast %get3A_94 : vector<1x16xf32> to vector<16xf32>
      %get3A_96 = arith.index_cast %scan3A_37 : i32 to index
      %get3A_97 = arith.constant 64 : index
      %get3A_98 = tpu.vector_load %arg11[%get3A_96, %get3A_97] {strides = array<i32>} : memref<64x384xf32, #tpu.memory_space<vmem>>, vector<1x16xf32>,
      %get3A_99 = vector.shape_cast %get3A_98 : vector<1x16xf32> to vector<16xf32>
      %add3A_100 = arith.addf %get3A_95, %get3A_99 : vector<16xf32>
      %swap3A_101 = arith.index_cast %scan3A_37 : i32 to index
      %swap3A_102 = arith.constant 64 : index
      %swap3A_103 = tpu.vector_load %arg10[%swap3A_101, %swap3A_102] {strides = array<i32>} : memref<64x384xf32, #tpu.memory_space<vmem>>, vector<1x16xf32>,
      %swap3A_104 = vector.shape_cast %swap3A_103 : vector<1x16xf32> to vector<16xf32>
      %swap3A_105 = vector.shape_cast %add3A_100 : vector<16xf32> to vector<1x16xf32>
      tpu.vector_store %arg10[%swap3A_101, %swap3A_102], %swap3A_105 {strides = array<i32>} : memref<64x384xf32, #tpu.memory_space<vmem>>, vector<1x16xf32>,
      %get3A_106 = arith.index_cast %scan3A_37 : i32 to index
      %get3A_107 = arith.constant 80 : index
      %get3A_108 = tpu.vector_load %arg10[%get3A_106, %get3A_107] {strides = array<i32>} : memref<64x384xf32, #tpu.memory_space<vmem>>, vector<1x16xf32>,
      %get3A_109 = vector.shape_cast %get3A_108 : vector<1x16xf32> to vector<16xf32>
      %get3A_110 = arith.index_cast %scan3A_37 : i32 to index
      %get3A_111 = arith.constant 80 : index
      %get3A_112 = tpu.vector_load %arg11[%get3A_110, %get3A_111] {strides = array<i32>} : memref<64x384xf32, #tpu.memory_space<vmem>>, vector<1x16xf32>,
      %get3A_113 = vector.shape_cast %get3A_112 : vector<1x16xf32> to vector<16xf32>
      %add3A_114 = arith.addf %get3A_109, %get3A_113 : vector<16xf32>
      %swap3A_115 = arith.index_cast %scan3A_37 : i32 to index
      %swap3A_116 = arith.constant 80 : index
      %swap3A_117 = tpu.vector_load %arg10[%swap3A_115, %swap3A_116] {strides = array<i32>} : memref<64x384xf32, #tpu.memory_space<vmem>>, vector<1x16xf32>,
      %swap3A_118 = vector.shape_cast %swap3A_117 : vector<1x16xf32> to vector<16xf32>
      %swap3A_119 = vector.shape_cast %add3A_114 : vector<16xf32> to vector<1x16xf32>
      tpu.vector_store %arg10[%swap3A_115, %swap3A_116], %swap3A_119 {strides = array<i32>} : memref<64x384xf32, #tpu.memory_space<vmem>>, vector<1x16xf32>,
      %get3A_120 = arith.index_cast %scan3A_37 : i32 to index
      %get3A_121 = arith.constant 96 : index
      %get3A_122 = tpu.vector_load %arg10[%get3A_120, %get3A_121] {strides = array<i32>} : memref<64x384xf32, #tpu.memory_space<vmem>>, vector<1x16xf32>,
      %get3A_123 = vector.shape_cast %get3A_122 : vector<1x16xf32> to vector<16xf32>
      %get3A_124 = arith.index_cast %scan3A_37 : i32 to index
      %get3A_125 = arith.constant 96 : index
      %get3A_126 = tpu.vector_load %arg11[%get3A_124, %get3A_125] {strides = array<i32>} : memref<64x384xf32, #tpu.memory_space<vmem>>, vector<1x16xf32>,
      %get3A_127 = vector.shape_cast %get3A_126 : vector<1x16xf32> to vector<16xf32>
      %add3A_128 = arith.addf %get3A_123, %get3A_127 : vector<16xf32>
      %swap3A_129 = arith.index_cast %scan3A_37 : i32 to index
      %swap3A_130 = arith.constant 96 : index
      %swap3A_131 = tpu.vector_load %arg10[%swap3A_129, %swap3A_130] {strides = array<i32>} : memref<64x384xf32, #tpu.memory_space<vmem>>, vector<1x16xf32>,
      %swap3A_132 = vector.shape_cast %swap3A_131 : vector<1x16xf32> to vector<16xf32>
      %swap3A_133 = vector.shape_cast %add3A_128 : vector<16xf32> to vector<1x16xf32>
      tpu.vector_store %arg10[%swap3A_129, %swap3A_130], %swap3A_133 {strides = array<i32>} : memref<64x384xf32, #tpu.memory_space<vmem>>, vector<1x16xf32>,
      %get3A_134 = arith.index_cast %scan3A_37 : i32 to index
      %get3A_135 = arith.constant 112 : index
      %get3A_136 = tpu.vector_load %arg10[%get3A_134, %get3A_135] {strides = array<i32>} : memref<64x384xf32, #tpu.memory_space<vmem>>, vector<1x16xf32>,
      %get3A_137 = vector.shape_cast %get3A_136 : vector<1x16xf32> to vector<16xf32>
      %get3A_138 = arith.index_cast %scan3A_37 : i32 to index
      %get3A_139 = arith.constant 112 : index
      %get3A_140 = tpu.vector_load %arg11[%get3A_138, %get3A_139] {strides = array<i32>} : memref<64x384xf32, #tpu.memory_space<vmem>>, vector<1x16xf32>,
      %get3A_141 = vector.shape_cast %get3A_140 : vector<1x16xf32> to vector<16xf32>
      %add3A_142 = arith.addf %get3A_137, %get3A_141 : vector<16xf32>
      %swap3A_143 = arith.index_cast %scan3A_37 : i32 to index
      %swap3A_144 = arith.constant 112 : index
      %swap3A_145 = tpu.vector_load %arg10[%swap3A_143, %swap3A_144] {strides = array<i32>} : memref<64x384xf32, #tpu.memory_space<vmem>>, vector<1x16xf32>,
      %swap3A_146 = vector.shape_cast %swap3A_145 : vector<1x16xf32> to vector<16xf32>
      %swap3A_147 = vector.shape_cast %add3A_142 : vector<16xf32> to vector<1x16xf32>
      tpu.vector_store %arg10[%swap3A_143, %swap3A_144], %swap3A_147 {strides = array<i32>} : memref<64x384xf32, #tpu.memory_space<vmem>>, vector<1x16xf32>,
      %get3A_148 = arith.index_cast %scan3A_37 : i32 to index
      %get3A_149 = arith.constant 128 : index
      %get3A_150 = tpu.vector_load %arg10[%get3A_148, %get3A_149] {strides = array<i32>} : memref<64x384xf32, #tpu.memory_space<vmem>>, vector<1x16xf32>,
      %get3A_151 = vector.shape_cast %get3A_150 : vector<1x16xf32> to vector<16xf32>
      %get3A_152 = arith.index_cast %scan3A_37 : i32 to index
      %get3A_153 = arith.constant 128 : index
      %get3A_154 = tpu.vector_load %arg11[%get3A_152, %get3A_153] {strides = array<i32>} : memref<64x384xf32, #tpu.memory_space<vmem>>, vector<1x16xf32>,
      %get3A_155 = vector.shape_cast %get3A_154 : vector<1x16xf32> to vector<16xf32>
      %add3A_156 = arith.addf %get3A_151, %get3A_155 : vector<16xf32>
      %swap3A_157 = arith.index_cast %scan3A_37 : i32 to index
      %swap3A_158 = arith.constant 128 : index
      %swap3A_159 = tpu.vector_load %arg10[%swap3A_157, %swap3A_158] {strides = array<i32>} : memref<64x384xf32, #tpu.memory_space<vmem>>, vector<1x16xf32>,
      %swap3A_160 = vector.shape_cast %swap3A_159 : vector<1x16xf32> to vector<16xf32>
      %swap3A_161 = vector.shape_cast %add3A_156 : vector<16xf32> to vector<1x16xf32>
      tpu.vector_store %arg10[%swap3A_157, %swap3A_158], %swap3A_161 {strides = array<i32>} : memref<64x384xf32, #tpu.memory_space<vmem>>, vector<1x16xf32>,
      %get3A_162 = arith.index_cast %scan3A_37 : i32 to index
      %get3A_163 = arith.constant 144 : index
      %get3A_164 = tpu.vector_load %arg10[%get3A_162, %get3A_163] {strides = array<i32>} : memref<64x384xf32, #tpu.memory_space<vmem>>, vector<1x16xf32>,
      %get3A_165 = vector.shape_cast %get3A_164 : vector<1x16xf32> to vector<16xf32>
      %get3A_166 = arith.index_cast %scan3A_37 : i32 to index
      %get3A_167 = arith.constant 144 : index
      %get3A_168 = tpu.vector_load %arg11[%get3A_166, %get3A_167] {strides = array<i32>} : memref<64x384xf32, #tpu.memory_space<vmem>>, vector<1x16xf32>,
      %get3A_169 = vector.shape_cast %get3A_168 : vector<1x16xf32> to vector<16xf32>
      %add3A_170 = arith.addf %get3A_165, %get3A_169 : vector<16xf32>
      %swap3A_171 = arith.index_cast %scan3A_37 : i32 to index
      %swap3A_172 = arith.constant 144 : index
      %swap3A_173 = tpu.vector_load %arg10[%swap3A_171, %swap3A_172] {strides = array<i32>} : memref<64x384xf32, #tpu.memory_space<vmem>>, vector<1x16xf32>,
      %swap3A_174 = vector.shape_cast %swap3A_173 : vector<1x16xf32> to vector<16xf32>
      %swap3A_175 = vector.shape_cast %add3A_170 : vector<16xf32> to vector<1x16xf32>
      tpu.vector_store %arg10[%swap3A_171, %swap3A_172], %swap3A_175 {strides = array<i32>} : memref<64x384xf32, #tpu.memory_space<vmem>>, vector<1x16xf32>,
      %get3A_176 = arith.index_cast %scan3A_37 : i32 to index
      %get3A_177 = arith.constant 160 : index
      %get3A_178 = tpu.vector_load %arg10[%get3A_176, %get3A_177] {strides = array<i32>} : memref<64x384xf32, #tpu.memory_space<vmem>>, vector<1x16xf32>,
      %get3A_179 = vector.shape_cast %get3A_178 : vector<1x16xf32> to vector<16xf32>
      %get3A_180 = arith.index_cast %scan3A_37 : i32 to index
      %get3A_181 = arith.constant 160 : index
      %get3A_182 = tpu.vector_load %arg11[%get3A_180, %get3A_181] {strides = array<i32>} : memref<64x384xf32, #tpu.memory_space<vmem>>, vector<1x16xf32>,
      %get3A_183 = vector.shape_cast %get3A_182 : vector<1x16xf32> to vector<16xf32>
      %add3A_184 = arith.addf %get3A_179, %get3A_183 : vector<16xf32>
      %swap3A_185 = arith.index_cast %scan3A_37 : i32 to index
      %swap3A_186 = arith.constant 160 : index
      %swap3A_187 = tpu.vector_load %arg10[%swap3A_185, %swap3A_186] {strides = array<i32>} : memref<64x384xf32, #tpu.memory_space<vmem>>, vector<1x16xf32>,
      %swap3A_188 = vector.shape_cast %swap3A_187 : vector<1x16xf32> to vector<16xf32>
      %swap3A_189 = vector.shape_cast %add3A_184 : vector<16xf32> to vector<1x16xf32>
      tpu.vector_store %arg10[%swap3A_185, %swap3A_186], %swap3A_189 {strides = array<i32>} : memref<64x384xf32, #tpu.memory_space<vmem>>, vector<1x16xf32>,
      %get3A_190 = arith.index_cast %scan3A_37 : i32 to index
      %get3A_191 = arith.constant 176 : index
      %get3A_192 = tpu.vector_load %arg10[%get3A_190, %get3A_191] {strides = array<i32>} : memref<64x384xf32, #tpu.memory_space<vmem>>, vector<1x16xf32>,
      %get3A_193 = vector.shape_cast %get3A_192 : vector<1x16xf32> to vector<16xf32>
      %get3A_194 = arith.index_cast %scan3A_37 : i32 to index
      %get3A_195 = arith.constant 176 : index
      %get3A_196 = tpu.vector_load %arg11[%get3A_194, %get3A_195] {strides = array<i32>} : memref<64x384xf32, #tpu.memory_space<vmem>>, vector<1x16xf32>,
      %get3A_197 = vector.shape_cast %get3A_196 : vector<1x16xf32> to vector<16xf32>
      %add3A_198 = arith.addf %get3A_193, %get3A_197 : vector<16xf32>
      %swap3A_199 = arith.index_cast %scan3A_37 : i32 to index
      %swap3A_200 = arith.constant 176 : index
      %swap3A_201 = tpu.vector_load %arg10[%swap3A_199, %swap3A_200] {strides = array<i32>} : memref<64x384xf32, #tpu.memory_space<vmem>>, vector<1x16xf32>,
      %swap3A_202 = vector.shape_cast %swap3A_201 : vector<1x16xf32> to vector<16xf32>
      %swap3A_203 = vector.shape_cast %add3A_198 : vector<16xf32> to vector<1x16xf32>
      tpu.vector_store %arg10[%swap3A_199, %swap3A_200], %swap3A_203 {strides = array<i32>} : memref<64x384xf32, #tpu.memory_space<vmem>>, vector<1x16xf32>,
      %get3A_204 = arith.index_cast %scan3A_37 : i32 to index
      %get3A_205 = arith.constant 192 : index
      %get3A_206 = tpu.vector_load %arg10[%get3A_204, %get3A_205] {strides = array<i32>} : memref<64x384xf32, #tpu.memory_space<vmem>>, vector<1x16xf32>,
      %get3A_207 = vector.shape_cast %get3A_206 : vector<1x16xf32> to vector<16xf32>
      %get3A_208 = arith.index_cast %scan3A_37 : i32 to index
      %get3A_209 = arith.constant 192 : index
      %get3A_210 = tpu.vector_load %arg11[%get3A_208, %get3A_209] {strides = array<i32>} : memref<64x384xf32, #tpu.memory_space<vmem>>, vector<1x16xf32>,
      %get3A_211 = vector.shape_cast %get3A_210 : vector<1x16xf32> to vector<16xf32>
      %add3A_212 = arith.addf %get3A_207, %get3A_211 : vector<16xf32>
      %swap3A_213 = arith.index_cast %scan3A_37 : i32 to index
      %swap3A_214 = arith.constant 192 : index
      %swap3A_215 = tpu.vector_load %arg10[%swap3A_213, %swap3A_214] {strides = array<i32>} : memref<64x384xf32, #tpu.memory_space<vmem>>, vector<1x16xf32>,
      %swap3A_216 = vector.shape_cast %swap3A_215 : vector<1x16xf32> to vector<16xf32>
      %swap3A_217 = vector.shape_cast %add3A_212 : vector<16xf32> to vector<1x16xf32>
      tpu.vector_store %arg10[%swap3A_213, %swap3A_214], %swap3A_217 {strides = array<i32>} : memref<64x384xf32, #tpu.memory_space<vmem>>, vector<1x16xf32>,
      %get3A_218 = arith.index_cast %scan3A_37 : i32 to index
      %get3A_219 = arith.constant 208 : index
      %get3A_220 = tpu.vector_load %arg10[%get3A_218, %get3A_219] {strides = array<i32>} : memref<64x384xf32, #tpu.memory_space<vmem>>, vector<1x16xf32>,
      %get3A_221 = vector.shape_cast %get3A_220 : vector<1x16xf32> to vector<16xf32>
      %get3A_222 = arith.index_cast %scan3A_37 : i32 to index
      %get3A_223 = arith.constant 208 : index
      %get3A_224 = tpu.vector_load %arg11[%get3A_222, %get3A_223] {strides = array<i32>} : memref<64x384xf32, #tpu.memory_space<vmem>>, vector<1x16xf32>,
      %get3A_225 = vector.shape_cast %get3A_224 : vector<1x16xf32> to vector<16xf32>
      %add3A_226 = arith.addf %get3A_221, %get3A_225 : vector<16xf32>
      %swap3A_227 = arith.index_cast %scan3A_37 : i32 to index
      %swap3A_228 = arith.constant 208 : index
      %swap3A_229 = tpu.vector_load %arg10[%swap3A_227, %swap3A_228] {strides = array<i32>} : memref<64x384xf32, #tpu.memory_space<vmem>>, vector<1x16xf32>,
      %swap3A_230 = vector.shape_cast %swap3A_229 : vector<1x16xf32> to vector<16xf32>
      %swap3A_231 = vector.shape_cast %add3A_226 : vector<16xf32> to vector<1x16xf32>
      tpu.vector_store %arg10[%swap3A_227, %swap3A_228], %swap3A_231 {strides = array<i32>} : memref<64x384xf32, #tpu.memory_space<vmem>>, vector<1x16xf32>,
      %get3A_232 = arith.index_cast %scan3A_37 : i32 to index
      %get3A_233 = arith.constant 224 : index
      %get3A_234 = tpu.vector_load %arg10[%get3A_232, %get3A_233] {strides = array<i32>} : memref<64x384xf32, #tpu.memory_space<vmem>>, vector<1x16xf32>,
      %get3A_235 = vector.shape_cast %get3A_234 : vector<1x16xf32> to vector<16xf32>
      %get3A_236 = arith.index_cast %scan3A_37 : i32 to index
      %get3A_237 = arith.constant 224 : index
      %get3A_238 = tpu.vector_load %arg11[%get3A_236, %get3A_237] {strides = array<i32>} : memref<64x384xf32, #tpu.memory_space<vmem>>, vector<1x16xf32>,
      %get3A_239 = vector.shape_cast %get3A_238 : vector<1x16xf32> to vector<16xf32>
      %add3A_240 = arith.addf %get3A_235, %get3A_239 : vector<16xf32>
      %swap3A_241 = arith.index_cast %scan3A_37 : i32 to index
      %swap3A_242 = arith.constant 224 : index
      %swap3A_243 = tpu.vector_load %arg10[%swap3A_241, %swap3A_242] {strides = array<i32>} : memref<64x384xf32, #tpu.memory_space<vmem>>, vector<1x16xf32>,
      %swap3A_244 = vector.shape_cast %swap3A_243 : vector<1x16xf32> to vector<16xf32>
      %swap3A_245 = vector.shape_cast %add3A_240 : vector<16xf32> to vector<1x16xf32>
      tpu.vector_store %arg10[%swap3A_241, %swap3A_242], %swap3A_245 {strides = array<i32>} : memref<64x384xf32, #tpu.memory_space<vmem>>, vector<1x16xf32>,
      %get3A_246 = arith.index_cast %scan3A_37 : i32 to index
      %get3A_247 = arith.constant 240 : index
      %get3A_248 = tpu.vector_load %arg10[%get3A_246, %get3A_247] {strides = array<i32>} : memref<64x384xf32, #tpu.memory_space<vmem>>, vector<1x16xf32>,
      %get3A_249 = vector.shape_cast %get3A_248 : vector<1x16xf32> to vector<16xf32>
      %get3A_250 = arith.index_cast %scan3A_37 : i32 to index
      %get3A_251 = arith.constant 240 : index
      %get3A_252 = tpu.vector_load %arg11[%get3A_250, %get3A_251] {strides = array<i32>} : memref<64x384xf32, #tpu.memory_space<vmem>>, vector<1x16xf32>,
      %get3A_253 = vector.shape_cast %get3A_252 : vector<1x16xf32> to vector<16xf32>
      %add3A_254 = arith.addf %get3A_249, %get3A_253 : vector<16xf32>
      %swap3A_255 = arith.index_cast %scan3A_37 : i32 to index
      %swap3A_256 = arith.constant 240 : index
      %swap3A_257 = tpu.vector_load %arg10[%swap3A_255, %swap3A_256] {strides = array<i32>} : memref<64x384xf32, #tpu.memory_space<vmem>>, vector<1x16xf32>,
      %swap3A_258 = vector.shape_cast %swap3A_257 : vector<1x16xf32> to vector<16xf32>
      %swap3A_259 = vector.shape_cast %add3A_254 : vector<16xf32> to vector<1x16xf32>
      tpu.vector_store %arg10[%swap3A_255, %swap3A_256], %swap3A_259 {strides = array<i32>} : memref<64x384xf32, #tpu.memory_space<vmem>>, vector<1x16xf32>,
      %get3A_260 = arith.index_cast %scan3A_37 : i32 to index
      %get3A_261 = arith.constant 256 : index
      %get3A_262 = tpu.vector_load %arg10[%get3A_260, %get3A_261] {strides = array<i32>} : memref<64x384xf32, #tpu.memory_space<vmem>>, vector<1x16xf32>,
      %get3A_263 = vector.shape_cast %get3A_262 : vector<1x16xf32> to vector<16xf32>
      %get3A_264 = arith.index_cast %scan3A_37 : i32 to index
      %get3A_265 = arith.constant 256 : index
      %get3A_266 = tpu.vector_load %arg11[%get3A_264, %get3A_265] {strides = array<i32>} : memref<64x384xf32, #tpu.memory_space<vmem>>, vector<1x16xf32>,
      %get3A_267 = vector.shape_cast %get3A_266 : vector<1x16xf32> to vector<16xf32>
      %add3A_268 = arith.addf %get3A_263, %get3A_267 : vector<16xf32>
      %swap3A_269 = arith.index_cast %scan3A_37 : i32 to index
      %swap3A_270 = arith.constant 256 : index
      %swap3A_271 = tpu.vector_load %arg10[%swap3A_269, %swap3A_270] {strides = array<i32>} : memref<64x384xf32, #tpu.memory_space<vmem>>, vector<1x16xf32>,
      %swap3A_272 = vector.shape_cast %swap3A_271 : vector<1x16xf32> to vector<16xf32>
      %swap3A_273 = vector.shape_cast %add3A_268 : vector<16xf32> to vector<1x16xf32>
      tpu.vector_store %arg10[%swap3A_269, %swap3A_270], %swap3A_273 {strides = array<i32>} : memref<64x384xf32, #tpu.memory_space<vmem>>, vector<1x16xf32>,
      %get3A_274 = arith.index_cast %scan3A_37 : i32 to index
      %get3A_275 = arith.constant 272 : index
      %get3A_276 = tpu.vector_load %arg10[%get3A_274, %get3A_275] {strides = array<i32>} : memref<64x384xf32, #tpu.memory_space<vmem>>, vector<1x16xf32>,
      %get3A_277 = vector.shape_cast %get3A_276 : vector<1x16xf32> to vector<16xf32>
      %get3A_278 = arith.index_cast %scan3A_37 : i32 to index
      %get3A_279 = arith.constant 272 : index
      %get3A_280 = tpu.vector_load %arg11[%get3A_278, %get3A_279] {strides = array<i32>} : memref<64x384xf32, #tpu.memory_space<vmem>>, vector<1x16xf32>,
      %get3A_281 = vector.shape_cast %get3A_280 : vector<1x16xf32> to vector<16xf32>
      %add3A_282 = arith.addf %get3A_277, %get3A_281 : vector<16xf32>
      %swap3A_283 = arith.index_cast %scan3A_37 : i32 to index
      %swap3A_284 = arith.constant 272 : index
      %swap3A_285 = tpu.vector_load %arg10[%swap3A_283, %swap3A_284] {strides = array<i32>} : memref<64x384xf32, #tpu.memory_space<vmem>>, vector<1x16xf32>,
      %swap3A_286 = vector.shape_cast %swap3A_285 : vector<1x16xf32> to vector<16xf32>
      %swap3A_287 = vector.shape_cast %add3A_282 : vector<16xf32> to vector<1x16xf32>
      tpu.vector_store %arg10[%swap3A_283, %swap3A_284], %swap3A_287 {strides = array<i32>} : memref<64x384xf32, #tpu.memory_space<vmem>>, vector<1x16xf32>,
      %get3A_288 = arith.index_cast %scan3A_37 : i32 to index
      %get3A_289 = arith.constant 288 : index
      %get3A_290 = tpu.vector_load %arg10[%get3A_288, %get3A_289] {strides = array<i32>} : memref<64x384xf32, #tpu.memory_space<vmem>>, vector<1x16xf32>,
      %get3A_291 = vector.shape_cast %get3A_290 : vector<1x16xf32> to vector<16xf32>
      %get3A_292 = arith.index_cast %scan3A_37 : i32 to index
      %get3A_293 = arith.constant 288 : index
      %get3A_294 = tpu.vector_load %arg11[%get3A_292, %get3A_293] {strides = array<i32>} : memref<64x384xf32, #tpu.memory_space<vmem>>, vector<1x16xf32>,
      %get3A_295 = vector.shape_cast %get3A_294 : vector<1x16xf32> to vector<16xf32>
      %add3A_296 = arith.addf %get3A_291, %get3A_295 : vector<16xf32>
      %swap3A_297 = arith.index_cast %scan3A_37 : i32 to index
      %swap3A_298 = arith.constant 288 : index
      %swap3A_299 = tpu.vector_load %arg10[%swap3A_297, %swap3A_298] {strides = array<i32>} : memref<64x384xf32, #tpu.memory_space<vmem>>, vector<1x16xf32>,
      %swap3A_300 = vector.shape_cast %swap3A_299 : vector<1x16xf32> to vector<16xf32>
      %swap3A_301 = vector.shape_cast %add3A_296 : vector<16xf32> to vector<1x16xf32>
      tpu.vector_store %arg10[%swap3A_297, %swap3A_298], %swap3A_301 {strides = array<i32>} : memref<64x384xf32, #tpu.memory_space<vmem>>, vector<1x16xf32>,
      %get3A_302 = arith.index_cast %scan3A_37 : i32 to index
      %get3A_303 = arith.constant 304 : index
      %get3A_304 = tpu.vector_load %arg10[%get3A_302, %get3A_303] {strides = array<i32>} : memref<64x384xf32, #tpu.memory_space<vmem>>, vector<1x16xf32>,
      %get3A_305 = vector.shape_cast %get3A_304 : vector<1x16xf32> to vector<16xf32>
      %get3A_306 = arith.index_cast %scan3A_37 : i32 to index
      %get3A_307 = arith.constant 304 : index
      %get3A_308 = tpu.vector_load %arg11[%get3A_306, %get3A_307] {strides = array<i32>} : memref<64x384xf32, #tpu.memory_space<vmem>>, vector<1x16xf32>,
      %get3A_309 = vector.shape_cast %get3A_308 : vector<1x16xf32> to vector<16xf32>
      %add3A_310 = arith.addf %get3A_305, %get3A_309 : vector<16xf32>
      %swap3A_311 = arith.index_cast %scan3A_37 : i32 to index
      %swap3A_312 = arith.constant 304 : index
      %swap3A_313 = tpu.vector_load %arg10[%swap3A_311, %swap3A_312] {strides = array<i32>} : memref<64x384xf32, #tpu.memory_space<vmem>>, vector<1x16xf32>,
      %swap3A_314 = vector.shape_cast %swap3A_313 : vector<1x16xf32> to vector<16xf32>
      %swap3A_315 = vector.shape_cast %add3A_310 : vector<16xf32> to vector<1x16xf32>
      tpu.vector_store %arg10[%swap3A_311, %swap3A_312], %swap3A_315 {strides = array<i32>} : memref<64x384xf32, #tpu.memory_space<vmem>>, vector<1x16xf32>,
      %get3A_316 = arith.index_cast %scan3A_37 : i32 to index
      %get3A_317 = arith.constant 320 : index
      %get3A_318 = tpu.vector_load %arg10[%get3A_316, %get3A_317] {strides = array<i32>} : memref<64x384xf32, #tpu.memory_space<vmem>>, vector<1x16xf32>,
      %get3A_319 = vector.shape_cast %get3A_318 : vector<1x16xf32> to vector<16xf32>
      %get3A_320 = arith.index_cast %scan3A_37 : i32 to index
      %get3A_321 = arith.constant 320 : index
      %get3A_322 = tpu.vector_load %arg11[%get3A_320, %get3A_321] {strides = array<i32>} : memref<64x384xf32, #tpu.memory_space<vmem>>, vector<1x16xf32>,
      %get3A_323 = vector.shape_cast %get3A_322 : vector<1x16xf32> to vector<16xf32>
      %add3A_324 = arith.addf %get3A_319, %get3A_323 : vector<16xf32>
      %swap3A_325 = arith.index_cast %scan3A_37 : i32 to index
      %swap3A_326 = arith.constant 320 : index
      %swap3A_327 = tpu.vector_load %arg10[%swap3A_325, %swap3A_326] {strides = array<i32>} : memref<64x384xf32, #tpu.memory_space<vmem>>, vector<1x16xf32>,
      %swap3A_328 = vector.shape_cast %swap3A_327 : vector<1x16xf32> to vector<16xf32>
      %swap3A_329 = vector.shape_cast %add3A_324 : vector<16xf32> to vector<1x16xf32>
      tpu.vector_store %arg10[%swap3A_325, %swap3A_326], %swap3A_329 {strides = array<i32>} : memref<64x384xf32, #tpu.memory_space<vmem>>, vector<1x16xf32>,
      %get3A_330 = arith.index_cast %scan3A_37 : i32 to index
      %get3A_331 = arith.constant 336 : index
      %get3A_332 = tpu.vector_load %arg10[%get3A_330, %get3A_331] {strides = array<i32>} : memref<64x384xf32, #tpu.memory_space<vmem>>, vector<1x16xf32>,
      %get3A_333 = vector.shape_cast %get3A_332 : vector<1x16xf32> to vector<16xf32>
      %get3A_334 = arith.index_cast %scan3A_37 : i32 to index
      %get3A_335 = arith.constant 336 : index
      %get3A_336 = tpu.vector_load %arg11[%get3A_334, %get3A_335] {strides = array<i32>} : memref<64x384xf32, #tpu.memory_space<vmem>>, vector<1x16xf32>,
      %get3A_337 = vector.shape_cast %get3A_336 : vector<1x16xf32> to vector<16xf32>
      %add3A_338 = arith.addf %get3A_333, %get3A_337 : vector<16xf32>
      %swap3A_339 = arith.index_cast %scan3A_37 : i32 to index
      %swap3A_340 = arith.constant 336 : index
      %swap3A_341 = tpu.vector_load %arg10[%swap3A_339, %swap3A_340] {strides = array<i32>} : memref<64x384xf32, #tpu.memory_space<vmem>>, vector<1x16xf32>,
      %swap3A_342 = vector.shape_cast %swap3A_341 : vector<1x16xf32> to vector<16xf32>
      %swap3A_343 = vector.shape_cast %add3A_338 : vector<16xf32> to vector<1x16xf32>
      tpu.vector_store %arg10[%swap3A_339, %swap3A_340], %swap3A_343 {strides = array<i32>} : memref<64x384xf32, #tpu.memory_space<vmem>>, vector<1x16xf32>,
      %get3A_344 = arith.index_cast %scan3A_37 : i32 to index
      %get3A_345 = arith.constant 352 : index
      %get3A_346 = tpu.vector_load %arg10[%get3A_344, %get3A_345] {strides = array<i32>} : memref<64x384xf32, #tpu.memory_space<vmem>>, vector<1x16xf32>,
      %get3A_347 = vector.shape_cast %get3A_346 : vector<1x16xf32> to vector<16xf32>
      %get3A_348 = arith.index_cast %scan3A_37 : i32 to index
      %get3A_349 = arith.constant 352 : index
      %get3A_350 = tpu.vector_load %arg11[%get3A_348, %get3A_349] {strides = array<i32>} : memref<64x384xf32, #tpu.memory_space<vmem>>, vector<1x16xf32>,
      %get3A_351 = vector.shape_cast %get3A_350 : vector<1x16xf32> to vector<16xf32>
      %add3A_352 = arith.addf %get3A_347, %get3A_351 : vector<16xf32>
      %swap3A_353 = arith.index_cast %scan3A_37 : i32 to index
      %swap3A_354 = arith.constant 352 : index
      %swap3A_355 = tpu.vector_load %arg10[%swap3A_353, %swap3A_354] {strides = array<i32>} : memref<64x384xf32, #tpu.memory_space<vmem>>, vector<1x16xf32>,
      %swap3A_356 = vector.shape_cast %swap3A_355 : vector<1x16xf32> to vector<16xf32>
      %swap3A_357 = vector.shape_cast %add3A_352 : vector<16xf32> to vector<1x16xf32>
      tpu.vector_store %arg10[%swap3A_353, %swap3A_354], %swap3A_357 {strides = array<i32>} : memref<64x384xf32, #tpu.memory_space<vmem>>, vector<1x16xf32>,
      %get3A_358 = arith.index_cast %scan3A_37 : i32 to index
      %get3A_359 = arith.constant 368 : index
      %get3A_360 = tpu.vector_load %arg10[%get3A_358, %get3A_359] {strides = array<i32>} : memref<64x384xf32, #tpu.memory_space<vmem>>, vector<1x16xf32>,
      %get3A_361 = vector.shape_cast %get3A_360 : vector<1x16xf32> to vector<16xf32>
      %get3A_362 = arith.index_cast %scan3A_37 : i32 to index
      %get3A_363 = arith.constant 368 : index
      %get3A_364 = tpu.vector_load %arg11[%get3A_362, %get3A_363] {strides = array<i32>} : memref<64x384xf32, #tpu.memory_space<vmem>>, vector<1x16xf32>,
      %get3A_365 = vector.shape_cast %get3A_364 : vector<1x16xf32> to vector<16xf32>
      %add3A_366 = arith.addf %get3A_361, %get3A_365 : vector<16xf32>
      %swap3A_367 = arith.index_cast %scan3A_37 : i32 to index
      %swap3A_368 = arith.constant 368 : index
      %swap3A_369 = tpu.vector_load %arg10[%swap3A_367, %swap3A_368] {strides = array<i32>} : memref<64x384xf32, #tpu.memory_space<vmem>>, vector<1x16xf32>,
      %swap3A_370 = vector.shape_cast %swap3A_369 : vector<1x16xf32> to vector<16xf32>
      %swap3A_371 = vector.shape_cast %add3A_366 : vector<16xf32> to vector<1x16xf32>
      tpu.vector_store %arg10[%swap3A_367, %swap3A_368], %swap3A_371 {strides = array<i32>} : memref<64x384xf32, #tpu.memory_space<vmem>>, vector<1x16xf32>,
    }
    %scan3A_17 = arith.constant 64 : i32
    "tpu.region"() ({
      %run_scoped3A = tpu.sem_alloc : memref<!tpu.dma_semaphore, #tpu.memory_space<semaphore_mem>>
      %dma_start3A = arith.constant 0 : i32
      %dma_start3A_37 = tpu.memref_slice %arg6[%add3A_6, %dma_start3A] : memref<4096x384xf32, #tpu.memory_space<hbm>> -> memref<64x384xf32, #tpu.memory_space<hbm>>
      %dma_start3A_38 = arith.constant 0 : i32
      %dma_start3A_39 = tpu.memref_slice %arg6[%add3A_6, %dma_start3A_38] : memref<4096x384xf32, #tpu.memory_space<hbm>> -> memref<64x384xf32, #tpu.memory_space<hbm>>
      tpu.enqueue_dma source(%arg10 : memref<64x384xf32, #tpu.memory_space<vmem>>) target(%dma_start3A_39 : memref<64x384xf32, #tpu.memory_space<hbm>>) target_semaphore(%run_scoped3A : memref<!tpu.dma_semaphore, #tpu.memory_space<semaphore_mem>>)
      %dma_wait3A = arith.constant 0 : i32
      %dma_wait3A_40 = tpu.memref_slice %arg6[%add3A_6, %dma_wait3A] : memref<4096x384xf32, #tpu.memory_space<hbm>> -> memref<64x384xf32, #tpu.memory_space<hbm>>
      %dma_wait3A_41 = arith.constant 0 : i32
      %dma_wait3A_42 = tpu.memref_slice %arg6[%add3A_6, %dma_wait3A_41] : memref<4096x384xf32, #tpu.memory_space<hbm>> -> memref<64x384xf32, #tpu.memory_space<hbm>>
      tpu.wait_dma2 semaphore(%run_scoped3A : memref<!tpu.dma_semaphore, #tpu.memory_space<semaphore_mem>>) src(%arg10 : memref<64x384xf32, #tpu.memory_space<vmem>>) dst(%dma_wait3A_42 : memref<64x384xf32, #tpu.memory_space<hbm>>)
      tpu.yield
    }) : () -> ()
    %mul3A_18 = arith.constant 2 : i32
    %mul3A_19 = arith.muli %arg0, %mul3A_18 : i32
    %add3A_20 = arith.constant 1 : i32
    %add3A_21 = arith.addi %mul3A_19, %add3A_20 : i32
    %mul3A_22 = arith.constant 1024 : i32
    %mul3A_23 = arith.muli %add3A_21, %mul3A_22 : i32
    %add3A_24 = arith.addi %mul3A_23, %mul3A_0 : i32
    "tpu.region"() ({
      %run_scoped3A = tpu.sem_alloc : memref<!tpu.dma_semaphore, #tpu.memory_space<semaphore_mem>>
      %dma_start3A = tpu.memref_slice %arg3[%add3A_24] : memref<4096xi32, #tpu.memory_space<hbm>> -> memref<64xi32, #tpu.memory_space<hbm>>
      %dma_start3A_37 = tpu.memref_slice %arg3[%add3A_24] : memref<4096xi32, #tpu.memory_space<hbm>> -> memref<64xi32, #tpu.memory_space<hbm>>
      tpu.enqueue_dma source(%dma_start3A_37 : memref<64xi32, #tpu.memory_space<hbm>>) target(%arg7 : memref<64xi32, #tpu.memory_space<vmem>>) target_semaphore(%run_scoped3A : memref<!tpu.dma_semaphore, #tpu.memory_space<semaphore_mem>>)
      %dma_wait3A = tpu.memref_slice %arg3[%add3A_24] : memref<4096xi32, #tpu.memory_space<hbm>> -> memref<64xi32, #tpu.memory_space<hbm>>
      %dma_wait3A_38 = tpu.memref_slice %arg3[%add3A_24] : memref<4096xi32, #tpu.memory_space<hbm>> -> memref<64xi32, #tpu.memory_space<hbm>>
      tpu.wait_dma2 semaphore(%run_scoped3A : memref<!tpu.dma_semaphore, #tpu.memory_space<semaphore_mem>>) src(%dma_wait3A_38 : memref<64xi32, #tpu.memory_space<hbm>>) dst(%arg7 : memref<64xi32, #tpu.memory_space<vmem>>)
      tpu.yield
    }) : () -> ()
    "tpu.region"() ({
      %run_scoped3A = tpu.sem_alloc : memref<!tpu.dma_semaphore, #tpu.memory_space<semaphore_mem>>
      %dma_start3A = tpu.memref_slice %arg4[%add3A_24] : memref<4096xi32, #tpu.memory_space<hbm>> -> memref<64xi32, #tpu.memory_space<hbm>>
      %dma_start3A_37 = tpu.memref_slice %arg4[%add3A_24] : memref<4096xi32, #tpu.memory_space<hbm>> -> memref<64xi32, #tpu.memory_space<hbm>>
      tpu.enqueue_dma source(%dma_start3A_37 : memref<64xi32, #tpu.memory_space<hbm>>) target(%arg8 : memref<64xi32, #tpu.memory_space<vmem>>) target_semaphore(%run_scoped3A : memref<!tpu.dma_semaphore, #tpu.memory_space<semaphore_mem>>)
      %dma_wait3A = tpu.memref_slice %arg4[%add3A_24] : memref<4096xi32, #tpu.memory_space<hbm>> -> memref<64xi32, #tpu.memory_space<hbm>>
      %dma_wait3A_38 = tpu.memref_slice %arg4[%add3A_24] : memref<4096xi32, #tpu.memory_space<hbm>> -> memref<64xi32, #tpu.memory_space<hbm>>
      tpu.wait_dma2 semaphore(%run_scoped3A : memref<!tpu.dma_semaphore, #tpu.memory_space<semaphore_mem>>) src(%dma_wait3A_38 : memref<64xi32, #tpu.memory_space<hbm>>) dst(%arg8 : memref<64xi32, #tpu.memory_space<vmem>>)
      tpu.yield
    }) : () -> ()
    "tpu.region"() ({
      %run_scoped3A = tpu.sem_alloc : memref<!tpu.dma_semaphore, #tpu.memory_space<semaphore_mem>>
      %dma_start3A = tpu.memref_slice %arg5[%add3A_24] : memref<4096xi32, #tpu.memory_space<hbm>> -> memref<64xi32, #tpu.memory_space<hbm>>
      %dma_start3A_37 = tpu.memref_slice %arg5[%add3A_24] : memref<4096xi32, #tpu.memory_space<hbm>> -> memref<64xi32, #tpu.memory_space<hbm>>
      tpu.enqueue_dma source(%dma_start3A_37 : memref<64xi32, #tpu.memory_space<hbm>>) target(%arg9 : memref<64xi32, #tpu.memory_space<vmem>>) target_semaphore(%run_scoped3A : memref<!tpu.dma_semaphore, #tpu.memory_space<semaphore_mem>>)
      %dma_wait3A = tpu.memref_slice %arg5[%add3A_24] : memref<4096xi32, #tpu.memory_space<hbm>> -> memref<64xi32, #tpu.memory_space<hbm>>
      %dma_wait3A_38 = tpu.memref_slice %arg5[%add3A_24] : memref<4096xi32, #tpu.memory_space<hbm>> -> memref<64xi32, #tpu.memory_space<hbm>>
      tpu.wait_dma2 semaphore(%run_scoped3A : memref<!tpu.dma_semaphore, #tpu.memory_space<semaphore_mem>>) src(%dma_wait3A_38 : memref<64xi32, #tpu.memory_space<hbm>>) dst(%arg9 : memref<64xi32, #tpu.memory_space<vmem>>)
      tpu.yield
    }) : () -> ()
    "tpu.region"() ({
      %run_scoped3A = tpu.sem_alloc : memref<!tpu.dma_semaphore, #tpu.memory_space<semaphore_mem>>
      %dma_start3A = arith.constant 0 : i32
      %dma_start3A_37 = arith.constant 0 : i32
      %dma_start3A_38 = tpu.memref_slice %arg2[%dma_start3A, %dma_start3A_37] : memref<4104x384xf32, #tpu.memory_space<hbm>> -> memref<4104x384xf32, #tpu.memory_space<hbm>>
      tpu.enqueue_indirect_dma source(%dma_start3A_38 : memref<4104x384xf32, #tpu.memory_space<hbm>>) target(%arg10 : memref<64x384xf32, #tpu.memory_space<vmem>>) offsets(%arg7 : memref<64xi32, #tpu.memory_space<vmem>>) semaphore(%run_scoped3A : memref<!tpu.dma_semaphore, #tpu.memory_space<semaphore_mem>>)
      %dma_wait3A = arith.constant 0 : i32
      %dma_wait3A_39 = arith.constant 0 : i32
      %dma_wait3A_40 = tpu.memref_slice %arg2[%dma_wait3A, %dma_wait3A_39] : memref<4104x384xf32, #tpu.memory_space<hbm>> -> memref<4104x384xf32, #tpu.memory_space<hbm>>
      tpu.wait_indirect_dma semaphore(%run_scoped3A : memref<!tpu.dma_semaphore, #tpu.memory_space<semaphore_mem>>) src(%dma_wait3A_40 : memref<4104x384xf32, #tpu.memory_space<hbm>>) dst(%arg10 : memref<64x384xf32, #tpu.memory_space<vmem>>)
      tpu.yield
    }) : () -> ()
    "tpu.region"() ({
      %run_scoped3A = tpu.sem_alloc : memref<!tpu.dma_semaphore, #tpu.memory_space<semaphore_mem>>
      %dma_start3A = arith.constant 0 : i32
      %dma_start3A_37 = arith.constant 0 : i32
      %dma_start3A_38 = tpu.memref_slice %arg2[%dma_start3A, %dma_start3A_37] : memref<4104x384xf32, #tpu.memory_space<hbm>> -> memref<4104x384xf32, #tpu.memory_space<hbm>>
      tpu.enqueue_indirect_dma source(%dma_start3A_38 : memref<4104x384xf32, #tpu.memory_space<hbm>>) target(%arg11 : memref<64x384xf32, #tpu.memory_space<vmem>>) offsets(%arg8 : memref<64xi32, #tpu.memory_space<vmem>>) semaphore(%run_scoped3A : memref<!tpu.dma_semaphore, #tpu.memory_space<semaphore_mem>>)
      %dma_wait3A = arith.constant 0 : i32
      %dma_wait3A_39 = arith.constant 0 : i32
      %dma_wait3A_40 = tpu.memref_slice %arg2[%dma_wait3A, %dma_wait3A_39] : memref<4104x384xf32, #tpu.memory_space<hbm>> -> memref<4104x384xf32, #tpu.memory_space<hbm>>
      tpu.wait_indirect_dma semaphore(%run_scoped3A : memref<!tpu.dma_semaphore, #tpu.memory_space<semaphore_mem>>) src(%dma_wait3A_40 : memref<4104x384xf32, #tpu.memory_space<hbm>>) dst(%arg11 : memref<64x384xf32, #tpu.memory_space<vmem>>)
      tpu.yield
    }) : () -> ()
    %scan3A_25 = arith.constant 0 : i32
    %scan3A_26 = arith.constant 0 : i32
    %scan3A_27 = arith.constant 64 : i32
    %scan3A_28 = arith.addi %scan3A_26, %scan3A_27 : i32
    %scan3A_29 = arith.constant 1 : i32
    scf.for %scan3A_37 = %scan3A_26 to %scan3A_28 step %scan3A_29  : i32 {
      %get3A = arith.index_cast %scan3A_37 : i32 to index
      %get3A_38 = arith.constant 0 : index
      %get3A_39 = tpu.vector_load %arg10[%get3A, %get3A_38] {strides = array<i32>} : memref<64x384xf32, #tpu.memory_space<vmem>>, vector<1x16xf32>,
      %get3A_40 = vector.shape_cast %get3A_39 : vector<1x16xf32> to vector<16xf32>
      %get3A_41 = arith.index_cast %scan3A_37 : i32 to index
      %get3A_42 = arith.constant 0 : index
      %get3A_43 = tpu.vector_load %arg11[%get3A_41, %get3A_42] {strides = array<i32>} : memref<64x384xf32, #tpu.memory_space<vmem>>, vector<1x16xf32>,
      %get3A_44 = vector.shape_cast %get3A_43 : vector<1x16xf32> to vector<16xf32>
      %add3A_45 = arith.addf %get3A_40, %get3A_44 : vector<16xf32>
      %swap3A = arith.index_cast %scan3A_37 : i32 to index
      %swap3A_46 = arith.constant 0 : index
      %swap3A_47 = tpu.vector_load %arg10[%swap3A, %swap3A_46] {strides = array<i32>} : memref<64x384xf32, #tpu.memory_space<vmem>>, vector<1x16xf32>,
      %swap3A_48 = vector.shape_cast %swap3A_47 : vector<1x16xf32> to vector<16xf32>
      %swap3A_49 = vector.shape_cast %add3A_45 : vector<16xf32> to vector<1x16xf32>
      tpu.vector_store %arg10[%swap3A, %swap3A_46], %swap3A_49 {strides = array<i32>} : memref<64x384xf32, #tpu.memory_space<vmem>>, vector<1x16xf32>,
      %get3A_50 = arith.index_cast %scan3A_37 : i32 to index
      %get3A_51 = arith.constant 16 : index
      %get3A_52 = tpu.vector_load %arg10[%get3A_50, %get3A_51] {strides = array<i32>} : memref<64x384xf32, #tpu.memory_space<vmem>>, vector<1x16xf32>,
      %get3A_53 = vector.shape_cast %get3A_52 : vector<1x16xf32> to vector<16xf32>
      %get3A_54 = arith.index_cast %scan3A_37 : i32 to index
      %get3A_55 = arith.constant 16 : index
      %get3A_56 = tpu.vector_load %arg11[%get3A_54, %get3A_55] {strides = array<i32>} : memref<64x384xf32, #tpu.memory_space<vmem>>, vector<1x16xf32>,
      %get3A_57 = vector.shape_cast %get3A_56 : vector<1x16xf32> to vector<16xf32>
      %add3A_58 = arith.addf %get3A_53, %get3A_57 : vector<16xf32>
      %swap3A_59 = arith.index_cast %scan3A_37 : i32 to index
      %swap3A_60 = arith.constant 16 : index
      %swap3A_61 = tpu.vector_load %arg10[%swap3A_59, %swap3A_60] {strides = array<i32>} : memref<64x384xf32, #tpu.memory_space<vmem>>, vector<1x16xf32>,
      %swap3A_62 = vector.shape_cast %swap3A_61 : vector<1x16xf32> to vector<16xf32>
      %swap3A_63 = vector.shape_cast %add3A_58 : vector<16xf32> to vector<1x16xf32>
      tpu.vector_store %arg10[%swap3A_59, %swap3A_60], %swap3A_63 {strides = array<i32>} : memref<64x384xf32, #tpu.memory_space<vmem>>, vector<1x16xf32>,
      %get3A_64 = arith.index_cast %scan3A_37 : i32 to index
      %get3A_65 = arith.constant 32 : index
      %get3A_66 = tpu.vector_load %arg10[%get3A_64, %get3A_65] {strides = array<i32>} : memref<64x384xf32, #tpu.memory_space<vmem>>, vector<1x16xf32>,
      %get3A_67 = vector.shape_cast %get3A_66 : vector<1x16xf32> to vector<16xf32>
      %get3A_68 = arith.index_cast %scan3A_37 : i32 to index
      %get3A_69 = arith.constant 32 : index
      %get3A_70 = tpu.vector_load %arg11[%get3A_68, %get3A_69] {strides = array<i32>} : memref<64x384xf32, #tpu.memory_space<vmem>>, vector<1x16xf32>,
      %get3A_71 = vector.shape_cast %get3A_70 : vector<1x16xf32> to vector<16xf32>
      %add3A_72 = arith.addf %get3A_67, %get3A_71 : vector<16xf32>
      %swap3A_73 = arith.index_cast %scan3A_37 : i32 to index
      %swap3A_74 = arith.constant 32 : index
      %swap3A_75 = tpu.vector_load %arg10[%swap3A_73, %swap3A_74] {strides = array<i32>} : memref<64x384xf32, #tpu.memory_space<vmem>>, vector<1x16xf32>,
      %swap3A_76 = vector.shape_cast %swap3A_75 : vector<1x16xf32> to vector<16xf32>
      %swap3A_77 = vector.shape_cast %add3A_72 : vector<16xf32> to vector<1x16xf32>
      tpu.vector_store %arg10[%swap3A_73, %swap3A_74], %swap3A_77 {strides = array<i32>} : memref<64x384xf32, #tpu.memory_space<vmem>>, vector<1x16xf32>,
      %get3A_78 = arith.index_cast %scan3A_37 : i32 to index
      %get3A_79 = arith.constant 48 : index
      %get3A_80 = tpu.vector_load %arg10[%get3A_78, %get3A_79] {strides = array<i32>} : memref<64x384xf32, #tpu.memory_space<vmem>>, vector<1x16xf32>,
      %get3A_81 = vector.shape_cast %get3A_80 : vector<1x16xf32> to vector<16xf32>
      %get3A_82 = arith.index_cast %scan3A_37 : i32 to index
      %get3A_83 = arith.constant 48 : index
      %get3A_84 = tpu.vector_load %arg11[%get3A_82, %get3A_83] {strides = array<i32>} : memref<64x384xf32, #tpu.memory_space<vmem>>, vector<1x16xf32>,
      %get3A_85 = vector.shape_cast %get3A_84 : vector<1x16xf32> to vector<16xf32>
      %add3A_86 = arith.addf %get3A_81, %get3A_85 : vector<16xf32>
      %swap3A_87 = arith.index_cast %scan3A_37 : i32 to index
      %swap3A_88 = arith.constant 48 : index
      %swap3A_89 = tpu.vector_load %arg10[%swap3A_87, %swap3A_88] {strides = array<i32>} : memref<64x384xf32, #tpu.memory_space<vmem>>, vector<1x16xf32>,
      %swap3A_90 = vector.shape_cast %swap3A_89 : vector<1x16xf32> to vector<16xf32>
      %swap3A_91 = vector.shape_cast %add3A_86 : vector<16xf32> to vector<1x16xf32>
      tpu.vector_store %arg10[%swap3A_87, %swap3A_88], %swap3A_91 {strides = array<i32>} : memref<64x384xf32, #tpu.memory_space<vmem>>, vector<1x16xf32>,
      %get3A_92 = arith.index_cast %scan3A_37 : i32 to index
      %get3A_93 = arith.constant 64 : index
      %get3A_94 = tpu.vector_load %arg10[%get3A_92, %get3A_93] {strides = array<i32>} : memref<64x384xf32, #tpu.memory_space<vmem>>, vector<1x16xf32>,
      %get3A_95 = vector.shape_cast %get3A_94 : vector<1x16xf32> to vector<16xf32>
      %get3A_96 = arith.index_cast %scan3A_37 : i32 to index
      %get3A_97 = arith.constant 64 : index
      %get3A_98 = tpu.vector_load %arg11[%get3A_96, %get3A_97] {strides = array<i32>} : memref<64x384xf32, #tpu.memory_space<vmem>>, vector<1x16xf32>,
      %get3A_99 = vector.shape_cast %get3A_98 : vector<1x16xf32> to vector<16xf32>
      %add3A_100 = arith.addf %get3A_95, %get3A_99 : vector<16xf32>
      %swap3A_101 = arith.index_cast %scan3A_37 : i32 to index
      %swap3A_102 = arith.constant 64 : index
      %swap3A_103 = tpu.vector_load %arg10[%swap3A_101, %swap3A_102] {strides = array<i32>} : memref<64x384xf32, #tpu.memory_space<vmem>>, vector<1x16xf32>,
      %swap3A_104 = vector.shape_cast %swap3A_103 : vector<1x16xf32> to vector<16xf32>
      %swap3A_105 = vector.shape_cast %add3A_100 : vector<16xf32> to vector<1x16xf32>
      tpu.vector_store %arg10[%swap3A_101, %swap3A_102], %swap3A_105 {strides = array<i32>} : memref<64x384xf32, #tpu.memory_space<vmem>>, vector<1x16xf32>,
      %get3A_106 = arith.index_cast %scan3A_37 : i32 to index
      %get3A_107 = arith.constant 80 : index
      %get3A_108 = tpu.vector_load %arg10[%get3A_106, %get3A_107] {strides = array<i32>} : memref<64x384xf32, #tpu.memory_space<vmem>>, vector<1x16xf32>,
      %get3A_109 = vector.shape_cast %get3A_108 : vector<1x16xf32> to vector<16xf32>
      %get3A_110 = arith.index_cast %scan3A_37 : i32 to index
      %get3A_111 = arith.constant 80 : index
      %get3A_112 = tpu.vector_load %arg11[%get3A_110, %get3A_111] {strides = array<i32>} : memref<64x384xf32, #tpu.memory_space<vmem>>, vector<1x16xf32>,
      %get3A_113 = vector.shape_cast %get3A_112 : vector<1x16xf32> to vector<16xf32>
      %add3A_114 = arith.addf %get3A_109, %get3A_113 : vector<16xf32>
      %swap3A_115 = arith.index_cast %scan3A_37 : i32 to index
      %swap3A_116 = arith.constant 80 : index
      %swap3A_117 = tpu.vector_load %arg10[%swap3A_115, %swap3A_116] {strides = array<i32>} : memref<64x384xf32, #tpu.memory_space<vmem>>, vector<1x16xf32>,
      %swap3A_118 = vector.shape_cast %swap3A_117 : vector<1x16xf32> to vector<16xf32>
      %swap3A_119 = vector.shape_cast %add3A_114 : vector<16xf32> to vector<1x16xf32>
      tpu.vector_store %arg10[%swap3A_115, %swap3A_116], %swap3A_119 {strides = array<i32>} : memref<64x384xf32, #tpu.memory_space<vmem>>, vector<1x16xf32>,
      %get3A_120 = arith.index_cast %scan3A_37 : i32 to index
      %get3A_121 = arith.constant 96 : index
      %get3A_122 = tpu.vector_load %arg10[%get3A_120, %get3A_121] {strides = array<i32>} : memref<64x384xf32, #tpu.memory_space<vmem>>, vector<1x16xf32>,
      %get3A_123 = vector.shape_cast %get3A_122 : vector<1x16xf32> to vector<16xf32>
      %get3A_124 = arith.index_cast %scan3A_37 : i32 to index
      %get3A_125 = arith.constant 96 : index
      %get3A_126 = tpu.vector_load %arg11[%get3A_124, %get3A_125] {strides = array<i32>} : memref<64x384xf32, #tpu.memory_space<vmem>>, vector<1x16xf32>,
      %get3A_127 = vector.shape_cast %get3A_126 : vector<1x16xf32> to vector<16xf32>
      %add3A_128 = arith.addf %get3A_123, %get3A_127 : vector<16xf32>
      %swap3A_129 = arith.index_cast %scan3A_37 : i32 to index
      %swap3A_130 = arith.constant 96 : index
      %swap3A_131 = tpu.vector_load %arg10[%swap3A_129, %swap3A_130] {strides = array<i32>} : memref<64x384xf32, #tpu.memory_space<vmem>>, vector<1x16xf32>,
      %swap3A_132 = vector.shape_cast %swap3A_131 : vector<1x16xf32> to vector<16xf32>
      %swap3A_133 = vector.shape_cast %add3A_128 : vector<16xf32> to vector<1x16xf32>
      tpu.vector_store %arg10[%swap3A_129, %swap3A_130], %swap3A_133 {strides = array<i32>} : memref<64x384xf32, #tpu.memory_space<vmem>>, vector<1x16xf32>,
      %get3A_134 = arith.index_cast %scan3A_37 : i32 to index
      %get3A_135 = arith.constant 112 : index
      %get3A_136 = tpu.vector_load %arg10[%get3A_134, %get3A_135] {strides = array<i32>} : memref<64x384xf32, #tpu.memory_space<vmem>>, vector<1x16xf32>,
      %get3A_137 = vector.shape_cast %get3A_136 : vector<1x16xf32> to vector<16xf32>
      %get3A_138 = arith.index_cast %scan3A_37 : i32 to index
      %get3A_139 = arith.constant 112 : index
      %get3A_140 = tpu.vector_load %arg11[%get3A_138, %get3A_139] {strides = array<i32>} : memref<64x384xf32, #tpu.memory_space<vmem>>, vector<1x16xf32>,
      %get3A_141 = vector.shape_cast %get3A_140 : vector<1x16xf32> to vector<16xf32>
      %add3A_142 = arith.addf %get3A_137, %get3A_141 : vector<16xf32>
      %swap3A_143 = arith.index_cast %scan3A_37 : i32 to index
      %swap3A_144 = arith.constant 112 : index
      %swap3A_145 = tpu.vector_load %arg10[%swap3A_143, %swap3A_144] {strides = array<i32>} : memref<64x384xf32, #tpu.memory_space<vmem>>, vector<1x16xf32>,
      %swap3A_146 = vector.shape_cast %swap3A_145 : vector<1x16xf32> to vector<16xf32>
      %swap3A_147 = vector.shape_cast %add3A_142 : vector<16xf32> to vector<1x16xf32>
      tpu.vector_store %arg10[%swap3A_143, %swap3A_144], %swap3A_147 {strides = array<i32>} : memref<64x384xf32, #tpu.memory_space<vmem>>, vector<1x16xf32>,
      %get3A_148 = arith.index_cast %scan3A_37 : i32 to index
      %get3A_149 = arith.constant 128 : index
      %get3A_150 = tpu.vector_load %arg10[%get3A_148, %get3A_149] {strides = array<i32>} : memref<64x384xf32, #tpu.memory_space<vmem>>, vector<1x16xf32>,
      %get3A_151 = vector.shape_cast %get3A_150 : vector<1x16xf32> to vector<16xf32>
      %get3A_152 = arith.index_cast %scan3A_37 : i32 to index
      %get3A_153 = arith.constant 128 : index
      %get3A_154 = tpu.vector_load %arg11[%get3A_152, %get3A_153] {strides = array<i32>} : memref<64x384xf32, #tpu.memory_space<vmem>>, vector<1x16xf32>,
      %get3A_155 = vector.shape_cast %get3A_154 : vector<1x16xf32> to vector<16xf32>
      %add3A_156 = arith.addf %get3A_151, %get3A_155 : vector<16xf32>
      %swap3A_157 = arith.index_cast %scan3A_37 : i32 to index
      %swap3A_158 = arith.constant 128 : index
      %swap3A_159 = tpu.vector_load %arg10[%swap3A_157, %swap3A_158] {strides = array<i32>} : memref<64x384xf32, #tpu.memory_space<vmem>>, vector<1x16xf32>,
      %swap3A_160 = vector.shape_cast %swap3A_159 : vector<1x16xf32> to vector<16xf32>
      %swap3A_161 = vector.shape_cast %add3A_156 : vector<16xf32> to vector<1x16xf32>
      tpu.vector_store %arg10[%swap3A_157, %swap3A_158], %swap3A_161 {strides = array<i32>} : memref<64x384xf32, #tpu.memory_space<vmem>>, vector<1x16xf32>,
      %get3A_162 = arith.index_cast %scan3A_37 : i32 to index
      %get3A_163 = arith.constant 144 : index
      %get3A_164 = tpu.vector_load %arg10[%get3A_162, %get3A_163] {strides = array<i32>} : memref<64x384xf32, #tpu.memory_space<vmem>>, vector<1x16xf32>,
      %get3A_165 = vector.shape_cast %get3A_164 : vector<1x16xf32> to vector<16xf32>
      %get3A_166 = arith.index_cast %scan3A_37 : i32 to index
      %get3A_167 = arith.constant 144 : index
      %get3A_168 = tpu.vector_load %arg11[%get3A_166, %get3A_167] {strides = array<i32>} : memref<64x384xf32, #tpu.memory_space<vmem>>, vector<1x16xf32>,
      %get3A_169 = vector.shape_cast %get3A_168 : vector<1x16xf32> to vector<16xf32>
      %add3A_170 = arith.addf %get3A_165, %get3A_169 : vector<16xf32>
      %swap3A_171 = arith.index_cast %scan3A_37 : i32 to index
      %swap3A_172 = arith.constant 144 : index
      %swap3A_173 = tpu.vector_load %arg10[%swap3A_171, %swap3A_172] {strides = array<i32>} : memref<64x384xf32, #tpu.memory_space<vmem>>, vector<1x16xf32>,
      %swap3A_174 = vector.shape_cast %swap3A_173 : vector<1x16xf32> to vector<16xf32>
      %swap3A_175 = vector.shape_cast %add3A_170 : vector<16xf32> to vector<1x16xf32>
      tpu.vector_store %arg10[%swap3A_171, %swap3A_172], %swap3A_175 {strides = array<i32>} : memref<64x384xf32, #tpu.memory_space<vmem>>, vector<1x16xf32>,
      %get3A_176 = arith.index_cast %scan3A_37 : i32 to index
      %get3A_177 = arith.constant 160 : index
      %get3A_178 = tpu.vector_load %arg10[%get3A_176, %get3A_177] {strides = array<i32>} : memref<64x384xf32, #tpu.memory_space<vmem>>, vector<1x16xf32>,
      %get3A_179 = vector.shape_cast %get3A_178 : vector<1x16xf32> to vector<16xf32>
      %get3A_180 = arith.index_cast %scan3A_37 : i32 to index
      %get3A_181 = arith.constant 160 : index
      %get3A_182 = tpu.vector_load %arg11[%get3A_180, %get3A_181] {strides = array<i32>} : memref<64x384xf32, #tpu.memory_space<vmem>>, vector<1x16xf32>,
      %get3A_183 = vector.shape_cast %get3A_182 : vector<1x16xf32> to vector<16xf32>
      %add3A_184 = arith.addf %get3A_179, %get3A_183 : vector<16xf32>
      %swap3A_185 = arith.index_cast %scan3A_37 : i32 to index
      %swap3A_186 = arith.constant 160 : index
      %swap3A_187 = tpu.vector_load %arg10[%swap3A_185, %swap3A_186] {strides = array<i32>} : memref<64x384xf32, #tpu.memory_space<vmem>>, vector<1x16xf32>,
      %swap3A_188 = vector.shape_cast %swap3A_187 : vector<1x16xf32> to vector<16xf32>
      %swap3A_189 = vector.shape_cast %add3A_184 : vector<16xf32> to vector<1x16xf32>
      tpu.vector_store %arg10[%swap3A_185, %swap3A_186], %swap3A_189 {strides = array<i32>} : memref<64x384xf32, #tpu.memory_space<vmem>>, vector<1x16xf32>,
      %get3A_190 = arith.index_cast %scan3A_37 : i32 to index
      %get3A_191 = arith.constant 176 : index
      %get3A_192 = tpu.vector_load %arg10[%get3A_190, %get3A_191] {strides = array<i32>} : memref<64x384xf32, #tpu.memory_space<vmem>>, vector<1x16xf32>,
      %get3A_193 = vector.shape_cast %get3A_192 : vector<1x16xf32> to vector<16xf32>
      %get3A_194 = arith.index_cast %scan3A_37 : i32 to index
      %get3A_195 = arith.constant 176 : index
      %get3A_196 = tpu.vector_load %arg11[%get3A_194, %get3A_195] {strides = array<i32>} : memref<64x384xf32, #tpu.memory_space<vmem>>, vector<1x16xf32>,
      %get3A_197 = vector.shape_cast %get3A_196 : vector<1x16xf32> to vector<16xf32>
      %add3A_198 = arith.addf %get3A_193, %get3A_197 : vector<16xf32>
      %swap3A_199 = arith.index_cast %scan3A_37 : i32 to index
      %swap3A_200 = arith.constant 176 : index
      %swap3A_201 = tpu.vector_load %arg10[%swap3A_199, %swap3A_200] {strides = array<i32>} : memref<64x384xf32, #tpu.memory_space<vmem>>, vector<1x16xf32>,
      %swap3A_202 = vector.shape_cast %swap3A_201 : vector<1x16xf32> to vector<16xf32>
      %swap3A_203 = vector.shape_cast %add3A_198 : vector<16xf32> to vector<1x16xf32>
      tpu.vector_store %arg10[%swap3A_199, %swap3A_200], %swap3A_203 {strides = array<i32>} : memref<64x384xf32, #tpu.memory_space<vmem>>, vector<1x16xf32>,
      %get3A_204 = arith.index_cast %scan3A_37 : i32 to index
      %get3A_205 = arith.constant 192 : index
      %get3A_206 = tpu.vector_load %arg10[%get3A_204, %get3A_205] {strides = array<i32>} : memref<64x384xf32, #tpu.memory_space<vmem>>, vector<1x16xf32>,
      %get3A_207 = vector.shape_cast %get3A_206 : vector<1x16xf32> to vector<16xf32>
      %get3A_208 = arith.index_cast %scan3A_37 : i32 to index
      %get3A_209 = arith.constant 192 : index
      %get3A_210 = tpu.vector_load %arg11[%get3A_208, %get3A_209] {strides = array<i32>} : memref<64x384xf32, #tpu.memory_space<vmem>>, vector<1x16xf32>,
      %get3A_211 = vector.shape_cast %get3A_210 : vector<1x16xf32> to vector<16xf32>
      %add3A_212 = arith.addf %get3A_207, %get3A_211 : vector<16xf32>
      %swap3A_213 = arith.index_cast %scan3A_37 : i32 to index
      %swap3A_214 = arith.constant 192 : index
      %swap3A_215 = tpu.vector_load %arg10[%swap3A_213, %swap3A_214] {strides = array<i32>} : memref<64x384xf32, #tpu.memory_space<vmem>>, vector<1x16xf32>,
      %swap3A_216 = vector.shape_cast %swap3A_215 : vector<1x16xf32> to vector<16xf32>
      %swap3A_217 = vector.shape_cast %add3A_212 : vector<16xf32> to vector<1x16xf32>
      tpu.vector_store %arg10[%swap3A_213, %swap3A_214], %swap3A_217 {strides = array<i32>} : memref<64x384xf32, #tpu.memory_space<vmem>>, vector<1x16xf32>,
      %get3A_218 = arith.index_cast %scan3A_37 : i32 to index
      %get3A_219 = arith.constant 208 : index
      %get3A_220 = tpu.vector_load %arg10[%get3A_218, %get3A_219] {strides = array<i32>} : memref<64x384xf32, #tpu.memory_space<vmem>>, vector<1x16xf32>,
      %get3A_221 = vector.shape_cast %get3A_220 : vector<1x16xf32> to vector<16xf32>
      %get3A_222 = arith.index_cast %scan3A_37 : i32 to index
      %get3A_223 = arith.constant 208 : index
      %get3A_224 = tpu.vector_load %arg11[%get3A_222, %get3A_223] {strides = array<i32>} : memref<64x384xf32, #tpu.memory_space<vmem>>, vector<1x16xf32>,
      %get3A_225 = vector.shape_cast %get3A_224 : vector<1x16xf32> to vector<16xf32>
      %add3A_226 = arith.addf %get3A_221, %get3A_225 : vector<16xf32>
      %swap3A_227 = arith.index_cast %scan3A_37 : i32 to index
      %swap3A_228 = arith.constant 208 : index
      %swap3A_229 = tpu.vector_load %arg10[%swap3A_227, %swap3A_228] {strides = array<i32>} : memref<64x384xf32, #tpu.memory_space<vmem>>, vector<1x16xf32>,
      %swap3A_230 = vector.shape_cast %swap3A_229 : vector<1x16xf32> to vector<16xf32>
      %swap3A_231 = vector.shape_cast %add3A_226 : vector<16xf32> to vector<1x16xf32>
      tpu.vector_store %arg10[%swap3A_227, %swap3A_228], %swap3A_231 {strides = array<i32>} : memref<64x384xf32, #tpu.memory_space<vmem>>, vector<1x16xf32>,
      %get3A_232 = arith.index_cast %scan3A_37 : i32 to index
      %get3A_233 = arith.constant 224 : index
      %get3A_234 = tpu.vector_load %arg10[%get3A_232, %get3A_233] {strides = array<i32>} : memref<64x384xf32, #tpu.memory_space<vmem>>, vector<1x16xf32>,
      %get3A_235 = vector.shape_cast %get3A_234 : vector<1x16xf32> to vector<16xf32>
      %get3A_236 = arith.index_cast %scan3A_37 : i32 to index
      %get3A_237 = arith.constant 224 : index
      %get3A_238 = tpu.vector_load %arg11[%get3A_236, %get3A_237] {strides = array<i32>} : memref<64x384xf32, #tpu.memory_space<vmem>>, vector<1x16xf32>,
      %get3A_239 = vector.shape_cast %get3A_238 : vector<1x16xf32> to vector<16xf32>
      %add3A_240 = arith.addf %get3A_235, %get3A_239 : vector<16xf32>
      %swap3A_241 = arith.index_cast %scan3A_37 : i32 to index
      %swap3A_242 = arith.constant 224 : index
      %swap3A_243 = tpu.vector_load %arg10[%swap3A_241, %swap3A_242] {strides = array<i32>} : memref<64x384xf32, #tpu.memory_space<vmem>>, vector<1x16xf32>,
      %swap3A_244 = vector.shape_cast %swap3A_243 : vector<1x16xf32> to vector<16xf32>
      %swap3A_245 = vector.shape_cast %add3A_240 : vector<16xf32> to vector<1x16xf32>
      tpu.vector_store %arg10[%swap3A_241, %swap3A_242], %swap3A_245 {strides = array<i32>} : memref<64x384xf32, #tpu.memory_space<vmem>>, vector<1x16xf32>,
      %get3A_246 = arith.index_cast %scan3A_37 : i32 to index
      %get3A_247 = arith.constant 240 : index
      %get3A_248 = tpu.vector_load %arg10[%get3A_246, %get3A_247] {strides = array<i32>} : memref<64x384xf32, #tpu.memory_space<vmem>>, vector<1x16xf32>,
      %get3A_249 = vector.shape_cast %get3A_248 : vector<1x16xf32> to vector<16xf32>
      %get3A_250 = arith.index_cast %scan3A_37 : i32 to index
      %get3A_251 = arith.constant 240 : index
      %get3A_252 = tpu.vector_load %arg11[%get3A_250, %get3A_251] {strides = array<i32>} : memref<64x384xf32, #tpu.memory_space<vmem>>, vector<1x16xf32>,
      %get3A_253 = vector.shape_cast %get3A_252 : vector<1x16xf32> to vector<16xf32>
      %add3A_254 = arith.addf %get3A_249, %get3A_253 : vector<16xf32>
      %swap3A_255 = arith.index_cast %scan3A_37 : i32 to index
      %swap3A_256 = arith.constant 240 : index
      %swap3A_257 = tpu.vector_load %arg10[%swap3A_255, %swap3A_256] {strides = array<i32>} : memref<64x384xf32, #tpu.memory_space<vmem>>, vector<1x16xf32>,
      %swap3A_258 = vector.shape_cast %swap3A_257 : vector<1x16xf32> to vector<16xf32>
      %swap3A_259 = vector.shape_cast %add3A_254 : vector<16xf32> to vector<1x16xf32>
      tpu.vector_store %arg10[%swap3A_255, %swap3A_256], %swap3A_259 {strides = array<i32>} : memref<64x384xf32, #tpu.memory_space<vmem>>, vector<1x16xf32>,
      %get3A_260 = arith.index_cast %scan3A_37 : i32 to index
      %get3A_261 = arith.constant 256 : index
      %get3A_262 = tpu.vector_load %arg10[%get3A_260, %get3A_261] {strides = array<i32>} : memref<64x384xf32, #tpu.memory_space<vmem>>, vector<1x16xf32>,
      %get3A_263 = vector.shape_cast %get3A_262 : vector<1x16xf32> to vector<16xf32>
      %get3A_264 = arith.index_cast %scan3A_37 : i32 to index
      %get3A_265 = arith.constant 256 : index
      %get3A_266 = tpu.vector_load %arg11[%get3A_264, %get3A_265] {strides = array<i32>} : memref<64x384xf32, #tpu.memory_space<vmem>>, vector<1x16xf32>,
      %get3A_267 = vector.shape_cast %get3A_266 : vector<1x16xf32> to vector<16xf32>
      %add3A_268 = arith.addf %get3A_263, %get3A_267 : vector<16xf32>
      %swap3A_269 = arith.index_cast %scan3A_37 : i32 to index
      %swap3A_270 = arith.constant 256 : index
      %swap3A_271 = tpu.vector_load %arg10[%swap3A_269, %swap3A_270] {strides = array<i32>} : memref<64x384xf32, #tpu.memory_space<vmem>>, vector<1x16xf32>,
      %swap3A_272 = vector.shape_cast %swap3A_271 : vector<1x16xf32> to vector<16xf32>
      %swap3A_273 = vector.shape_cast %add3A_268 : vector<16xf32> to vector<1x16xf32>
      tpu.vector_store %arg10[%swap3A_269, %swap3A_270], %swap3A_273 {strides = array<i32>} : memref<64x384xf32, #tpu.memory_space<vmem>>, vector<1x16xf32>,
      %get3A_274 = arith.index_cast %scan3A_37 : i32 to index
      %get3A_275 = arith.constant 272 : index
      %get3A_276 = tpu.vector_load %arg10[%get3A_274, %get3A_275] {strides = array<i32>} : memref<64x384xf32, #tpu.memory_space<vmem>>, vector<1x16xf32>,
      %get3A_277 = vector.shape_cast %get3A_276 : vector<1x16xf32> to vector<16xf32>
      %get3A_278 = arith.index_cast %scan3A_37 : i32 to index
      %get3A_279 = arith.constant 272 : index
      %get3A_280 = tpu.vector_load %arg11[%get3A_278, %get3A_279] {strides = array<i32>} : memref<64x384xf32, #tpu.memory_space<vmem>>, vector<1x16xf32>,
      %get3A_281 = vector.shape_cast %get3A_280 : vector<1x16xf32> to vector<16xf32>
      %add3A_282 = arith.addf %get3A_277, %get3A_281 : vector<16xf32>
      %swap3A_283 = arith.index_cast %scan3A_37 : i32 to index
      %swap3A_284 = arith.constant 272 : index
      %swap3A_285 = tpu.vector_load %arg10[%swap3A_283, %swap3A_284] {strides = array<i32>} : memref<64x384xf32, #tpu.memory_space<vmem>>, vector<1x16xf32>,
      %swap3A_286 = vector.shape_cast %swap3A_285 : vector<1x16xf32> to vector<16xf32>
      %swap3A_287 = vector.shape_cast %add3A_282 : vector<16xf32> to vector<1x16xf32>
      tpu.vector_store %arg10[%swap3A_283, %swap3A_284], %swap3A_287 {strides = array<i32>} : memref<64x384xf32, #tpu.memory_space<vmem>>, vector<1x16xf32>,
      %get3A_288 = arith.index_cast %scan3A_37 : i32 to index
      %get3A_289 = arith.constant 288 : index
      %get3A_290 = tpu.vector_load %arg10[%get3A_288, %get3A_289] {strides = array<i32>} : memref<64x384xf32, #tpu.memory_space<vmem>>, vector<1x16xf32>,
      %get3A_291 = vector.shape_cast %get3A_290 : vector<1x16xf32> to vector<16xf32>
      %get3A_292 = arith.index_cast %scan3A_37 : i32 to index
      %get3A_293 = arith.constant 288 : index
      %get3A_294 = tpu.vector_load %arg11[%get3A_292, %get3A_293] {strides = array<i32>} : memref<64x384xf32, #tpu.memory_space<vmem>>, vector<1x16xf32>,
      %get3A_295 = vector.shape_cast %get3A_294 : vector<1x16xf32> to vector<16xf32>
      %add3A_296 = arith.addf %get3A_291, %get3A_295 : vector<16xf32>
      %swap3A_297 = arith.index_cast %scan3A_37 : i32 to index
      %swap3A_298 = arith.constant 288 : index
      %swap3A_299 = tpu.vector_load %arg10[%swap3A_297, %swap3A_298] {strides = array<i32>} : memref<64x384xf32, #tpu.memory_space<vmem>>, vector<1x16xf32>,
      %swap3A_300 = vector.shape_cast %swap3A_299 : vector<1x16xf32> to vector<16xf32>
      %swap3A_301 = vector.shape_cast %add3A_296 : vector<16xf32> to vector<1x16xf32>
      tpu.vector_store %arg10[%swap3A_297, %swap3A_298], %swap3A_301 {strides = array<i32>} : memref<64x384xf32, #tpu.memory_space<vmem>>, vector<1x16xf32>,
      %get3A_302 = arith.index_cast %scan3A_37 : i32 to index
      %get3A_303 = arith.constant 304 : index
      %get3A_304 = tpu.vector_load %arg10[%get3A_302, %get3A_303] {strides = array<i32>} : memref<64x384xf32, #tpu.memory_space<vmem>>, vector<1x16xf32>,
      %get3A_305 = vector.shape_cast %get3A_304 : vector<1x16xf32> to vector<16xf32>
      %get3A_306 = arith.index_cast %scan3A_37 : i32 to index
      %get3A_307 = arith.constant 304 : index
      %get3A_308 = tpu.vector_load %arg11[%get3A_306, %get3A_307] {strides = array<i32>} : memref<64x384xf32, #tpu.memory_space<vmem>>, vector<1x16xf32>,
      %get3A_309 = vector.shape_cast %get3A_308 : vector<1x16xf32> to vector<16xf32>
      %add3A_310 = arith.addf %get3A_305, %get3A_309 : vector<16xf32>
      %swap3A_311 = arith.index_cast %scan3A_37 : i32 to index
      %swap3A_312 = arith.constant 304 : index
      %swap3A_313 = tpu.vector_load %arg10[%swap3A_311, %swap3A_312] {strides = array<i32>} : memref<64x384xf32, #tpu.memory_space<vmem>>, vector<1x16xf32>,
      %swap3A_314 = vector.shape_cast %swap3A_313 : vector<1x16xf32> to vector<16xf32>
      %swap3A_315 = vector.shape_cast %add3A_310 : vector<16xf32> to vector<1x16xf32>
      tpu.vector_store %arg10[%swap3A_311, %swap3A_312], %swap3A_315 {strides = array<i32>} : memref<64x384xf32, #tpu.memory_space<vmem>>, vector<1x16xf32>,
      %get3A_316 = arith.index_cast %scan3A_37 : i32 to index
      %get3A_317 = arith.constant 320 : index
      %get3A_318 = tpu.vector_load %arg10[%get3A_316, %get3A_317] {strides = array<i32>} : memref<64x384xf32, #tpu.memory_space<vmem>>, vector<1x16xf32>,
      %get3A_319 = vector.shape_cast %get3A_318 : vector<1x16xf32> to vector<16xf32>
      %get3A_320 = arith.index_cast %scan3A_37 : i32 to index
      %get3A_321 = arith.constant 320 : index
      %get3A_322 = tpu.vector_load %arg11[%get3A_320, %get3A_321] {strides = array<i32>} : memref<64x384xf32, #tpu.memory_space<vmem>>, vector<1x16xf32>,
      %get3A_323 = vector.shape_cast %get3A_322 : vector<1x16xf32> to vector<16xf32>
      %add3A_324 = arith.addf %get3A_319, %get3A_323 : vector<16xf32>
      %swap3A_325 = arith.index_cast %scan3A_37 : i32 to index
      %swap3A_326 = arith.constant 320 : index
      %swap3A_327 = tpu.vector_load %arg10[%swap3A_325, %swap3A_326] {strides = array<i32>} : memref<64x384xf32, #tpu.memory_space<vmem>>, vector<1x16xf32>,
      %swap3A_328 = vector.shape_cast %swap3A_327 : vector<1x16xf32> to vector<16xf32>
      %swap3A_329 = vector.shape_cast %add3A_324 : vector<16xf32> to vector<1x16xf32>
      tpu.vector_store %arg10[%swap3A_325, %swap3A_326], %swap3A_329 {strides = array<i32>} : memref<64x384xf32, #tpu.memory_space<vmem>>, vector<1x16xf32>,
      %get3A_330 = arith.index_cast %scan3A_37 : i32 to index
      %get3A_331 = arith.constant 336 : index
      %get3A_332 = tpu.vector_load %arg10[%get3A_330, %get3A_331] {strides = array<i32>} : memref<64x384xf32, #tpu.memory_space<vmem>>, vector<1x16xf32>,
      %get3A_333 = vector.shape_cast %get3A_332 : vector<1x16xf32> to vector<16xf32>
      %get3A_334 = arith.index_cast %scan3A_37 : i32 to index
      %get3A_335 = arith.constant 336 : index
      %get3A_336 = tpu.vector_load %arg11[%get3A_334, %get3A_335] {strides = array<i32>} : memref<64x384xf32, #tpu.memory_space<vmem>>, vector<1x16xf32>,
      %get3A_337 = vector.shape_cast %get3A_336 : vector<1x16xf32> to vector<16xf32>
      %add3A_338 = arith.addf %get3A_333, %get3A_337 : vector<16xf32>
      %swap3A_339 = arith.index_cast %scan3A_37 : i32 to index
      %swap3A_340 = arith.constant 336 : index
      %swap3A_341 = tpu.vector_load %arg10[%swap3A_339, %swap3A_340] {strides = array<i32>} : memref<64x384xf32, #tpu.memory_space<vmem>>, vector<1x16xf32>,
      %swap3A_342 = vector.shape_cast %swap3A_341 : vector<1x16xf32> to vector<16xf32>
      %swap3A_343 = vector.shape_cast %add3A_338 : vector<16xf32> to vector<1x16xf32>
      tpu.vector_store %arg10[%swap3A_339, %swap3A_340], %swap3A_343 {strides = array<i32>} : memref<64x384xf32, #tpu.memory_space<vmem>>, vector<1x16xf32>,
      %get3A_344 = arith.index_cast %scan3A_37 : i32 to index
      %get3A_345 = arith.constant 352 : index
      %get3A_346 = tpu.vector_load %arg10[%get3A_344, %get3A_345] {strides = array<i32>} : memref<64x384xf32, #tpu.memory_space<vmem>>, vector<1x16xf32>,
      %get3A_347 = vector.shape_cast %get3A_346 : vector<1x16xf32> to vector<16xf32>
      %get3A_348 = arith.index_cast %scan3A_37 : i32 to index
      %get3A_349 = arith.constant 352 : index
      %get3A_350 = tpu.vector_load %arg11[%get3A_348, %get3A_349] {strides = array<i32>} : memref<64x384xf32, #tpu.memory_space<vmem>>, vector<1x16xf32>,
      %get3A_351 = vector.shape_cast %get3A_350 : vector<1x16xf32> to vector<16xf32>
      %add3A_352 = arith.addf %get3A_347, %get3A_351 : vector<16xf32>
      %swap3A_353 = arith.index_cast %scan3A_37 : i32 to index
      %swap3A_354 = arith.constant 352 : index
      %swap3A_355 = tpu.vector_load %arg10[%swap3A_353, %swap3A_354] {strides = array<i32>} : memref<64x384xf32, #tpu.memory_space<vmem>>, vector<1x16xf32>,
      %swap3A_356 = vector.shape_cast %swap3A_355 : vector<1x16xf32> to vector<16xf32>
      %swap3A_357 = vector.shape_cast %add3A_352 : vector<16xf32> to vector<1x16xf32>
      tpu.vector_store %arg10[%swap3A_353, %swap3A_354], %swap3A_357 {strides = array<i32>} : memref<64x384xf32, #tpu.memory_space<vmem>>, vector<1x16xf32>,
      %get3A_358 = arith.index_cast %scan3A_37 : i32 to index
      %get3A_359 = arith.constant 368 : index
      %get3A_360 = tpu.vector_load %arg10[%get3A_358, %get3A_359] {strides = array<i32>} : memref<64x384xf32, #tpu.memory_space<vmem>>, vector<1x16xf32>,
      %get3A_361 = vector.shape_cast %get3A_360 : vector<1x16xf32> to vector<16xf32>
      %get3A_362 = arith.index_cast %scan3A_37 : i32 to index
      %get3A_363 = arith.constant 368 : index
      %get3A_364 = tpu.vector_load %arg11[%get3A_362, %get3A_363] {strides = array<i32>} : memref<64x384xf32, #tpu.memory_space<vmem>>, vector<1x16xf32>,
      %get3A_365 = vector.shape_cast %get3A_364 : vector<1x16xf32> to vector<16xf32>
      %add3A_366 = arith.addf %get3A_361, %get3A_365 : vector<16xf32>
      %swap3A_367 = arith.index_cast %scan3A_37 : i32 to index
      %swap3A_368 = arith.constant 368 : index
      %swap3A_369 = tpu.vector_load %arg10[%swap3A_367, %swap3A_368] {strides = array<i32>} : memref<64x384xf32, #tpu.memory_space<vmem>>, vector<1x16xf32>,
      %swap3A_370 = vector.shape_cast %swap3A_369 : vector<1x16xf32> to vector<16xf32>
      %swap3A_371 = vector.shape_cast %add3A_366 : vector<16xf32> to vector<1x16xf32>
      tpu.vector_store %arg10[%swap3A_367, %swap3A_368], %swap3A_371 {strides = array<i32>} : memref<64x384xf32, #tpu.memory_space<vmem>>, vector<1x16xf32>,
    }
    %scan3A_30 = arith.constant 64 : i32
    "tpu.region"() ({
      %run_scoped3A = tpu.sem_alloc : memref<!tpu.dma_semaphore, #tpu.memory_space<semaphore_mem>>
      %dma_start3A = arith.constant 0 : i32
      %dma_start3A_37 = arith.constant 0 : i32
      %dma_start3A_38 = tpu.memref_slice %arg2[%dma_start3A, %dma_start3A_37] : memref<4104x384xf32, #tpu.memory_space<hbm>> -> memref<4104x384xf32, #tpu.memory_space<hbm>>
      tpu.enqueue_indirect_dma source(%dma_start3A_38 : memref<4104x384xf32, #tpu.memory_space<hbm>>) target(%arg11 : memref<64x384xf32, #tpu.memory_space<vmem>>) offsets(%arg9 : memref<64xi32, #tpu.memory_space<vmem>>) semaphore(%run_scoped3A : memref<!tpu.dma_semaphore, #tpu.memory_space<semaphore_mem>>)
      %dma_wait3A = arith.constant 0 : i32
      %dma_wait3A_39 = arith.constant 0 : i32
      %dma_wait3A_40 = tpu.memref_slice %arg2[%dma_wait3A, %dma_wait3A_39] : memref<4104x384xf32, #tpu.memory_space<hbm>> -> memref<4104x384xf32, #tpu.memory_space<hbm>>
      tpu.wait_indirect_dma semaphore(%run_scoped3A : memref<!tpu.dma_semaphore, #tpu.memory_space<semaphore_mem>>) src(%dma_wait3A_40 : memref<4104x384xf32, #tpu.memory_space<hbm>>) dst(%arg11 : memref<64x384xf32, #tpu.memory_space<vmem>>)
      tpu.yield
    }) : () -> ()
    %scan3A_31 = arith.constant 0 : i32
    %scan3A_32 = arith.constant 0 : i32
    %scan3A_33 = arith.constant 64 : i32
    %scan3A_34 = arith.addi %scan3A_32, %scan3A_33 : i32
    %scan3A_35 = arith.constant 1 : i32
    scf.for %scan3A_37 = %scan3A_32 to %scan3A_34 step %scan3A_35  : i32 {
      %get3A = arith.index_cast %scan3A_37 : i32 to index
      %get3A_38 = arith.constant 0 : index
      %get3A_39 = tpu.vector_load %arg10[%get3A, %get3A_38] {strides = array<i32>} : memref<64x384xf32, #tpu.memory_space<vmem>>, vector<1x16xf32>,
      %get3A_40 = vector.shape_cast %get3A_39 : vector<1x16xf32> to vector<16xf32>
      %get3A_41 = arith.index_cast %scan3A_37 : i32 to index
      %get3A_42 = arith.constant 0 : index
      %get3A_43 = tpu.vector_load %arg11[%get3A_41, %get3A_42] {strides = array<i32>} : memref<64x384xf32, #tpu.memory_space<vmem>>, vector<1x16xf32>,
      %get3A_44 = vector.shape_cast %get3A_43 : vector<1x16xf32> to vector<16xf32>
      %add3A_45 = arith.addf %get3A_40, %get3A_44 : vector<16xf32>
      %swap3A = arith.index_cast %scan3A_37 : i32 to index
      %swap3A_46 = arith.constant 0 : index
      %swap3A_47 = tpu.vector_load %arg10[%swap3A, %swap3A_46] {strides = array<i32>} : memref<64x384xf32, #tpu.memory_space<vmem>>, vector<1x16xf32>,
      %swap3A_48 = vector.shape_cast %swap3A_47 : vector<1x16xf32> to vector<16xf32>
      %swap3A_49 = vector.shape_cast %add3A_45 : vector<16xf32> to vector<1x16xf32>
      tpu.vector_store %arg10[%swap3A, %swap3A_46], %swap3A_49 {strides = array<i32>} : memref<64x384xf32, #tpu.memory_space<vmem>>, vector<1x16xf32>,
      %get3A_50 = arith.index_cast %scan3A_37 : i32 to index
      %get3A_51 = arith.constant 16 : index
      %get3A_52 = tpu.vector_load %arg10[%get3A_50, %get3A_51] {strides = array<i32>} : memref<64x384xf32, #tpu.memory_space<vmem>>, vector<1x16xf32>,
      %get3A_53 = vector.shape_cast %get3A_52 : vector<1x16xf32> to vector<16xf32>
      %get3A_54 = arith.index_cast %scan3A_37 : i32 to index
      %get3A_55 = arith.constant 16 : index
      %get3A_56 = tpu.vector_load %arg11[%get3A_54, %get3A_55] {strides = array<i32>} : memref<64x384xf32, #tpu.memory_space<vmem>>, vector<1x16xf32>,
      %get3A_57 = vector.shape_cast %get3A_56 : vector<1x16xf32> to vector<16xf32>
      %add3A_58 = arith.addf %get3A_53, %get3A_57 : vector<16xf32>
      %swap3A_59 = arith.index_cast %scan3A_37 : i32 to index
      %swap3A_60 = arith.constant 16 : index
      %swap3A_61 = tpu.vector_load %arg10[%swap3A_59, %swap3A_60] {strides = array<i32>} : memref<64x384xf32, #tpu.memory_space<vmem>>, vector<1x16xf32>,
      %swap3A_62 = vector.shape_cast %swap3A_61 : vector<1x16xf32> to vector<16xf32>
      %swap3A_63 = vector.shape_cast %add3A_58 : vector<16xf32> to vector<1x16xf32>
      tpu.vector_store %arg10[%swap3A_59, %swap3A_60], %swap3A_63 {strides = array<i32>} : memref<64x384xf32, #tpu.memory_space<vmem>>, vector<1x16xf32>,
      %get3A_64 = arith.index_cast %scan3A_37 : i32 to index
      %get3A_65 = arith.constant 32 : index
      %get3A_66 = tpu.vector_load %arg10[%get3A_64, %get3A_65] {strides = array<i32>} : memref<64x384xf32, #tpu.memory_space<vmem>>, vector<1x16xf32>,
      %get3A_67 = vector.shape_cast %get3A_66 : vector<1x16xf32> to vector<16xf32>
      %get3A_68 = arith.index_cast %scan3A_37 : i32 to index
      %get3A_69 = arith.constant 32 : index
      %get3A_70 = tpu.vector_load %arg11[%get3A_68, %get3A_69] {strides = array<i32>} : memref<64x384xf32, #tpu.memory_space<vmem>>, vector<1x16xf32>,
      %get3A_71 = vector.shape_cast %get3A_70 : vector<1x16xf32> to vector<16xf32>
      %add3A_72 = arith.addf %get3A_67, %get3A_71 : vector<16xf32>
      %swap3A_73 = arith.index_cast %scan3A_37 : i32 to index
      %swap3A_74 = arith.constant 32 : index
      %swap3A_75 = tpu.vector_load %arg10[%swap3A_73, %swap3A_74] {strides = array<i32>} : memref<64x384xf32, #tpu.memory_space<vmem>>, vector<1x16xf32>,
      %swap3A_76 = vector.shape_cast %swap3A_75 : vector<1x16xf32> to vector<16xf32>
      %swap3A_77 = vector.shape_cast %add3A_72 : vector<16xf32> to vector<1x16xf32>
      tpu.vector_store %arg10[%swap3A_73, %swap3A_74], %swap3A_77 {strides = array<i32>} : memref<64x384xf32, #tpu.memory_space<vmem>>, vector<1x16xf32>,
      %get3A_78 = arith.index_cast %scan3A_37 : i32 to index
      %get3A_79 = arith.constant 48 : index
      %get3A_80 = tpu.vector_load %arg10[%get3A_78, %get3A_79] {strides = array<i32>} : memref<64x384xf32, #tpu.memory_space<vmem>>, vector<1x16xf32>,
      %get3A_81 = vector.shape_cast %get3A_80 : vector<1x16xf32> to vector<16xf32>
      %get3A_82 = arith.index_cast %scan3A_37 : i32 to index
      %get3A_83 = arith.constant 48 : index
      %get3A_84 = tpu.vector_load %arg11[%get3A_82, %get3A_83] {strides = array<i32>} : memref<64x384xf32, #tpu.memory_space<vmem>>, vector<1x16xf32>,
      %get3A_85 = vector.shape_cast %get3A_84 : vector<1x16xf32> to vector<16xf32>
      %add3A_86 = arith.addf %get3A_81, %get3A_85 : vector<16xf32>
      %swap3A_87 = arith.index_cast %scan3A_37 : i32 to index
      %swap3A_88 = arith.constant 48 : index
      %swap3A_89 = tpu.vector_load %arg10[%swap3A_87, %swap3A_88] {strides = array<i32>} : memref<64x384xf32, #tpu.memory_space<vmem>>, vector<1x16xf32>,
      %swap3A_90 = vector.shape_cast %swap3A_89 : vector<1x16xf32> to vector<16xf32>
      %swap3A_91 = vector.shape_cast %add3A_86 : vector<16xf32> to vector<1x16xf32>
      tpu.vector_store %arg10[%swap3A_87, %swap3A_88], %swap3A_91 {strides = array<i32>} : memref<64x384xf32, #tpu.memory_space<vmem>>, vector<1x16xf32>,
      %get3A_92 = arith.index_cast %scan3A_37 : i32 to index
      %get3A_93 = arith.constant 64 : index
      %get3A_94 = tpu.vector_load %arg10[%get3A_92, %get3A_93] {strides = array<i32>} : memref<64x384xf32, #tpu.memory_space<vmem>>, vector<1x16xf32>,
      %get3A_95 = vector.shape_cast %get3A_94 : vector<1x16xf32> to vector<16xf32>
      %get3A_96 = arith.index_cast %scan3A_37 : i32 to index
      %get3A_97 = arith.constant 64 : index
      %get3A_98 = tpu.vector_load %arg11[%get3A_96, %get3A_97] {strides = array<i32>} : memref<64x384xf32, #tpu.memory_space<vmem>>, vector<1x16xf32>,
      %get3A_99 = vector.shape_cast %get3A_98 : vector<1x16xf32> to vector<16xf32>
      %add3A_100 = arith.addf %get3A_95, %get3A_99 : vector<16xf32>
      %swap3A_101 = arith.index_cast %scan3A_37 : i32 to index
      %swap3A_102 = arith.constant 64 : index
      %swap3A_103 = tpu.vector_load %arg10[%swap3A_101, %swap3A_102] {strides = array<i32>} : memref<64x384xf32, #tpu.memory_space<vmem>>, vector<1x16xf32>,
      %swap3A_104 = vector.shape_cast %swap3A_103 : vector<1x16xf32> to vector<16xf32>
      %swap3A_105 = vector.shape_cast %add3A_100 : vector<16xf32> to vector<1x16xf32>
      tpu.vector_store %arg10[%swap3A_101, %swap3A_102], %swap3A_105 {strides = array<i32>} : memref<64x384xf32, #tpu.memory_space<vmem>>, vector<1x16xf32>,
      %get3A_106 = arith.index_cast %scan3A_37 : i32 to index
      %get3A_107 = arith.constant 80 : index
      %get3A_108 = tpu.vector_load %arg10[%get3A_106, %get3A_107] {strides = array<i32>} : memref<64x384xf32, #tpu.memory_space<vmem>>, vector<1x16xf32>,
      %get3A_109 = vector.shape_cast %get3A_108 : vector<1x16xf32> to vector<16xf32>
      %get3A_110 = arith.index_cast %scan3A_37 : i32 to index
      %get3A_111 = arith.constant 80 : index
      %get3A_112 = tpu.vector_load %arg11[%get3A_110, %get3A_111] {strides = array<i32>} : memref<64x384xf32, #tpu.memory_space<vmem>>, vector<1x16xf32>,
      %get3A_113 = vector.shape_cast %get3A_112 : vector<1x16xf32> to vector<16xf32>
      %add3A_114 = arith.addf %get3A_109, %get3A_113 : vector<16xf32>
      %swap3A_115 = arith.index_cast %scan3A_37 : i32 to index
      %swap3A_116 = arith.constant 80 : index
      %swap3A_117 = tpu.vector_load %arg10[%swap3A_115, %swap3A_116] {strides = array<i32>} : memref<64x384xf32, #tpu.memory_space<vmem>>, vector<1x16xf32>,
      %swap3A_118 = vector.shape_cast %swap3A_117 : vector<1x16xf32> to vector<16xf32>
      %swap3A_119 = vector.shape_cast %add3A_114 : vector<16xf32> to vector<1x16xf32>
      tpu.vector_store %arg10[%swap3A_115, %swap3A_116], %swap3A_119 {strides = array<i32>} : memref<64x384xf32, #tpu.memory_space<vmem>>, vector<1x16xf32>,
      %get3A_120 = arith.index_cast %scan3A_37 : i32 to index
      %get3A_121 = arith.constant 96 : index
      %get3A_122 = tpu.vector_load %arg10[%get3A_120, %get3A_121] {strides = array<i32>} : memref<64x384xf32, #tpu.memory_space<vmem>>, vector<1x16xf32>,
      %get3A_123 = vector.shape_cast %get3A_122 : vector<1x16xf32> to vector<16xf32>
      %get3A_124 = arith.index_cast %scan3A_37 : i32 to index
      %get3A_125 = arith.constant 96 : index
      %get3A_126 = tpu.vector_load %arg11[%get3A_124, %get3A_125] {strides = array<i32>} : memref<64x384xf32, #tpu.memory_space<vmem>>, vector<1x16xf32>,
      %get3A_127 = vector.shape_cast %get3A_126 : vector<1x16xf32> to vector<16xf32>
      %add3A_128 = arith.addf %get3A_123, %get3A_127 : vector<16xf32>
      %swap3A_129 = arith.index_cast %scan3A_37 : i32 to index
      %swap3A_130 = arith.constant 96 : index
      %swap3A_131 = tpu.vector_load %arg10[%swap3A_129, %swap3A_130] {strides = array<i32>} : memref<64x384xf32, #tpu.memory_space<vmem>>, vector<1x16xf32>,
      %swap3A_132 = vector.shape_cast %swap3A_131 : vector<1x16xf32> to vector<16xf32>
      %swap3A_133 = vector.shape_cast %add3A_128 : vector<16xf32> to vector<1x16xf32>
      tpu.vector_store %arg10[%swap3A_129, %swap3A_130], %swap3A_133 {strides = array<i32>} : memref<64x384xf32, #tpu.memory_space<vmem>>, vector<1x16xf32>,
      %get3A_134 = arith.index_cast %scan3A_37 : i32 to index
      %get3A_135 = arith.constant 112 : index
      %get3A_136 = tpu.vector_load %arg10[%get3A_134, %get3A_135] {strides = array<i32>} : memref<64x384xf32, #tpu.memory_space<vmem>>, vector<1x16xf32>,
      %get3A_137 = vector.shape_cast %get3A_136 : vector<1x16xf32> to vector<16xf32>
      %get3A_138 = arith.index_cast %scan3A_37 : i32 to index
      %get3A_139 = arith.constant 112 : index
      %get3A_140 = tpu.vector_load %arg11[%get3A_138, %get3A_139] {strides = array<i32>} : memref<64x384xf32, #tpu.memory_space<vmem>>, vector<1x16xf32>,
      %get3A_141 = vector.shape_cast %get3A_140 : vector<1x16xf32> to vector<16xf32>
      %add3A_142 = arith.addf %get3A_137, %get3A_141 : vector<16xf32>
      %swap3A_143 = arith.index_cast %scan3A_37 : i32 to index
      %swap3A_144 = arith.constant 112 : index
      %swap3A_145 = tpu.vector_load %arg10[%swap3A_143, %swap3A_144] {strides = array<i32>} : memref<64x384xf32, #tpu.memory_space<vmem>>, vector<1x16xf32>,
      %swap3A_146 = vector.shape_cast %swap3A_145 : vector<1x16xf32> to vector<16xf32>
      %swap3A_147 = vector.shape_cast %add3A_142 : vector<16xf32> to vector<1x16xf32>
      tpu.vector_store %arg10[%swap3A_143, %swap3A_144], %swap3A_147 {strides = array<i32>} : memref<64x384xf32, #tpu.memory_space<vmem>>, vector<1x16xf32>,
      %get3A_148 = arith.index_cast %scan3A_37 : i32 to index
      %get3A_149 = arith.constant 128 : index
      %get3A_150 = tpu.vector_load %arg10[%get3A_148, %get3A_149] {strides = array<i32>} : memref<64x384xf32, #tpu.memory_space<vmem>>, vector<1x16xf32>,
      %get3A_151 = vector.shape_cast %get3A_150 : vector<1x16xf32> to vector<16xf32>
      %get3A_152 = arith.index_cast %scan3A_37 : i32 to index
      %get3A_153 = arith.constant 128 : index
      %get3A_154 = tpu.vector_load %arg11[%get3A_152, %get3A_153] {strides = array<i32>} : memref<64x384xf32, #tpu.memory_space<vmem>>, vector<1x16xf32>,
      %get3A_155 = vector.shape_cast %get3A_154 : vector<1x16xf32> to vector<16xf32>
      %add3A_156 = arith.addf %get3A_151, %get3A_155 : vector<16xf32>
      %swap3A_157 = arith.index_cast %scan3A_37 : i32 to index
      %swap3A_158 = arith.constant 128 : index
      %swap3A_159 = tpu.vector_load %arg10[%swap3A_157, %swap3A_158] {strides = array<i32>} : memref<64x384xf32, #tpu.memory_space<vmem>>, vector<1x16xf32>,
      %swap3A_160 = vector.shape_cast %swap3A_159 : vector<1x16xf32> to vector<16xf32>
      %swap3A_161 = vector.shape_cast %add3A_156 : vector<16xf32> to vector<1x16xf32>
      tpu.vector_store %arg10[%swap3A_157, %swap3A_158], %swap3A_161 {strides = array<i32>} : memref<64x384xf32, #tpu.memory_space<vmem>>, vector<1x16xf32>,
      %get3A_162 = arith.index_cast %scan3A_37 : i32 to index
      %get3A_163 = arith.constant 144 : index
      %get3A_164 = tpu.vector_load %arg10[%get3A_162, %get3A_163] {strides = array<i32>} : memref<64x384xf32, #tpu.memory_space<vmem>>, vector<1x16xf32>,
      %get3A_165 = vector.shape_cast %get3A_164 : vector<1x16xf32> to vector<16xf32>
      %get3A_166 = arith.index_cast %scan3A_37 : i32 to index
      %get3A_167 = arith.constant 144 : index
      %get3A_168 = tpu.vector_load %arg11[%get3A_166, %get3A_167] {strides = array<i32>} : memref<64x384xf32, #tpu.memory_space<vmem>>, vector<1x16xf32>,
      %get3A_169 = vector.shape_cast %get3A_168 : vector<1x16xf32> to vector<16xf32>
      %add3A_170 = arith.addf %get3A_165, %get3A_169 : vector<16xf32>
      %swap3A_171 = arith.index_cast %scan3A_37 : i32 to index
      %swap3A_172 = arith.constant 144 : index
      %swap3A_173 = tpu.vector_load %arg10[%swap3A_171, %swap3A_172] {strides = array<i32>} : memref<64x384xf32, #tpu.memory_space<vmem>>, vector<1x16xf32>,
      %swap3A_174 = vector.shape_cast %swap3A_173 : vector<1x16xf32> to vector<16xf32>
      %swap3A_175 = vector.shape_cast %add3A_170 : vector<16xf32> to vector<1x16xf32>
      tpu.vector_store %arg10[%swap3A_171, %swap3A_172], %swap3A_175 {strides = array<i32>} : memref<64x384xf32, #tpu.memory_space<vmem>>, vector<1x16xf32>,
      %get3A_176 = arith.index_cast %scan3A_37 : i32 to index
      %get3A_177 = arith.constant 160 : index
      %get3A_178 = tpu.vector_load %arg10[%get3A_176, %get3A_177] {strides = array<i32>} : memref<64x384xf32, #tpu.memory_space<vmem>>, vector<1x16xf32>,
      %get3A_179 = vector.shape_cast %get3A_178 : vector<1x16xf32> to vector<16xf32>
      %get3A_180 = arith.index_cast %scan3A_37 : i32 to index
      %get3A_181 = arith.constant 160 : index
      %get3A_182 = tpu.vector_load %arg11[%get3A_180, %get3A_181] {strides = array<i32>} : memref<64x384xf32, #tpu.memory_space<vmem>>, vector<1x16xf32>,
      %get3A_183 = vector.shape_cast %get3A_182 : vector<1x16xf32> to vector<16xf32>
      %add3A_184 = arith.addf %get3A_179, %get3A_183 : vector<16xf32>
      %swap3A_185 = arith.index_cast %scan3A_37 : i32 to index
      %swap3A_186 = arith.constant 160 : index
      %swap3A_187 = tpu.vector_load %arg10[%swap3A_185, %swap3A_186] {strides = array<i32>} : memref<64x384xf32, #tpu.memory_space<vmem>>, vector<1x16xf32>,
      %swap3A_188 = vector.shape_cast %swap3A_187 : vector<1x16xf32> to vector<16xf32>
      %swap3A_189 = vector.shape_cast %add3A_184 : vector<16xf32> to vector<1x16xf32>
      tpu.vector_store %arg10[%swap3A_185, %swap3A_186], %swap3A_189 {strides = array<i32>} : memref<64x384xf32, #tpu.memory_space<vmem>>, vector<1x16xf32>,
      %get3A_190 = arith.index_cast %scan3A_37 : i32 to index
      %get3A_191 = arith.constant 176 : index
      %get3A_192 = tpu.vector_load %arg10[%get3A_190, %get3A_191] {strides = array<i32>} : memref<64x384xf32, #tpu.memory_space<vmem>>, vector<1x16xf32>,
      %get3A_193 = vector.shape_cast %get3A_192 : vector<1x16xf32> to vector<16xf32>
      %get3A_194 = arith.index_cast %scan3A_37 : i32 to index
      %get3A_195 = arith.constant 176 : index
      %get3A_196 = tpu.vector_load %arg11[%get3A_194, %get3A_195] {strides = array<i32>} : memref<64x384xf32, #tpu.memory_space<vmem>>, vector<1x16xf32>,
      %get3A_197 = vector.shape_cast %get3A_196 : vector<1x16xf32> to vector<16xf32>
      %add3A_198 = arith.addf %get3A_193, %get3A_197 : vector<16xf32>
      %swap3A_199 = arith.index_cast %scan3A_37 : i32 to index
      %swap3A_200 = arith.constant 176 : index
      %swap3A_201 = tpu.vector_load %arg10[%swap3A_199, %swap3A_200] {strides = array<i32>} : memref<64x384xf32, #tpu.memory_space<vmem>>, vector<1x16xf32>,
      %swap3A_202 = vector.shape_cast %swap3A_201 : vector<1x16xf32> to vector<16xf32>
      %swap3A_203 = vector.shape_cast %add3A_198 : vector<16xf32> to vector<1x16xf32>
      tpu.vector_store %arg10[%swap3A_199, %swap3A_200], %swap3A_203 {strides = array<i32>} : memref<64x384xf32, #tpu.memory_space<vmem>>, vector<1x16xf32>,
      %get3A_204 = arith.index_cast %scan3A_37 : i32 to index
      %get3A_205 = arith.constant 192 : index
      %get3A_206 = tpu.vector_load %arg10[%get3A_204, %get3A_205] {strides = array<i32>} : memref<64x384xf32, #tpu.memory_space<vmem>>, vector<1x16xf32>,
      %get3A_207 = vector.shape_cast %get3A_206 : vector<1x16xf32> to vector<16xf32>
      %get3A_208 = arith.index_cast %scan3A_37 : i32 to index
      %get3A_209 = arith.constant 192 : index
      %get3A_210 = tpu.vector_load %arg11[%get3A_208, %get3A_209] {strides = array<i32>} : memref<64x384xf32, #tpu.memory_space<vmem>>, vector<1x16xf32>,
      %get3A_211 = vector.shape_cast %get3A_210 : vector<1x16xf32> to vector<16xf32>
      %add3A_212 = arith.addf %get3A_207, %get3A_211 : vector<16xf32>
      %swap3A_213 = arith.index_cast %scan3A_37 : i32 to index
      %swap3A_214 = arith.constant 192 : index
      %swap3A_215 = tpu.vector_load %arg10[%swap3A_213, %swap3A_214] {strides = array<i32>} : memref<64x384xf32, #tpu.memory_space<vmem>>, vector<1x16xf32>,
      %swap3A_216 = vector.shape_cast %swap3A_215 : vector<1x16xf32> to vector<16xf32>
      %swap3A_217 = vector.shape_cast %add3A_212 : vector<16xf32> to vector<1x16xf32>
      tpu.vector_store %arg10[%swap3A_213, %swap3A_214], %swap3A_217 {strides = array<i32>} : memref<64x384xf32, #tpu.memory_space<vmem>>, vector<1x16xf32>,
      %get3A_218 = arith.index_cast %scan3A_37 : i32 to index
      %get3A_219 = arith.constant 208 : index
      %get3A_220 = tpu.vector_load %arg10[%get3A_218, %get3A_219] {strides = array<i32>} : memref<64x384xf32, #tpu.memory_space<vmem>>, vector<1x16xf32>,
      %get3A_221 = vector.shape_cast %get3A_220 : vector<1x16xf32> to vector<16xf32>
      %get3A_222 = arith.index_cast %scan3A_37 : i32 to index
      %get3A_223 = arith.constant 208 : index
      %get3A_224 = tpu.vector_load %arg11[%get3A_222, %get3A_223] {strides = array<i32>} : memref<64x384xf32, #tpu.memory_space<vmem>>, vector<1x16xf32>,
      %get3A_225 = vector.shape_cast %get3A_224 : vector<1x16xf32> to vector<16xf32>
      %add3A_226 = arith.addf %get3A_221, %get3A_225 : vector<16xf32>
      %swap3A_227 = arith.index_cast %scan3A_37 : i32 to index
      %swap3A_228 = arith.constant 208 : index
      %swap3A_229 = tpu.vector_load %arg10[%swap3A_227, %swap3A_228] {strides = array<i32>} : memref<64x384xf32, #tpu.memory_space<vmem>>, vector<1x16xf32>,
      %swap3A_230 = vector.shape_cast %swap3A_229 : vector<1x16xf32> to vector<16xf32>
      %swap3A_231 = vector.shape_cast %add3A_226 : vector<16xf32> to vector<1x16xf32>
      tpu.vector_store %arg10[%swap3A_227, %swap3A_228], %swap3A_231 {strides = array<i32>} : memref<64x384xf32, #tpu.memory_space<vmem>>, vector<1x16xf32>,
      %get3A_232 = arith.index_cast %scan3A_37 : i32 to index
      %get3A_233 = arith.constant 224 : index
      %get3A_234 = tpu.vector_load %arg10[%get3A_232, %get3A_233] {strides = array<i32>} : memref<64x384xf32, #tpu.memory_space<vmem>>, vector<1x16xf32>,
      %get3A_235 = vector.shape_cast %get3A_234 : vector<1x16xf32> to vector<16xf32>
      %get3A_236 = arith.index_cast %scan3A_37 : i32 to index
      %get3A_237 = arith.constant 224 : index
      %get3A_238 = tpu.vector_load %arg11[%get3A_236, %get3A_237] {strides = array<i32>} : memref<64x384xf32, #tpu.memory_space<vmem>>, vector<1x16xf32>,
      %get3A_239 = vector.shape_cast %get3A_238 : vector<1x16xf32> to vector<16xf32>
      %add3A_240 = arith.addf %get3A_235, %get3A_239 : vector<16xf32>
      %swap3A_241 = arith.index_cast %scan3A_37 : i32 to index
      %swap3A_242 = arith.constant 224 : index
      %swap3A_243 = tpu.vector_load %arg10[%swap3A_241, %swap3A_242] {strides = array<i32>} : memref<64x384xf32, #tpu.memory_space<vmem>>, vector<1x16xf32>,
      %swap3A_244 = vector.shape_cast %swap3A_243 : vector<1x16xf32> to vector<16xf32>
      %swap3A_245 = vector.shape_cast %add3A_240 : vector<16xf32> to vector<1x16xf32>
      tpu.vector_store %arg10[%swap3A_241, %swap3A_242], %swap3A_245 {strides = array<i32>} : memref<64x384xf32, #tpu.memory_space<vmem>>, vector<1x16xf32>,
      %get3A_246 = arith.index_cast %scan3A_37 : i32 to index
      %get3A_247 = arith.constant 240 : index
      %get3A_248 = tpu.vector_load %arg10[%get3A_246, %get3A_247] {strides = array<i32>} : memref<64x384xf32, #tpu.memory_space<vmem>>, vector<1x16xf32>,
      %get3A_249 = vector.shape_cast %get3A_248 : vector<1x16xf32> to vector<16xf32>
      %get3A_250 = arith.index_cast %scan3A_37 : i32 to index
      %get3A_251 = arith.constant 240 : index
      %get3A_252 = tpu.vector_load %arg11[%get3A_250, %get3A_251] {strides = array<i32>} : memref<64x384xf32, #tpu.memory_space<vmem>>, vector<1x16xf32>,
      %get3A_253 = vector.shape_cast %get3A_252 : vector<1x16xf32> to vector<16xf32>
      %add3A_254 = arith.addf %get3A_249, %get3A_253 : vector<16xf32>
      %swap3A_255 = arith.index_cast %scan3A_37 : i32 to index
      %swap3A_256 = arith.constant 240 : index
      %swap3A_257 = tpu.vector_load %arg10[%swap3A_255, %swap3A_256] {strides = array<i32>} : memref<64x384xf32, #tpu.memory_space<vmem>>, vector<1x16xf32>,
      %swap3A_258 = vector.shape_cast %swap3A_257 : vector<1x16xf32> to vector<16xf32>
      %swap3A_259 = vector.shape_cast %add3A_254 : vector<16xf32> to vector<1x16xf32>
      tpu.vector_store %arg10[%swap3A_255, %swap3A_256], %swap3A_259 {strides = array<i32>} : memref<64x384xf32, #tpu.memory_space<vmem>>, vector<1x16xf32>,
      %get3A_260 = arith.index_cast %scan3A_37 : i32 to index
      %get3A_261 = arith.constant 256 : index
      %get3A_262 = tpu.vector_load %arg10[%get3A_260, %get3A_261] {strides = array<i32>} : memref<64x384xf32, #tpu.memory_space<vmem>>, vector<1x16xf32>,
      %get3A_263 = vector.shape_cast %get3A_262 : vector<1x16xf32> to vector<16xf32>
      %get3A_264 = arith.index_cast %scan3A_37 : i32 to index
      %get3A_265 = arith.constant 256 : index
      %get3A_266 = tpu.vector_load %arg11[%get3A_264, %get3A_265] {strides = array<i32>} : memref<64x384xf32, #tpu.memory_space<vmem>>, vector<1x16xf32>,
      %get3A_267 = vector.shape_cast %get3A_266 : vector<1x16xf32> to vector<16xf32>
      %add3A_268 = arith.addf %get3A_263, %get3A_267 : vector<16xf32>
      %swap3A_269 = arith.index_cast %scan3A_37 : i32 to index
      %swap3A_270 = arith.constant 256 : index
      %swap3A_271 = tpu.vector_load %arg10[%swap3A_269, %swap3A_270] {strides = array<i32>} : memref<64x384xf32, #tpu.memory_space<vmem>>, vector<1x16xf32>,
      %swap3A_272 = vector.shape_cast %swap3A_271 : vector<1x16xf32> to vector<16xf32>
      %swap3A_273 = vector.shape_cast %add3A_268 : vector<16xf32> to vector<1x16xf32>
      tpu.vector_store %arg10[%swap3A_269, %swap3A_270], %swap3A_273 {strides = array<i32>} : memref<64x384xf32, #tpu.memory_space<vmem>>, vector<1x16xf32>,
      %get3A_274 = arith.index_cast %scan3A_37 : i32 to index
      %get3A_275 = arith.constant 272 : index
      %get3A_276 = tpu.vector_load %arg10[%get3A_274, %get3A_275] {strides = array<i32>} : memref<64x384xf32, #tpu.memory_space<vmem>>, vector<1x16xf32>,
      %get3A_277 = vector.shape_cast %get3A_276 : vector<1x16xf32> to vector<16xf32>
      %get3A_278 = arith.index_cast %scan3A_37 : i32 to index
      %get3A_279 = arith.constant 272 : index
      %get3A_280 = tpu.vector_load %arg11[%get3A_278, %get3A_279] {strides = array<i32>} : memref<64x384xf32, #tpu.memory_space<vmem>>, vector<1x16xf32>,
      %get3A_281 = vector.shape_cast %get3A_280 : vector<1x16xf32> to vector<16xf32>
      %add3A_282 = arith.addf %get3A_277, %get3A_281 : vector<16xf32>
      %swap3A_283 = arith.index_cast %scan3A_37 : i32 to index
      %swap3A_284 = arith.constant 272 : index
      %swap3A_285 = tpu.vector_load %arg10[%swap3A_283, %swap3A_284] {strides = array<i32>} : memref<64x384xf32, #tpu.memory_space<vmem>>, vector<1x16xf32>,
      %swap3A_286 = vector.shape_cast %swap3A_285 : vector<1x16xf32> to vector<16xf32>
      %swap3A_287 = vector.shape_cast %add3A_282 : vector<16xf32> to vector<1x16xf32>
      tpu.vector_store %arg10[%swap3A_283, %swap3A_284], %swap3A_287 {strides = array<i32>} : memref<64x384xf32, #tpu.memory_space<vmem>>, vector<1x16xf32>,
      %get3A_288 = arith.index_cast %scan3A_37 : i32 to index
      %get3A_289 = arith.constant 288 : index
      %get3A_290 = tpu.vector_load %arg10[%get3A_288, %get3A_289] {strides = array<i32>} : memref<64x384xf32, #tpu.memory_space<vmem>>, vector<1x16xf32>,
      %get3A_291 = vector.shape_cast %get3A_290 : vector<1x16xf32> to vector<16xf32>
      %get3A_292 = arith.index_cast %scan3A_37 : i32 to index
      %get3A_293 = arith.constant 288 : index
      %get3A_294 = tpu.vector_load %arg11[%get3A_292, %get3A_293] {strides = array<i32>} : memref<64x384xf32, #tpu.memory_space<vmem>>, vector<1x16xf32>,
      %get3A_295 = vector.shape_cast %get3A_294 : vector<1x16xf32> to vector<16xf32>
      %add3A_296 = arith.addf %get3A_291, %get3A_295 : vector<16xf32>
      %swap3A_297 = arith.index_cast %scan3A_37 : i32 to index
      %swap3A_298 = arith.constant 288 : index
      %swap3A_299 = tpu.vector_load %arg10[%swap3A_297, %swap3A_298] {strides = array<i32>} : memref<64x384xf32, #tpu.memory_space<vmem>>, vector<1x16xf32>,
      %swap3A_300 = vector.shape_cast %swap3A_299 : vector<1x16xf32> to vector<16xf32>
      %swap3A_301 = vector.shape_cast %add3A_296 : vector<16xf32> to vector<1x16xf32>
      tpu.vector_store %arg10[%swap3A_297, %swap3A_298], %swap3A_301 {strides = array<i32>} : memref<64x384xf32, #tpu.memory_space<vmem>>, vector<1x16xf32>,
      %get3A_302 = arith.index_cast %scan3A_37 : i32 to index
      %get3A_303 = arith.constant 304 : index
      %get3A_304 = tpu.vector_load %arg10[%get3A_302, %get3A_303] {strides = array<i32>} : memref<64x384xf32, #tpu.memory_space<vmem>>, vector<1x16xf32>,
      %get3A_305 = vector.shape_cast %get3A_304 : vector<1x16xf32> to vector<16xf32>
      %get3A_306 = arith.index_cast %scan3A_37 : i32 to index
      %get3A_307 = arith.constant 304 : index
      %get3A_308 = tpu.vector_load %arg11[%get3A_306, %get3A_307] {strides = array<i32>} : memref<64x384xf32, #tpu.memory_space<vmem>>, vector<1x16xf32>,
      %get3A_309 = vector.shape_cast %get3A_308 : vector<1x16xf32> to vector<16xf32>
      %add3A_310 = arith.addf %get3A_305, %get3A_309 : vector<16xf32>
      %swap3A_311 = arith.index_cast %scan3A_37 : i32 to index
      %swap3A_312 = arith.constant 304 : index
      %swap3A_313 = tpu.vector_load %arg10[%swap3A_311, %swap3A_312] {strides = array<i32>} : memref<64x384xf32, #tpu.memory_space<vmem>>, vector<1x16xf32>,
      %swap3A_314 = vector.shape_cast %swap3A_313 : vector<1x16xf32> to vector<16xf32>
      %swap3A_315 = vector.shape_cast %add3A_310 : vector<16xf32> to vector<1x16xf32>
      tpu.vector_store %arg10[%swap3A_311, %swap3A_312], %swap3A_315 {strides = array<i32>} : memref<64x384xf32, #tpu.memory_space<vmem>>, vector<1x16xf32>,
      %get3A_316 = arith.index_cast %scan3A_37 : i32 to index
      %get3A_317 = arith.constant 320 : index
      %get3A_318 = tpu.vector_load %arg10[%get3A_316, %get3A_317] {strides = array<i32>} : memref<64x384xf32, #tpu.memory_space<vmem>>, vector<1x16xf32>,
      %get3A_319 = vector.shape_cast %get3A_318 : vector<1x16xf32> to vector<16xf32>
      %get3A_320 = arith.index_cast %scan3A_37 : i32 to index
      %get3A_321 = arith.constant 320 : index
      %get3A_322 = tpu.vector_load %arg11[%get3A_320, %get3A_321] {strides = array<i32>} : memref<64x384xf32, #tpu.memory_space<vmem>>, vector<1x16xf32>,
      %get3A_323 = vector.shape_cast %get3A_322 : vector<1x16xf32> to vector<16xf32>
      %add3A_324 = arith.addf %get3A_319, %get3A_323 : vector<16xf32>
      %swap3A_325 = arith.index_cast %scan3A_37 : i32 to index
      %swap3A_326 = arith.constant 320 : index
      %swap3A_327 = tpu.vector_load %arg10[%swap3A_325, %swap3A_326] {strides = array<i32>} : memref<64x384xf32, #tpu.memory_space<vmem>>, vector<1x16xf32>,
      %swap3A_328 = vector.shape_cast %swap3A_327 : vector<1x16xf32> to vector<16xf32>
      %swap3A_329 = vector.shape_cast %add3A_324 : vector<16xf32> to vector<1x16xf32>
      tpu.vector_store %arg10[%swap3A_325, %swap3A_326], %swap3A_329 {strides = array<i32>} : memref<64x384xf32, #tpu.memory_space<vmem>>, vector<1x16xf32>,
      %get3A_330 = arith.index_cast %scan3A_37 : i32 to index
      %get3A_331 = arith.constant 336 : index
      %get3A_332 = tpu.vector_load %arg10[%get3A_330, %get3A_331] {strides = array<i32>} : memref<64x384xf32, #tpu.memory_space<vmem>>, vector<1x16xf32>,
      %get3A_333 = vector.shape_cast %get3A_332 : vector<1x16xf32> to vector<16xf32>
      %get3A_334 = arith.index_cast %scan3A_37 : i32 to index
      %get3A_335 = arith.constant 336 : index
      %get3A_336 = tpu.vector_load %arg11[%get3A_334, %get3A_335] {strides = array<i32>} : memref<64x384xf32, #tpu.memory_space<vmem>>, vector<1x16xf32>,
      %get3A_337 = vector.shape_cast %get3A_336 : vector<1x16xf32> to vector<16xf32>
      %add3A_338 = arith.addf %get3A_333, %get3A_337 : vector<16xf32>
      %swap3A_339 = arith.index_cast %scan3A_37 : i32 to index
      %swap3A_340 = arith.constant 336 : index
      %swap3A_341 = tpu.vector_load %arg10[%swap3A_339, %swap3A_340] {strides = array<i32>} : memref<64x384xf32, #tpu.memory_space<vmem>>, vector<1x16xf32>,
      %swap3A_342 = vector.shape_cast %swap3A_341 : vector<1x16xf32> to vector<16xf32>
      %swap3A_343 = vector.shape_cast %add3A_338 : vector<16xf32> to vector<1x16xf32>
      tpu.vector_store %arg10[%swap3A_339, %swap3A_340], %swap3A_343 {strides = array<i32>} : memref<64x384xf32, #tpu.memory_space<vmem>>, vector<1x16xf32>,
      %get3A_344 = arith.index_cast %scan3A_37 : i32 to index
      %get3A_345 = arith.constant 352 : index
      %get3A_346 = tpu.vector_load %arg10[%get3A_344, %get3A_345] {strides = array<i32>} : memref<64x384xf32, #tpu.memory_space<vmem>>, vector<1x16xf32>,
      %get3A_347 = vector.shape_cast %get3A_346 : vector<1x16xf32> to vector<16xf32>
      %get3A_348 = arith.index_cast %scan3A_37 : i32 to index
      %get3A_349 = arith.constant 352 : index
      %get3A_350 = tpu.vector_load %arg11[%get3A_348, %get3A_349] {strides = array<i32>} : memref<64x384xf32, #tpu.memory_space<vmem>>, vector<1x16xf32>,
      %get3A_351 = vector.shape_cast %get3A_350 : vector<1x16xf32> to vector<16xf32>
      %add3A_352 = arith.addf %get3A_347, %get3A_351 : vector<16xf32>
      %swap3A_353 = arith.index_cast %scan3A_37 : i32 to index
      %swap3A_354 = arith.constant 352 : index
      %swap3A_355 = tpu.vector_load %arg10[%swap3A_353, %swap3A_354] {strides = array<i32>} : memref<64x384xf32, #tpu.memory_space<vmem>>, vector<1x16xf32>,
      %swap3A_356 = vector.shape_cast %swap3A_355 : vector<1x16xf32> to vector<16xf32>
      %swap3A_357 = vector.shape_cast %add3A_352 : vector<16xf32> to vector<1x16xf32>
      tpu.vector_store %arg10[%swap3A_353, %swap3A_354], %swap3A_357 {strides = array<i32>} : memref<64x384xf32, #tpu.memory_space<vmem>>, vector<1x16xf32>,
      %get3A_358 = arith.index_cast %scan3A_37 : i32 to index
      %get3A_359 = arith.constant 368 : index
      %get3A_360 = tpu.vector_load %arg10[%get3A_358, %get3A_359] {strides = array<i32>} : memref<64x384xf32, #tpu.memory_space<vmem>>, vector<1x16xf32>,
      %get3A_361 = vector.shape_cast %get3A_360 : vector<1x16xf32> to vector<16xf32>
      %get3A_362 = arith.index_cast %scan3A_37 : i32 to index
      %get3A_363 = arith.constant 368 : index
      %get3A_364 = tpu.vector_load %arg11[%get3A_362, %get3A_363] {strides = array<i32>} : memref<64x384xf32, #tpu.memory_space<vmem>>, vector<1x16xf32>,
      %get3A_365 = vector.shape_cast %get3A_364 : vector<1x16xf32> to vector<16xf32>
      %add3A_366 = arith.addf %get3A_361, %get3A_365 : vector<16xf32>
      %swap3A_367 = arith.index_cast %scan3A_37 : i32 to index
      %swap3A_368 = arith.constant 368 : index
      %swap3A_369 = tpu.vector_load %arg10[%swap3A_367, %swap3A_368] {strides = array<i32>} : memref<64x384xf32, #tpu.memory_space<vmem>>, vector<1x16xf32>,
      %swap3A_370 = vector.shape_cast %swap3A_369 : vector<1x16xf32> to vector<16xf32>
      %swap3A_371 = vector.shape_cast %add3A_366 : vector<16xf32> to vector<1x16xf32>
      tpu.vector_store %arg10[%swap3A_367, %swap3A_368], %swap3A_371 {strides = array<i32>} : memref<64x384xf32, #tpu.memory_space<vmem>>, vector<1x16xf32>,
    }
    %scan3A_36 = arith.constant 64 : i32
    "tpu.region"() ({
      %run_scoped3A = tpu.sem_alloc : memref<!tpu.dma_semaphore, #tpu.memory_space<semaphore_mem>>
      %dma_start3A = arith.constant 0 : i32
      %dma_start3A_37 = tpu.memref_slice %arg6[%add3A_24, %dma_start3A] : memref<4096x384xf32, #tpu.memory_space<hbm>> -> memref<64x384xf32, #tpu.memory_space<hbm>>
      %dma_start3A_38 = arith.constant 0 : i32
      %dma_start3A_39 = tpu.memref_slice %arg6[%add3A_24, %dma_start3A_38] : memref<4096x384xf32, #tpu.memory_space<hbm>> -> memref<64x384xf32, #tpu.memory_space<hbm>>
      tpu.enqueue_dma source(%arg10 : memref<64x384xf32, #tpu.memory_space<vmem>>) target(%dma_start3A_39 : memref<64x384xf32, #tpu.memory_space<hbm>>) target_semaphore(%run_scoped3A : memref<!tpu.dma_semaphore, #tpu.memory_space<semaphore_mem>>)
      %dma_wait3A = arith.constant 0 : i32
      %dma_wait3A_40 = tpu.memref_slice %arg6[%add3A_24, %dma_wait3A] : memref<4096x384xf32, #tpu.memory_space<hbm>> -> memref<64x384xf32, #tpu.memory_space<hbm>>
      %dma_wait3A_41 = arith.constant 0 : i32
      %dma_wait3A_42 = tpu.memref_slice %arg6[%add3A_24, %dma_wait3A_41] : memref<4096x384xf32, #tpu.memory_space<hbm>> -> memref<64x384xf32, #tpu.memory_space<hbm>>
      tpu.wait_dma2 semaphore(%run_scoped3A : memref<!tpu.dma_semaphore, #tpu.memory_space<semaphore_mem>>) src(%arg10 : memref<64x384xf32, #tpu.memory_space<vmem>>) dst(%dma_wait3A_42 : memref<64x384xf32, #tpu.memory_space<hbm>>)
      tpu.yield
    }) : () -> ()
    return
  }
}

module attributes {stable_mosaic.version = 14 : i64} {
  func.func @_knn_body(%arg0: i32, %arg1: memref<1x1024x768xf32, #tpu.memory_space<vmem>>, %arg2: memref<768x384xf32, #tpu.memory_space<vmem>>, %arg3: memref<1x1024x384xf32, #tpu.memory_space<vmem>>, %arg4: memref<1x1x1024xi32, #tpu.memory_space<vmem>>, %arg5: memref<1x1x1024xi32, #tpu.memory_space<vmem>>, %arg6: memref<1x1x1024xi32, #tpu.memory_space<vmem>>) attributes {dimension_semantics = [#tpu.dimension_semantics<arbitrary>], iteration_bounds = array<i64: 4>, scalar_prefetch = 0 : i64, scratch_operands = 0 : i64, tpu.core_type = #tpu.core_type<tc>, window_params = [{transform_indices = @transform_0, window_bounds = array<i64: 1, 1024, 768>}, {pipeline_mode = #tpu.pipeline_mode<synchronous>, transform_indices = @transform_1, window_bounds = array<i64: 768, 384>}, {transform_indices = @transform_2, window_bounds = array<i64: 1, 1024, 384>}, {transform_indices = @transform_3, window_bounds = array<i64: 1, 1, 1024>}, {transform_indices = @transform_4, window_bounds = array<i64: 1, 1, 1024>}, {transform_indices = @transform_5, window_bounds = array<i64: 1, 1, 1024>}]} {
    %get3A = arith.constant 0 : index
    %get3A_0 = arith.constant 0 : index
    %get3A_1 = arith.constant 0 : index
    %get3A_2 = vector.load %arg1[%get3A, %get3A_0, %get3A_1] : memref<1x1024x768xf32, #tpu.memory_space<vmem>>, vector<1x1024x768xf32>
    %get3A_3 = vector.shape_cast %get3A_2 : vector<1x1024x768xf32> to vector<1024x768xf32>
    %transpose3A = tpu.transpose %get3A_3, [1, 0] : vector<1024x768xf32> -> vector<768x1024xf32>
    %dot_general3A = arith.constant dense<0.000000e+00> : vector<1024x1024xf32>
    %dot_general3A_4 = tpu.matmul %get3A_3, %transpose3A, %dot_general3A {dimension_numbers = #tpu.dot_dimension_numbers<[1], [0], [0], [1], [0, 0, 1, 1], [], []>, transpose_lhs_hint = false} : vector<1024x768xf32>, vector<768x1024xf32>, vector<1024x1024xf32> -> vector<1024x1024xf32>
    %mul3A = arith.constant -2.000000e+00 : f32
    %mul3A_5 = vector.broadcast %mul3A : f32 to vector<1024x1024xf32>
    %mul3A_6 = arith.mulf %mul3A_5, %dot_general3A_4 : vector<1024x1024xf32>
    %mul3A_7 = arith.mulf %get3A_3, %get3A_3 : vector<1024x768xf32>
    %reduce_sum3A = arith.constant dense<0.000000e+00> : vector<1024xf32>
    %reduce_sum3A_8 = vector.multi_reduction <add>, %mul3A_7, %reduce_sum3A [1] : vector<1024x768xf32> to vector<1024xf32>
    %broadcast_in_dim3A = vector.shape_cast %reduce_sum3A_8 : vector<1024xf32> to vector<1024x1xf32>
    %add3A = vector.broadcast %broadcast_in_dim3A : vector<1024x1xf32> to vector<1024x1024xf32>
    %add3A_9 = arith.addf %add3A, %mul3A_6 : vector<1024x1024xf32>
    %transpose3A_10 = tpu.transpose %broadcast_in_dim3A, [1, 0] : vector<1024x1xf32> -> vector<1x1024xf32>
    %add3A_11 = vector.broadcast %transpose3A_10 : vector<1x1024xf32> to vector<1024x1024xf32>
    %add3A_12 = arith.addf %add3A_9, %add3A_11 : vector<1024x1024xf32>
    %iota3A = tpu.iota {dimensions = array<i32: 1>} : vector<1024x1024xi32>
    %reduce_min3A = arith.constant dense<0x7F800000> : vector<1024xf32>
    %reduce_min3A_13 = vector.multi_reduction <minimumf>, %add3A_12, %reduce_min3A [1] : vector<1024x1024xf32> to vector<1024xf32>
    %broadcast_in_dim3A_14 = vector.shape_cast %reduce_min3A_13 : vector<1024xf32> to vector<1024x1xf32>
    %eq3A = vector.broadcast %broadcast_in_dim3A_14 : vector<1024x1xf32> to vector<1024x1024xf32>
    %eq3A_15 = arith.cmpf oeq, %add3A_12, %eq3A : vector<1024x1024xf32>
    %jit3A = arith.constant 1024 : i32
    %broadcast_in_dim3A_16 = vector.broadcast %jit3A : i32 to vector<1024x1024xi32>
    %select_n3A = arith.select %eq3A_15, %iota3A, %broadcast_in_dim3A_16 : vector<1024x1024xi1>, vector<1024x1024xi32>
    %reduce_min3A_17 = arith.constant dense<2147483647> : vector<1024xi32>
    %reduce_min3A_18 = vector.multi_reduction <minsi>, %select_n3A, %reduce_min3A_17 [1] : vector<1024x1024xi32> to vector<1024xi32>
    %broadcast_in_dim3A_19 = vector.shape_cast %reduce_min3A_18 : vector<1024xi32> to vector<1024x1xi32>
    %eq3A_20 = vector.broadcast %broadcast_in_dim3A_19 : vector<1024x1xi32> to vector<1024x1024xi32>
    %eq3A_21 = arith.cmpi eq, %iota3A, %eq3A_20 : vector<1024x1024xi32>
    %jit3A_22 = arith.constant 0x7F800000 : f32
    %broadcast_in_dim3A_23 = vector.broadcast %jit3A_22 : f32 to vector<1024x1024xf32>
    %select_n3A_24 = arith.select %eq3A_21, %broadcast_in_dim3A_23, %add3A_12 : vector<1024x1024xi1>, vector<1024x1024xf32>
    %reduce_min3A_25 = arith.constant dense<0x7F800000> : vector<1024xf32>
    %reduce_min3A_26 = vector.multi_reduction <minimumf>, %select_n3A_24, %reduce_min3A_25 [1] : vector<1024x1024xf32> to vector<1024xf32>
    %broadcast_in_dim3A_27 = vector.shape_cast %reduce_min3A_26 : vector<1024xf32> to vector<1024x1xf32>
    %eq3A_28 = vector.broadcast %broadcast_in_dim3A_27 : vector<1024x1xf32> to vector<1024x1024xf32>
    %eq3A_29 = arith.cmpf oeq, %select_n3A_24, %eq3A_28 : vector<1024x1024xf32>
    %jit3A_30 = arith.constant 1024 : i32
    %broadcast_in_dim3A_31 = vector.broadcast %jit3A_30 : i32 to vector<1024x1024xi32>
    %select_n3A_32 = arith.select %eq3A_29, %iota3A, %broadcast_in_dim3A_31 : vector<1024x1024xi1>, vector<1024x1024xi32>
    %reduce_min3A_33 = arith.constant dense<2147483647> : vector<1024xi32>
    %reduce_min3A_34 = vector.multi_reduction <minsi>, %select_n3A_32, %reduce_min3A_33 [1] : vector<1024x1024xi32> to vector<1024xi32>
    %broadcast_in_dim3A_35 = vector.shape_cast %reduce_min3A_34 : vector<1024xi32> to vector<1024x1xi32>
    %get3A_36 = arith.constant 0 : index
    %get3A_37 = arith.constant 0 : index
    %get3A_38 = vector.load %arg2[%get3A_36, %get3A_37] : memref<768x384xf32, #tpu.memory_space<vmem>>, vector<768x384xf32>
    %dot_general3A_39 = arith.constant dense<0.000000e+00> : vector<1024x384xf32>
    %dot_general3A_40 = tpu.matmul %get3A_3, %get3A_38, %dot_general3A_39 {dimension_numbers = #tpu.dot_dimension_numbers<[1], [0], [0], [1], [0, 0, 1, 1], [], []>, transpose_lhs_hint = false} : vector<1024x768xf32>, vector<768x384xf32>, vector<1024x384xf32> -> vector<1024x384xf32>
    %swap3A = arith.constant 0 : index
    %swap3A_41 = arith.constant 0 : index
    %swap3A_42 = arith.constant 0 : index
    %swap3A_43 = vector.load %arg3[%swap3A, %swap3A_41, %swap3A_42] : memref<1x1024x384xf32, #tpu.memory_space<vmem>>, vector<1x1024x384xf32>
    %swap3A_44 = vector.shape_cast %swap3A_43 : vector<1x1024x384xf32> to vector<1024x384xf32>
    %swap3A_45 = vector.shape_cast %dot_general3A_40 : vector<1024x384xf32> to vector<1x1024x384xf32>
    tpu.vector_store %arg3[%swap3A, %swap3A_41, %swap3A_42], %swap3A_45 {strides = array<i32>} : memref<1x1024x384xf32, #tpu.memory_space<vmem>>, vector<1x1024x384xf32>,
    %iota3A_46 = tpu.iota {dimensions = array<i32: 0>} : vector<1024x1xi32>
    %ne3A = arith.cmpi ne, %broadcast_in_dim3A_19, %iota3A_46 : vector<1024x1xi32>
    %ne3A_47 = arith.cmpi ne, %broadcast_in_dim3A_35, %iota3A_46 : vector<1024x1xi32>
    %and3A = arith.andi %ne3A, %ne3A_47 : vector<1024x1xi1>
    %mul3A_48 = arith.constant 1024 : i32
    %mul3A_49 = arith.muli %arg0, %mul3A_48 : i32
    %add3A_50 = vector.broadcast %mul3A_49 : i32 to vector<1024x1xi32>
    %add3A_51 = arith.addi %broadcast_in_dim3A_19, %add3A_50 : vector<1024x1xi32>
    %transpose3A_52 = tpu.transpose %add3A_51, [1, 0] : vector<1024x1xi32> -> vector<1x1024xi32>
    %swap3A_53 = arith.constant 0 : index
    %swap3A_54 = arith.constant 0 : index
    %swap3A_55 = arith.constant 0 : index
    %swap3A_56 = vector.load %arg4[%swap3A_53, %swap3A_54, %swap3A_55] : memref<1x1x1024xi32, #tpu.memory_space<vmem>>, vector<1x1x1024xi32>
    %swap3A_57 = vector.shape_cast %swap3A_56 : vector<1x1x1024xi32> to vector<1x1024xi32>
    %swap3A_58 = vector.shape_cast %transpose3A_52 : vector<1x1024xi32> to vector<1x1x1024xi32>
    tpu.vector_store %arg4[%swap3A_53, %swap3A_54, %swap3A_55], %swap3A_58 {strides = array<i32>} : memref<1x1x1024xi32, #tpu.memory_space<vmem>>, vector<1x1x1024xi32>,
    %mul3A_59 = arith.constant 1024 : i32
    %mul3A_60 = arith.muli %arg0, %mul3A_59 : i32
    %add3A_61 = vector.broadcast %mul3A_60 : i32 to vector<1024x1xi32>
    %add3A_62 = arith.addi %broadcast_in_dim3A_35, %add3A_61 : vector<1024x1xi32>
    %transpose3A_63 = tpu.transpose %add3A_62, [1, 0] : vector<1024x1xi32> -> vector<1x1024xi32>
    %swap3A_64 = arith.constant 0 : index
    %swap3A_65 = arith.constant 0 : index
    %swap3A_66 = arith.constant 0 : index
    %swap3A_67 = vector.load %arg5[%swap3A_64, %swap3A_65, %swap3A_66] : memref<1x1x1024xi32, #tpu.memory_space<vmem>>, vector<1x1x1024xi32>
    %swap3A_68 = vector.shape_cast %swap3A_67 : vector<1x1x1024xi32> to vector<1x1024xi32>
    %swap3A_69 = vector.shape_cast %transpose3A_63 : vector<1x1024xi32> to vector<1x1x1024xi32>
    tpu.vector_store %arg5[%swap3A_64, %swap3A_65, %swap3A_66], %swap3A_69 {strides = array<i32>} : memref<1x1x1024xi32, #tpu.memory_space<vmem>>, vector<1x1x1024xi32>,
    %mul3A_70 = arith.constant 1024 : i32
    %mul3A_71 = arith.muli %arg0, %mul3A_70 : i32
    %add3A_72 = vector.broadcast %mul3A_71 : i32 to vector<1024x1xi32>
    %add3A_73 = arith.addi %iota3A_46, %add3A_72 : vector<1024x1xi32>
    %jit3A_74 = arith.constant 4096 : i32
    %broadcast_in_dim3A_75 = vector.broadcast %jit3A_74 : i32 to vector<1024x1xi32>
    %select_n3A_76 = arith.select %and3A, %add3A_73, %broadcast_in_dim3A_75 : vector<1024x1xi1>, vector<1024x1xi32>
    %transpose3A_77 = tpu.transpose %select_n3A_76, [1, 0] : vector<1024x1xi32> -> vector<1x1024xi32>
    %swap3A_78 = arith.constant 0 : index
    %swap3A_79 = arith.constant 0 : index
    %swap3A_80 = arith.constant 0 : index
    %swap3A_81 = vector.load %arg6[%swap3A_78, %swap3A_79, %swap3A_80] : memref<1x1x1024xi32, #tpu.memory_space<vmem>>, vector<1x1x1024xi32>
    %swap3A_82 = vector.shape_cast %swap3A_81 : vector<1x1x1024xi32> to vector<1x1024xi32>
    %swap3A_83 = vector.shape_cast %transpose3A_77 : vector<1x1024xi32> to vector<1x1x1024xi32>
    tpu.vector_store %arg6[%swap3A_78, %swap3A_79, %swap3A_80], %swap3A_83 {strides = array<i32>} : memref<1x1x1024xi32, #tpu.memory_space<vmem>>, vector<1x1x1024xi32>,
    return
  }
  func.func @transform_0(%arg0: i32) -> (i32, i32, i32) {
    %c0_i32 = arith.constant 0 : i32
    %c0_i32_0 = arith.constant 0 : i32
    %c0_i32_1 = arith.constant 0 : i32
    return %arg0, %c0_i32, %c0_i32_0 : i32, i32, i32
  }
  func.func @transform_1(%arg0: i32) -> (i32, i32) {
    %c0_i32 = arith.constant 0 : i32
    %c0_i32_0 = arith.constant 0 : i32
    %c0_i32_1 = arith.constant 0 : i32
    return %c0_i32, %c0_i32_0 : i32, i32
  }
  func.func @transform_2(%arg0: i32) -> (i32, i32, i32) {
    %c0_i32 = arith.constant 0 : i32
    %c0_i32_0 = arith.constant 0 : i32
    %c0_i32_1 = arith.constant 0 : i32
    return %arg0, %c0_i32, %c0_i32_0 : i32, i32, i32
  }
  func.func @transform_3(%arg0: i32) -> (i32, i32, i32) {
    %c0_i32 = arith.constant 0 : i32
    %c0_i32_0 = arith.constant 0 : i32
    %c0_i32_1 = arith.constant 0 : i32
    return %arg0, %c0_i32, %c0_i32_0 : i32, i32, i32
  }
  func.func @transform_4(%arg0: i32) -> (i32, i32, i32) {
    %c0_i32 = arith.constant 0 : i32
    %c0_i32_0 = arith.constant 0 : i32
    %c0_i32_1 = arith.constant 0 : i32
    return %arg0, %c0_i32, %c0_i32_0 : i32, i32, i32
  }
  func.func @transform_5(%arg0: i32) -> (i32, i32, i32) {
    %c0_i32 = arith.constant 0 : i32
    %c0_i32_0 = arith.constant 0 : i32
    %c0_i32_1 = arith.constant 0 : i32
    return %arg0, %c0_i32, %c0_i32_0 : i32, i32, i32
  }
}

module attributes {stable_mosaic.version = 14 : i64} {
  func.func @_agg_bn_body(%arg0: i32, %arg1: memref<1x1024x384xf32, #tpu.memory_space<vmem>>, %arg2: memref<1x1x1024xi32, #tpu.memory_space<vmem>>, %arg3: memref<1x1x1024xi32, #tpu.memory_space<vmem>>, %arg4: memref<1x384xf32, #tpu.memory_space<vmem>>, %arg5: memref<128x3xf32, #tpu.memory_space<vmem>>, %arg6: memref<128x3xf32, #tpu.memory_space<vmem>>, %arg7: memref<4x1024x384xf32, #tpu.memory_space<vmem>>, %arg8: memref<128x8xf32, #tpu.memory_space<vmem>>) attributes {dimension_semantics = [#tpu.dimension_semantics<arbitrary>], iteration_bounds = array<i64: 4>, scalar_prefetch = 0 : i64, scratch_operands = 1 : i64, tpu.core_type = #tpu.core_type<tc>, window_params = [{transform_indices = @transform_0, window_bounds = array<i64: 1, 1024, 384>}, {transform_indices = @transform_1, window_bounds = array<i64: 1, 1, 1024>}, {transform_indices = @transform_2, window_bounds = array<i64: 1, 1, 1024>}, {pipeline_mode = #tpu.pipeline_mode<synchronous>, transform_indices = @transform_3, window_bounds = array<i64: 1, 384>}, {pipeline_mode = #tpu.pipeline_mode<synchronous>, transform_indices = @transform_4, window_bounds = array<i64: 128, 3>}, {pipeline_mode = #tpu.pipeline_mode<synchronous>, transform_indices = @transform_5, window_bounds = array<i64: 128, 3>}, {pipeline_mode = #tpu.pipeline_mode<synchronous>, transform_indices = @transform_6, window_bounds = array<i64: 4, 1024, 384>}]} {
    %eq3A = arith.constant 0 : i32
    %eq3A_0 = arith.cmpi eq, %arg0, %eq3A : i32
    %convert_element_type3A = arith.extui %eq3A_0 : i1 to i32
    %cond3A = arith.constant 0 : i32
    %cond3A_1 = arith.cmpi ne, %convert_element_type3A, %cond3A : i32
    scf.if %cond3A_1 {
      %broadcast_in_dim3A_164 = arith.constant 0.000000e+00 : f32
      %broadcast_in_dim3A_165 = vector.broadcast %broadcast_in_dim3A_164 : f32 to vector<128x8xf32>
      %swap3A_166 = arith.constant 0 : index
      %swap3A_167 = arith.constant 0 : index
      %swap3A_168 = vector.load %arg8[%swap3A_166, %swap3A_167] : memref<128x8xf32, #tpu.memory_space<vmem>>, vector<128x8xf32>
      tpu.vector_store %arg8[%swap3A_166, %swap3A_167], %broadcast_in_dim3A_165 {strides = array<i32>} : memref<128x8xf32, #tpu.memory_space<vmem>>, vector<128x8xf32>,
    } else {
    }
    %get3A = arith.constant 0 : index
    %get3A_2 = arith.constant 0 : index
    %get3A_3 = arith.constant 0 : index
    %get3A_4 = vector.load %arg1[%get3A, %get3A_2, %get3A_3] : memref<1x1024x384xf32, #tpu.memory_space<vmem>>, vector<1x1024x384xf32>
    %get3A_5 = vector.shape_cast %get3A_4 : vector<1x1024x384xf32> to vector<1024x384xf32>
    %get3A_6 = arith.constant 0 : index
    %get3A_7 = arith.constant 0 : index
    %get3A_8 = arith.constant 0 : index
    %get3A_9 = vector.load %arg2[%get3A_6, %get3A_7, %get3A_8] : memref<1x1x1024xi32, #tpu.memory_space<vmem>>, vector<1x1x1024xi32>
    %get3A_10 = vector.shape_cast %get3A_9 : vector<1x1x1024xi32> to vector<1x1024xi32>
    %transpose3A = tpu.transpose %get3A_10, [1, 0] : vector<1x1024xi32> -> vector<1024x1xi32>
    %mul3A = arith.constant 1024 : i32
    %mul3A_11 = arith.muli %arg0, %mul3A : i32
    %sub3A = vector.broadcast %mul3A_11 : i32 to vector<1024x1xi32>
    %sub3A_12 = arith.subi %transpose3A, %sub3A : vector<1024x1xi32>
    %get3A_13 = arith.constant 0 : index
    %get3A_14 = arith.constant 0 : index
    %get3A_15 = arith.constant 0 : index
    %get3A_16 = vector.load %arg3[%get3A_13, %get3A_14, %get3A_15] : memref<1x1x1024xi32, #tpu.memory_space<vmem>>, vector<1x1x1024xi32>
    %get3A_17 = vector.shape_cast %get3A_16 : vector<1x1x1024xi32> to vector<1x1024xi32>
    %transpose3A_18 = tpu.transpose %get3A_17, [1, 0] : vector<1x1024xi32> -> vector<1024x1xi32>
    %mul3A_19 = arith.constant 1024 : i32
    %mul3A_20 = arith.muli %arg0, %mul3A_19 : i32
    %sub3A_21 = vector.broadcast %mul3A_20 : i32 to vector<1024x1xi32>
    %sub3A_22 = arith.subi %transpose3A_18, %sub3A_21 : vector<1024x1xi32>
    %get3A_23 = arith.constant 0 : index
    %get3A_24 = arith.constant 0 : index
    %get3A_25 = vector.load %arg4[%get3A_23, %get3A_24] : memref<1x384xf32, #tpu.memory_space<vmem>>, vector<1x384xf32>
    %iota3A = tpu.iota {dimensions = array<i32: 0>} : vector<1024x1xi32>
    %eq3A_26 = arith.cmpi eq, %sub3A_12, %iota3A : vector<1024x1xi32>
    %convert_element_type3A_27 = arith.extui %eq3A_26 : vector<1024x1xi1> to vector<1024x1xi32>
    %convert_element_type3A_28 = arith.sitofp %convert_element_type3A_27 : vector<1024x1xi32> to vector<1024x1xf32>
    %sub3A_29 = arith.constant 3.000000e+00 : f32
    %sub3A_30 = vector.broadcast %sub3A_29 : f32 to vector<1024x1xf32>
    %sub3A_31 = arith.subf %sub3A_30, %convert_element_type3A_28 : vector<1024x1xf32>
    %eq3A_32 = arith.cmpi eq, %sub3A_22, %iota3A : vector<1024x1xi32>
    %convert_element_type3A_33 = arith.extui %eq3A_32 : vector<1024x1xi1> to vector<1024x1xi32>
    %convert_element_type3A_34 = arith.sitofp %convert_element_type3A_33 : vector<1024x1xi32> to vector<1024x1xf32>
    %sub3A_35 = arith.subf %sub3A_31, %convert_element_type3A_34 : vector<1024x1xf32>
    %div3A = vector.broadcast %sub3A_35 : vector<1024x1xf32> to vector<1024x384xf32>
    %div3A_36 = arith.divf %get3A_5, %div3A : vector<1024x384xf32>
    %iota3A_37 = tpu.iota {dimensions = array<i32: 1>} : vector<1024x1024xi32>
    %iota3A_38 = tpu.iota {dimensions = array<i32: 0>} : vector<1024x1024xi32>
    %transpose3A_39 = tpu.transpose %sub3A_12, [1, 0] : vector<1024x1xi32> -> vector<1x1024xi32>
    %eq3A_40 = vector.broadcast %transpose3A_39 : vector<1x1024xi32> to vector<1024x1024xi32>
    %eq3A_41 = arith.cmpi eq, %iota3A_38, %eq3A_40 : vector<1024x1024xi32>
    %transpose3A_42 = tpu.transpose %sub3A_22, [1, 0] : vector<1024x1xi32> -> vector<1x1024xi32>
    %eq3A_43 = vector.broadcast %transpose3A_42 : vector<1x1024xi32> to vector<1024x1024xi32>
    %eq3A_44 = arith.cmpi eq, %iota3A_38, %eq3A_43 : vector<1024x1024xi32>
    %or3A = arith.ori %eq3A_41, %eq3A_44 : vector<1024x1024xi1>
    %eq3A_45 = arith.cmpi eq, %iota3A_38, %iota3A_37 : vector<1024x1024xi32>
    %or3A_46 = arith.ori %or3A, %eq3A_45 : vector<1024x1024xi1>
    %convert_element_type3A_47 = arith.extui %or3A_46 : vector<1024x1024xi1> to vector<1024x1024xi32>
    %convert_element_type3A_48 = arith.sitofp %convert_element_type3A_47 : vector<1024x1024xi32> to vector<1024x1024xf32>
    %reduce_sum3A = arith.constant dense<0.000000e+00> : vector<1024xf32>
    %reduce_sum3A_49 = vector.multi_reduction <add>, %convert_element_type3A_48, %reduce_sum3A [1] : vector<1024x1024xf32> to vector<1024xf32>
    %broadcast_in_dim3A = vector.shape_cast %reduce_sum3A_49 : vector<1024xf32> to vector<1024x1xf32>
    %dot_general3A = arith.constant dense<0.000000e+00> : vector<1024x384xf32>
    %dot_general3A_50 = tpu.matmul %convert_element_type3A_48, %div3A_36, %dot_general3A {dimension_numbers = #tpu.dot_dimension_numbers<[1], [0], [0], [1], [0, 0, 1, 1], [], []>, transpose_lhs_hint = false} : vector<1024x1024xf32>, vector<1024x384xf32>, vector<1024x384xf32> -> vector<1024x384xf32>
    %div3A_51 = vector.broadcast %broadcast_in_dim3A : vector<1024x1xf32> to vector<1024x384xf32>
    %div3A_52 = arith.divf %dot_general3A_50, %div3A_51 : vector<1024x384xf32>
    %add3A = vector.broadcast %get3A_25 : vector<1x384xf32> to vector<1024x384xf32>
    %add3A_53 = arith.addf %div3A_52, %add3A : vector<1024x384xf32>
    %swap3A = arith.index_cast %arg0 : i32 to index
    %swap3A_54 = arith.constant 0 : index
    %swap3A_55 = arith.constant 0 : index
    %swap3A_56 = vector.load %arg7[%swap3A, %swap3A_54, %swap3A_55] : memref<4x1024x384xf32, #tpu.memory_space<vmem>>, vector<1x1024x384xf32>
    %swap3A_57 = vector.shape_cast %swap3A_56 : vector<1x1024x384xf32> to vector<1024x384xf32>
    %swap3A_58 = vector.shape_cast %add3A_53 : vector<1024x384xf32> to vector<1x1024x384xf32>
    tpu.vector_store %arg7[%swap3A, %swap3A_54, %swap3A_55], %swap3A_58 {strides = array<i32>} : memref<4x1024x384xf32, #tpu.memory_space<vmem>>, vector<1x1024x384xf32>,
    %reshape3A = vector.shape_cast %add3A_53 : vector<1024x384xf32> to vector<128x8x384xf32>
    %reduce_sum3A_59 = arith.constant dense<0.000000e+00> : vector<128x8xf32>
    %reduce_sum3A_60 = vector.multi_reduction <add>, %reshape3A, %reduce_sum3A_59 [2] : vector<128x8x384xf32> to vector<128x8xf32>
    %slice3A = vector.extract_strided_slice %reshape3A {offsets = [0, 2, 0], sizes = [128, 1, 256], strides = [1, 1, 1]} : vector<128x8x384xf32> to vector<128x1x256xf32>
    %squeeze3A = vector.shape_cast %slice3A : vector<128x1x256xf32> to vector<128x256xf32>
    %reduce_sum3A_61 = arith.constant dense<0.000000e+00> : vector<128xf32>
    %reduce_sum3A_62 = vector.multi_reduction <add>, %squeeze3A, %reduce_sum3A_61 [1] : vector<128x256xf32> to vector<128xf32>
    %broadcast_in_dim3A_63 = vector.shape_cast %reduce_sum3A_62 : vector<128xf32> to vector<128x1xf32>
    %slice3A_64 = vector.extract_strided_slice %reshape3A {offsets = [0, 5, 0], sizes = [128, 1, 128], strides = [1, 1, 1]} : vector<128x8x384xf32> to vector<128x1x128xf32>
    %squeeze3A_65 = vector.shape_cast %slice3A_64 : vector<128x1x128xf32> to vector<128x128xf32>
    %reduce_sum3A_66 = arith.constant dense<0.000000e+00> : vector<128xf32>
    %reduce_sum3A_67 = vector.multi_reduction <add>, %squeeze3A_65, %reduce_sum3A_66 [1] : vector<128x128xf32> to vector<128xf32>
    %broadcast_in_dim3A_68 = vector.shape_cast %reduce_sum3A_67 : vector<128xf32> to vector<128x1xf32>
    %slice3A_69 = vector.extract_strided_slice %reduce_sum3A_60 {offsets = [0, 0], sizes = [128, 1], strides = [1, 1]} : vector<128x8xf32> to vector<128x1xf32>
    %slice3A_70 = vector.extract_strided_slice %reduce_sum3A_60 {offsets = [0, 1], sizes = [128, 1], strides = [1, 1]} : vector<128x8xf32> to vector<128x1xf32>
    %add3A_71 = arith.addf %slice3A_69, %slice3A_70 : vector<128x1xf32>
    %add3A_72 = arith.addf %add3A_71, %broadcast_in_dim3A_63 : vector<128x1xf32>
    %slice3A_73 = vector.extract_strided_slice %reduce_sum3A_60 {offsets = [0, 2], sizes = [128, 1], strides = [1, 1]} : vector<128x8xf32> to vector<128x1xf32>
    %sub3A_74 = arith.subf %slice3A_73, %broadcast_in_dim3A_63 : vector<128x1xf32>
    %slice3A_75 = vector.extract_strided_slice %reduce_sum3A_60 {offsets = [0, 3], sizes = [128, 1], strides = [1, 1]} : vector<128x8xf32> to vector<128x1xf32>
    %add3A_76 = arith.addf %sub3A_74, %slice3A_75 : vector<128x1xf32>
    %slice3A_77 = vector.extract_strided_slice %reduce_sum3A_60 {offsets = [0, 4], sizes = [128, 1], strides = [1, 1]} : vector<128x8xf32> to vector<128x1xf32>
    %add3A_78 = arith.addf %add3A_76, %slice3A_77 : vector<128x1xf32>
    %add3A_79 = arith.addf %add3A_78, %broadcast_in_dim3A_68 : vector<128x1xf32>
    %slice3A_80 = vector.extract_strided_slice %reduce_sum3A_60 {offsets = [0, 5], sizes = [128, 1], strides = [1, 1]} : vector<128x8xf32> to vector<128x1xf32>
    %sub3A_81 = arith.subf %slice3A_80, %broadcast_in_dim3A_68 : vector<128x1xf32>
    %slice3A_82 = vector.extract_strided_slice %reduce_sum3A_60 {offsets = [0, 6], sizes = [128, 1], strides = [1, 1]} : vector<128x8xf32> to vector<128x1xf32>
    %add3A_83 = arith.addf %sub3A_81, %slice3A_82 : vector<128x1xf32>
    %slice3A_84 = vector.extract_strided_slice %reduce_sum3A_60 {offsets = [0, 7], sizes = [128, 1], strides = [1, 1]} : vector<128x8xf32> to vector<128x1xf32>
    %add3A_85 = arith.addf %add3A_83, %slice3A_84 : vector<128x1xf32>
    %mul3A_86 = arith.mulf %add3A_53, %add3A_53 : vector<1024x384xf32>
    %reshape3A_87 = vector.shape_cast %mul3A_86 : vector<1024x384xf32> to vector<128x8x384xf32>
    %reduce_sum3A_88 = arith.constant dense<0.000000e+00> : vector<128x8xf32>
    %reduce_sum3A_89 = vector.multi_reduction <add>, %reshape3A_87, %reduce_sum3A_88 [2] : vector<128x8x384xf32> to vector<128x8xf32>
    %slice3A_90 = vector.extract_strided_slice %reshape3A_87 {offsets = [0, 2, 0], sizes = [128, 1, 256], strides = [1, 1, 1]} : vector<128x8x384xf32> to vector<128x1x256xf32>
    %squeeze3A_91 = vector.shape_cast %slice3A_90 : vector<128x1x256xf32> to vector<128x256xf32>
    %reduce_sum3A_92 = arith.constant dense<0.000000e+00> : vector<128xf32>
    %reduce_sum3A_93 = vector.multi_reduction <add>, %squeeze3A_91, %reduce_sum3A_92 [1] : vector<128x256xf32> to vector<128xf32>
    %broadcast_in_dim3A_94 = vector.shape_cast %reduce_sum3A_93 : vector<128xf32> to vector<128x1xf32>
    %slice3A_95 = vector.extract_strided_slice %reshape3A_87 {offsets = [0, 5, 0], sizes = [128, 1, 128], strides = [1, 1, 1]} : vector<128x8x384xf32> to vector<128x1x128xf32>
    %squeeze3A_96 = vector.shape_cast %slice3A_95 : vector<128x1x128xf32> to vector<128x128xf32>
    %reduce_sum3A_97 = arith.constant dense<0.000000e+00> : vector<128xf32>
    %reduce_sum3A_98 = vector.multi_reduction <add>, %squeeze3A_96, %reduce_sum3A_97 [1] : vector<128x128xf32> to vector<128xf32>
    %broadcast_in_dim3A_99 = vector.shape_cast %reduce_sum3A_98 : vector<128xf32> to vector<128x1xf32>
    %slice3A_100 = vector.extract_strided_slice %reduce_sum3A_89 {offsets = [0, 0], sizes = [128, 1], strides = [1, 1]} : vector<128x8xf32> to vector<128x1xf32>
    %slice3A_101 = vector.extract_strided_slice %reduce_sum3A_89 {offsets = [0, 1], sizes = [128, 1], strides = [1, 1]} : vector<128x8xf32> to vector<128x1xf32>
    %add3A_102 = arith.addf %slice3A_100, %slice3A_101 : vector<128x1xf32>
    %add3A_103 = arith.addf %add3A_102, %broadcast_in_dim3A_94 : vector<128x1xf32>
    %slice3A_104 = vector.extract_strided_slice %reduce_sum3A_89 {offsets = [0, 2], sizes = [128, 1], strides = [1, 1]} : vector<128x8xf32> to vector<128x1xf32>
    %sub3A_105 = arith.subf %slice3A_104, %broadcast_in_dim3A_94 : vector<128x1xf32>
    %slice3A_106 = vector.extract_strided_slice %reduce_sum3A_89 {offsets = [0, 3], sizes = [128, 1], strides = [1, 1]} : vector<128x8xf32> to vector<128x1xf32>
    %add3A_107 = arith.addf %sub3A_105, %slice3A_106 : vector<128x1xf32>
    %slice3A_108 = vector.extract_strided_slice %reduce_sum3A_89 {offsets = [0, 4], sizes = [128, 1], strides = [1, 1]} : vector<128x8xf32> to vector<128x1xf32>
    %add3A_109 = arith.addf %add3A_107, %slice3A_108 : vector<128x1xf32>
    %add3A_110 = arith.addf %add3A_109, %broadcast_in_dim3A_99 : vector<128x1xf32>
    %slice3A_111 = vector.extract_strided_slice %reduce_sum3A_89 {offsets = [0, 5], sizes = [128, 1], strides = [1, 1]} : vector<128x8xf32> to vector<128x1xf32>
    %sub3A_112 = arith.subf %slice3A_111, %broadcast_in_dim3A_99 : vector<128x1xf32>
    %slice3A_113 = vector.extract_strided_slice %reduce_sum3A_89 {offsets = [0, 6], sizes = [128, 1], strides = [1, 1]} : vector<128x8xf32> to vector<128x1xf32>
    %add3A_114 = arith.addf %sub3A_112, %slice3A_113 : vector<128x1xf32>
    %slice3A_115 = vector.extract_strided_slice %reduce_sum3A_89 {offsets = [0, 7], sizes = [128, 1], strides = [1, 1]} : vector<128x8xf32> to vector<128x1xf32>
    %add3A_116 = arith.addf %add3A_114, %slice3A_115 : vector<128x1xf32>
    %get3A_117 = arith.constant 0 : index
    %get3A_118 = arith.constant 0 : index
    %get3A_119 = vector.load %arg8[%get3A_117, %get3A_118] : memref<128x8xf32, #tpu.memory_space<vmem>>, vector<128x1xf32>
    %add3A_120 = arith.addf %get3A_119, %add3A_72 : vector<128x1xf32>
    %swap3A_121 = arith.constant 0 : index
    %swap3A_122 = arith.constant 0 : index
    %swap3A_123 = vector.load %arg8[%swap3A_121, %swap3A_122] : memref<128x8xf32, #tpu.memory_space<vmem>>, vector<128x1xf32>
    tpu.vector_store %arg8[%swap3A_121, %swap3A_122], %add3A_120 {strides = array<i32>} : memref<128x8xf32, #tpu.memory_space<vmem>>, vector<128x1xf32>,
    %get3A_124 = arith.constant 0 : index
    %get3A_125 = arith.constant 1 : index
    %get3A_126 = vector.load %arg8[%get3A_124, %get3A_125] : memref<128x8xf32, #tpu.memory_space<vmem>>, vector<128x1xf32>
    %add3A_127 = arith.addf %get3A_126, %add3A_79 : vector<128x1xf32>
    %swap3A_128 = arith.constant 0 : index
    %swap3A_129 = arith.constant 1 : index
    %swap3A_130 = vector.load %arg8[%swap3A_128, %swap3A_129] : memref<128x8xf32, #tpu.memory_space<vmem>>, vector<128x1xf32>
    tpu.vector_store %arg8[%swap3A_128, %swap3A_129], %add3A_127 {strides = array<i32>} : memref<128x8xf32, #tpu.memory_space<vmem>>, vector<128x1xf32>,
    %get3A_131 = arith.constant 0 : index
    %get3A_132 = arith.constant 2 : index
    %get3A_133 = vector.load %arg8[%get3A_131, %get3A_132] : memref<128x8xf32, #tpu.memory_space<vmem>>, vector<128x1xf32>
    %add3A_134 = arith.addf %get3A_133, %add3A_85 : vector<128x1xf32>
    %swap3A_135 = arith.constant 0 : index
    %swap3A_136 = arith.constant 2 : index
    %swap3A_137 = vector.load %arg8[%swap3A_135, %swap3A_136] : memref<128x8xf32, #tpu.memory_space<vmem>>, vector<128x1xf32>
    tpu.vector_store %arg8[%swap3A_135, %swap3A_136], %add3A_134 {strides = array<i32>} : memref<128x8xf32, #tpu.memory_space<vmem>>, vector<128x1xf32>,
    %get3A_138 = arith.constant 0 : index
    %get3A_139 = arith.constant 4 : index
    %get3A_140 = vector.load %arg8[%get3A_138, %get3A_139] : memref<128x8xf32, #tpu.memory_space<vmem>>, vector<128x1xf32>
    %add3A_141 = arith.addf %get3A_140, %add3A_103 : vector<128x1xf32>
    %swap3A_142 = arith.constant 0 : index
    %swap3A_143 = arith.constant 4 : index
    %swap3A_144 = vector.load %arg8[%swap3A_142, %swap3A_143] : memref<128x8xf32, #tpu.memory_space<vmem>>, vector<128x1xf32>
    tpu.vector_store %arg8[%swap3A_142, %swap3A_143], %add3A_141 {strides = array<i32>} : memref<128x8xf32, #tpu.memory_space<vmem>>, vector<128x1xf32>,
    %get3A_145 = arith.constant 0 : index
    %get3A_146 = arith.constant 5 : index
    %get3A_147 = vector.load %arg8[%get3A_145, %get3A_146] : memref<128x8xf32, #tpu.memory_space<vmem>>, vector<128x1xf32>
    %add3A_148 = arith.addf %get3A_147, %add3A_110 : vector<128x1xf32>
    %swap3A_149 = arith.constant 0 : index
    %swap3A_150 = arith.constant 5 : index
    %swap3A_151 = vector.load %arg8[%swap3A_149, %swap3A_150] : memref<128x8xf32, #tpu.memory_space<vmem>>, vector<128x1xf32>
    tpu.vector_store %arg8[%swap3A_149, %swap3A_150], %add3A_148 {strides = array<i32>} : memref<128x8xf32, #tpu.memory_space<vmem>>, vector<128x1xf32>,
    %get3A_152 = arith.constant 0 : index
    %get3A_153 = arith.constant 6 : index
    %get3A_154 = vector.load %arg8[%get3A_152, %get3A_153] : memref<128x8xf32, #tpu.memory_space<vmem>>, vector<128x1xf32>
    %add3A_155 = arith.addf %get3A_154, %add3A_116 : vector<128x1xf32>
    %swap3A_156 = arith.constant 0 : index
    %swap3A_157 = arith.constant 6 : index
    %swap3A_158 = vector.load %arg8[%swap3A_156, %swap3A_157] : memref<128x8xf32, #tpu.memory_space<vmem>>, vector<128x1xf32>
    tpu.vector_store %arg8[%swap3A_156, %swap3A_157], %add3A_155 {strides = array<i32>} : memref<128x8xf32, #tpu.memory_space<vmem>>, vector<128x1xf32>,
    %eq3A_159 = arith.constant 3 : i32
    %eq3A_160 = arith.cmpi eq, %arg0, %eq3A_159 : i32
    %convert_element_type3A_161 = arith.extui %eq3A_160 : i1 to i32
    %cond3A_162 = arith.constant 0 : i32
    %cond3A_163 = arith.cmpi ne, %convert_element_type3A_161, %cond3A_162 : i32
    scf.if %cond3A_163 {
      %get3A_164 = arith.constant 0 : index
      %get3A_165 = arith.constant 0 : index
      %get3A_166 = vector.load %arg5[%get3A_164, %get3A_165] : memref<128x3xf32, #tpu.memory_space<vmem>>, vector<128x3xf32>
      %get3A_167 = arith.constant 0 : index
      %get3A_168 = arith.constant 0 : index
      %get3A_169 = vector.load %arg6[%get3A_167, %get3A_168] : memref<128x3xf32, #tpu.memory_space<vmem>>, vector<128x3xf32>
      %iota3A_170 = tpu.iota {dimensions = array<i32: 1>} : vector<128x8x384xi32>
      %iota3A_171 = tpu.iota {dimensions = array<i32: 2>} : vector<128x8x384xi32>
      %mul3A_172 = arith.constant 384 : i32
      %mul3A_173 = vector.broadcast %mul3A_172 : i32 to vector<128x8x384xi32>
      %mul3A_174 = arith.muli %iota3A_170, %mul3A_173 : vector<128x8x384xi32>
      %add3A_175 = arith.addi %mul3A_174, %iota3A_171 : vector<128x8x384xi32>
      %jit3A = arith.constant 1024 : i32
      %div3A_176 = vector.broadcast %jit3A : i32 to vector<128x8x384xi32>
      %div3A_177 = arith.divsi %add3A_175, %div3A_176 : vector<128x8x384xi32>
      %sign3A = arith.constant 0 : i32
      %sign3A_178 = vector.broadcast %sign3A : i32 to vector<128x8x384xi32>
      %sign3A_179 = arith.cmpi sgt, %add3A_175, %sign3A_178 : vector<128x8x384xi32>
      %sign3A_180 = arith.extui %sign3A_179 : vector<128x8x384xi1> to vector<128x8x384xi32>
      %sign3A_181 = arith.constant 0 : i32
      %sign3A_182 = vector.broadcast %sign3A_181 : i32 to vector<128x8x384xi32>
      %sign3A_183 = arith.cmpi slt, %add3A_175, %sign3A_182 : vector<128x8x384xi32>
      %sign3A_184 = arith.extui %sign3A_183 : vector<128x8x384xi1> to vector<128x8x384xi32>
      %sign3A_185 = arith.subi %sign3A_180, %sign3A_184 : vector<128x8x384xi32>
      %sign3A_186 = arith.constant 0 : i32
      %sign3A_187 = arith.cmpi sgt, %jit3A, %sign3A_186 : i32
      %sign3A_188 = arith.extui %sign3A_187 : i1 to i32
      %sign3A_189 = arith.constant 0 : i32
      %sign3A_190 = arith.cmpi slt, %jit3A, %sign3A_189 : i32
      %sign3A_191 = arith.extui %sign3A_190 : i1 to i32
      %sign3A_192 = arith.subi %sign3A_188, %sign3A_191 : i32
      %ne3A = vector.broadcast %sign3A_192 : i32 to vector<128x8x384xi32>
      %ne3A_193 = arith.cmpi ne, %sign3A_185, %ne3A : vector<128x8x384xi32>
      %rem3A = vector.broadcast %jit3A : i32 to vector<128x8x384xi32>
      %rem3A_194 = arith.remsi %add3A_175, %rem3A : vector<128x8x384xi32>
      %ne3A_195 = arith.constant 0 : i32
      %ne3A_196 = vector.broadcast %ne3A_195 : i32 to vector<128x8x384xi32>
      %ne3A_197 = arith.cmpi ne, %rem3A_194, %ne3A_196 : vector<128x8x384xi32>
      %and3A = arith.andi %ne3A_193, %ne3A_197 : vector<128x8x384xi1>
      %sub3A_198 = arith.constant 1 : i32
      %sub3A_199 = vector.broadcast %sub3A_198 : i32 to vector<128x8x384xi32>
      %sub3A_200 = arith.subi %div3A_177, %sub3A_199 : vector<128x8x384xi32>
      %select_n3A = arith.select %and3A, %sub3A_200, %div3A_177 : vector<128x8x384xi1>, vector<128x8x384xi32>
      %get3A_201 = arith.constant 0 : index
      %get3A_202 = arith.constant 0 : index
      %get3A_203 = vector.load %arg8[%get3A_201, %get3A_202] : memref<128x8xf32, #tpu.memory_space<vmem>>, vector<128x1xf32>
      %div3A_204 = arith.constant 4.096000e+03 : f32
      %div3A_205 = vector.broadcast %div3A_204 : f32 to vector<128x1xf32>
      %div3A_206 = arith.divf %get3A_203, %div3A_205 : vector<128x1xf32>
      %get3A_207 = arith.constant 0 : index
      %get3A_208 = arith.constant 4 : index
      %get3A_209 = vector.load %arg8[%get3A_207, %get3A_208] : memref<128x8xf32, #tpu.memory_space<vmem>>, vector<128x1xf32>
      %div3A_210 = arith.constant 4.096000e+03 : f32
      %div3A_211 = vector.broadcast %div3A_210 : f32 to vector<128x1xf32>
      %div3A_212 = arith.divf %get3A_209, %div3A_211 : vector<128x1xf32>
      %mul3A_213 = arith.mulf %div3A_206, %div3A_206 : vector<128x1xf32>
      %sub3A_214 = arith.subf %div3A_212, %mul3A_213 : vector<128x1xf32>
      %slice3A_215 = vector.extract_strided_slice %get3A_166 {offsets = [0, 0], sizes = [128, 1], strides = [1, 1]} : vector<128x3xf32> to vector<128x1xf32>
      %add3A_216 = arith.constant 9.99999974E-6 : f32
      %add3A_217 = vector.broadcast %add3A_216 : f32 to vector<128x1xf32>
      %add3A_218 = arith.addf %sub3A_214, %add3A_217 : vector<128x1xf32>
      %sqrt3A = math.sqrt %add3A_218 : vector<128x1xf32>
      %div3A_219 = arith.divf %slice3A_215, %sqrt3A : vector<128x1xf32>
      %slice3A_220 = vector.extract_strided_slice %get3A_169 {offsets = [0, 0], sizes = [128, 1], strides = [1, 1]} : vector<128x3xf32> to vector<128x1xf32>
      %mul3A_221 = arith.mulf %div3A_206, %div3A_219 : vector<128x1xf32>
      %sub3A_222 = arith.subf %slice3A_220, %mul3A_221 : vector<128x1xf32>
      %broadcast_in_dim3A_223 = vector.shape_cast %div3A_219 : vector<128x1xf32> to vector<128x1x1xf32>
      %broadcast_in_dim3A_224 = vector.shape_cast %sub3A_222 : vector<128x1xf32> to vector<128x1x1xf32>
      %get3A_225 = arith.constant 0 : index
      %get3A_226 = arith.constant 1 : index
      %get3A_227 = vector.load %arg8[%get3A_225, %get3A_226] : memref<128x8xf32, #tpu.memory_space<vmem>>, vector<128x1xf32>
      %div3A_228 = arith.constant 4.096000e+03 : f32
      %div3A_229 = vector.broadcast %div3A_228 : f32 to vector<128x1xf32>
      %div3A_230 = arith.divf %get3A_227, %div3A_229 : vector<128x1xf32>
      %get3A_231 = arith.constant 0 : index
      %get3A_232 = arith.constant 5 : index
      %get3A_233 = vector.load %arg8[%get3A_231, %get3A_232] : memref<128x8xf32, #tpu.memory_space<vmem>>, vector<128x1xf32>
      %div3A_234 = arith.constant 4.096000e+03 : f32
      %div3A_235 = vector.broadcast %div3A_234 : f32 to vector<128x1xf32>
      %div3A_236 = arith.divf %get3A_233, %div3A_235 : vector<128x1xf32>
      %mul3A_237 = arith.mulf %div3A_230, %div3A_230 : vector<128x1xf32>
      %sub3A_238 = arith.subf %div3A_236, %mul3A_237 : vector<128x1xf32>
      %slice3A_239 = vector.extract_strided_slice %get3A_166 {offsets = [0, 1], sizes = [128, 1], strides = [1, 1]} : vector<128x3xf32> to vector<128x1xf32>
      %add3A_240 = arith.constant 9.99999974E-6 : f32
      %add3A_241 = vector.broadcast %add3A_240 : f32 to vector<128x1xf32>
      %add3A_242 = arith.addf %sub3A_238, %add3A_241 : vector<128x1xf32>
      %sqrt3A_243 = math.sqrt %add3A_242 : vector<128x1xf32>
      %div3A_244 = arith.divf %slice3A_239, %sqrt3A_243 : vector<128x1xf32>
      %slice3A_245 = vector.extract_strided_slice %get3A_169 {offsets = [0, 1], sizes = [128, 1], strides = [1, 1]} : vector<128x3xf32> to vector<128x1xf32>
      %mul3A_246 = arith.mulf %div3A_230, %div3A_244 : vector<128x1xf32>
      %sub3A_247 = arith.subf %slice3A_245, %mul3A_246 : vector<128x1xf32>
      %broadcast_in_dim3A_248 = vector.shape_cast %div3A_244 : vector<128x1xf32> to vector<128x1x1xf32>
      %broadcast_in_dim3A_249 = vector.shape_cast %sub3A_247 : vector<128x1xf32> to vector<128x1x1xf32>
      %get3A_250 = arith.constant 0 : index
      %get3A_251 = arith.constant 2 : index
      %get3A_252 = vector.load %arg8[%get3A_250, %get3A_251] : memref<128x8xf32, #tpu.memory_space<vmem>>, vector<128x1xf32>
      %div3A_253 = arith.constant 4.096000e+03 : f32
      %div3A_254 = vector.broadcast %div3A_253 : f32 to vector<128x1xf32>
      %div3A_255 = arith.divf %get3A_252, %div3A_254 : vector<128x1xf32>
      %get3A_256 = arith.constant 0 : index
      %get3A_257 = arith.constant 6 : index
      %get3A_258 = vector.load %arg8[%get3A_256, %get3A_257] : memref<128x8xf32, #tpu.memory_space<vmem>>, vector<128x1xf32>
      %div3A_259 = arith.constant 4.096000e+03 : f32
      %div3A_260 = vector.broadcast %div3A_259 : f32 to vector<128x1xf32>
      %div3A_261 = arith.divf %get3A_258, %div3A_260 : vector<128x1xf32>
      %mul3A_262 = arith.mulf %div3A_255, %div3A_255 : vector<128x1xf32>
      %sub3A_263 = arith.subf %div3A_261, %mul3A_262 : vector<128x1xf32>
      %slice3A_264 = vector.extract_strided_slice %get3A_166 {offsets = [0, 2], sizes = [128, 1], strides = [1, 1]} : vector<128x3xf32> to vector<128x1xf32>
      %add3A_265 = arith.constant 9.99999974E-6 : f32
      %add3A_266 = vector.broadcast %add3A_265 : f32 to vector<128x1xf32>
      %add3A_267 = arith.addf %sub3A_263, %add3A_266 : vector<128x1xf32>
      %sqrt3A_268 = math.sqrt %add3A_267 : vector<128x1xf32>
      %div3A_269 = arith.divf %slice3A_264, %sqrt3A_268 : vector<128x1xf32>
      %slice3A_270 = vector.extract_strided_slice %get3A_169 {offsets = [0, 2], sizes = [128, 1], strides = [1, 1]} : vector<128x3xf32> to vector<128x1xf32>
      %mul3A_271 = arith.mulf %div3A_255, %div3A_269 : vector<128x1xf32>
      %sub3A_272 = arith.subf %slice3A_270, %mul3A_271 : vector<128x1xf32>
      %broadcast_in_dim3A_273 = vector.shape_cast %div3A_269 : vector<128x1xf32> to vector<128x1x1xf32>
      %broadcast_in_dim3A_274 = vector.shape_cast %sub3A_272 : vector<128x1xf32> to vector<128x1x1xf32>
      %eq3A_275 = arith.constant 0 : i32
      %eq3A_276 = vector.broadcast %eq3A_275 : i32 to vector<128x8x384xi32>
      %eq3A_277 = arith.cmpi eq, %select_n3A, %eq3A_276 : vector<128x8x384xi32>
      %eq3A_278 = arith.constant 1 : i32
      %eq3A_279 = vector.broadcast %eq3A_278 : i32 to vector<128x8x384xi32>
      %eq3A_280 = arith.cmpi eq, %select_n3A, %eq3A_279 : vector<128x8x384xi32>
      %broadcast_in_dim3A_281 = vector.shape_cast %broadcast_in_dim3A_248 : vector<128x1x1xf32> to vector<128x1x1xf32>
      %broadcast_in_dim3A_282 = vector.broadcast %broadcast_in_dim3A_281 : vector<128x1x1xf32> to vector<128x8x384xf32>
      %broadcast_in_dim3A_283 = vector.shape_cast %broadcast_in_dim3A_273 : vector<128x1x1xf32> to vector<128x1x1xf32>
      %broadcast_in_dim3A_284 = vector.broadcast %broadcast_in_dim3A_283 : vector<128x1x1xf32> to vector<128x8x384xf32>
      %select_n3A_285 = arith.select %eq3A_280, %broadcast_in_dim3A_282, %broadcast_in_dim3A_284 : vector<128x8x384xi1>, vector<128x8x384xf32>
      %broadcast_in_dim3A_286 = vector.shape_cast %broadcast_in_dim3A_223 : vector<128x1x1xf32> to vector<128x1x1xf32>
      %broadcast_in_dim3A_287 = vector.broadcast %broadcast_in_dim3A_286 : vector<128x1x1xf32> to vector<128x8x384xf32>
      %select_n3A_288 = arith.select %eq3A_277, %broadcast_in_dim3A_287, %select_n3A_285 : vector<128x8x384xi1>, vector<128x8x384xf32>
      %eq3A_289 = arith.constant 0 : i32
      %eq3A_290 = vector.broadcast %eq3A_289 : i32 to vector<128x8x384xi32>
      %eq3A_291 = arith.cmpi eq, %select_n3A, %eq3A_290 : vector<128x8x384xi32>
      %eq3A_292 = arith.constant 1 : i32
      %eq3A_293 = vector.broadcast %eq3A_292 : i32 to vector<128x8x384xi32>
      %eq3A_294 = arith.cmpi eq, %select_n3A, %eq3A_293 : vector<128x8x384xi32>
      %broadcast_in_dim3A_295 = vector.shape_cast %broadcast_in_dim3A_249 : vector<128x1x1xf32> to vector<128x1x1xf32>
      %broadcast_in_dim3A_296 = vector.broadcast %broadcast_in_dim3A_295 : vector<128x1x1xf32> to vector<128x8x384xf32>
      %broadcast_in_dim3A_297 = vector.shape_cast %broadcast_in_dim3A_274 : vector<128x1x1xf32> to vector<128x1x1xf32>
      %broadcast_in_dim3A_298 = vector.broadcast %broadcast_in_dim3A_297 : vector<128x1x1xf32> to vector<128x8x384xf32>
      %select_n3A_299 = arith.select %eq3A_294, %broadcast_in_dim3A_296, %broadcast_in_dim3A_298 : vector<128x8x384xi1>, vector<128x8x384xf32>
      %broadcast_in_dim3A_300 = vector.shape_cast %broadcast_in_dim3A_224 : vector<128x1x1xf32> to vector<128x1x1xf32>
      %broadcast_in_dim3A_301 = vector.broadcast %broadcast_in_dim3A_300 : vector<128x1x1xf32> to vector<128x8x384xf32>
      %select_n3A_302 = arith.select %eq3A_291, %broadcast_in_dim3A_301, %select_n3A_299 : vector<128x8x384xi1>, vector<128x8x384xf32>
      %get3A_303 = arith.constant 0 : index
      %get3A_304 = arith.constant 0 : index
      %get3A_305 = arith.constant 0 : index
      %get3A_306 = vector.load %arg7[%get3A_303, %get3A_304, %get3A_305] : memref<4x1024x384xf32, #tpu.memory_space<vmem>>, vector<1x1024x384xf32>
      %get3A_307 = vector.shape_cast %get3A_306 : vector<1x1024x384xf32> to vector<1024x384xf32>
      %reshape3A_308 = vector.shape_cast %get3A_307 : vector<1024x384xf32> to vector<128x8x384xf32>
      %mul3A_309 = arith.mulf %reshape3A_308, %select_n3A_288 : vector<128x8x384xf32>
      %add3A_310 = arith.addf %mul3A_309, %select_n3A_302 : vector<128x8x384xf32>
      %max3A = arith.constant 0.000000e+00 : f32
      %max3A_311 = vector.broadcast %max3A : f32 to vector<128x8x384xf32>
      %max3A_312 = arith.maximumf %add3A_310, %max3A_311 : vector<128x8x384xf32>
      %reshape3A_313 = vector.shape_cast %max3A_312 : vector<128x8x384xf32> to vector<1024x384xf32>
      %swap3A_314 = arith.constant 0 : index
      %swap3A_315 = arith.constant 0 : index
      %swap3A_316 = arith.constant 0 : index
      %swap3A_317 = vector.load %arg7[%swap3A_314, %swap3A_315, %swap3A_316] : memref<4x1024x384xf32, #tpu.memory_space<vmem>>, vector<1x1024x384xf32>
      %swap3A_318 = vector.shape_cast %swap3A_317 : vector<1x1024x384xf32> to vector<1024x384xf32>
      %swap3A_319 = vector.shape_cast %reshape3A_313 : vector<1024x384xf32> to vector<1x1024x384xf32>
      tpu.vector_store %arg7[%swap3A_314, %swap3A_315, %swap3A_316], %swap3A_319 {strides = array<i32>} : memref<4x1024x384xf32, #tpu.memory_space<vmem>>, vector<1x1024x384xf32>,
      %get3A_320 = arith.constant 1 : index
      %get3A_321 = arith.constant 0 : index
      %get3A_322 = arith.constant 0 : index
      %get3A_323 = vector.load %arg7[%get3A_320, %get3A_321, %get3A_322] : memref<4x1024x384xf32, #tpu.memory_space<vmem>>, vector<1x1024x384xf32>
      %get3A_324 = vector.shape_cast %get3A_323 : vector<1x1024x384xf32> to vector<1024x384xf32>
      %reshape3A_325 = vector.shape_cast %get3A_324 : vector<1024x384xf32> to vector<128x8x384xf32>
      %mul3A_326 = arith.mulf %reshape3A_325, %select_n3A_288 : vector<128x8x384xf32>
      %add3A_327 = arith.addf %mul3A_326, %select_n3A_302 : vector<128x8x384xf32>
      %max3A_328 = arith.constant 0.000000e+00 : f32
      %max3A_329 = vector.broadcast %max3A_328 : f32 to vector<128x8x384xf32>
      %max3A_330 = arith.maximumf %add3A_327, %max3A_329 : vector<128x8x384xf32>
      %reshape3A_331 = vector.shape_cast %max3A_330 : vector<128x8x384xf32> to vector<1024x384xf32>
      %swap3A_332 = arith.constant 1 : index
      %swap3A_333 = arith.constant 0 : index
      %swap3A_334 = arith.constant 0 : index
      %swap3A_335 = vector.load %arg7[%swap3A_332, %swap3A_333, %swap3A_334] : memref<4x1024x384xf32, #tpu.memory_space<vmem>>, vector<1x1024x384xf32>
      %swap3A_336 = vector.shape_cast %swap3A_335 : vector<1x1024x384xf32> to vector<1024x384xf32>
      %swap3A_337 = vector.shape_cast %reshape3A_331 : vector<1024x384xf32> to vector<1x1024x384xf32>
      tpu.vector_store %arg7[%swap3A_332, %swap3A_333, %swap3A_334], %swap3A_337 {strides = array<i32>} : memref<4x1024x384xf32, #tpu.memory_space<vmem>>, vector<1x1024x384xf32>,
      %get3A_338 = arith.constant 2 : index
      %get3A_339 = arith.constant 0 : index
      %get3A_340 = arith.constant 0 : index
      %get3A_341 = vector.load %arg7[%get3A_338, %get3A_339, %get3A_340] : memref<4x1024x384xf32, #tpu.memory_space<vmem>>, vector<1x1024x384xf32>
      %get3A_342 = vector.shape_cast %get3A_341 : vector<1x1024x384xf32> to vector<1024x384xf32>
      %reshape3A_343 = vector.shape_cast %get3A_342 : vector<1024x384xf32> to vector<128x8x384xf32>
      %mul3A_344 = arith.mulf %reshape3A_343, %select_n3A_288 : vector<128x8x384xf32>
      %add3A_345 = arith.addf %mul3A_344, %select_n3A_302 : vector<128x8x384xf32>
      %max3A_346 = arith.constant 0.000000e+00 : f32
      %max3A_347 = vector.broadcast %max3A_346 : f32 to vector<128x8x384xf32>
      %max3A_348 = arith.maximumf %add3A_345, %max3A_347 : vector<128x8x384xf32>
      %reshape3A_349 = vector.shape_cast %max3A_348 : vector<128x8x384xf32> to vector<1024x384xf32>
      %swap3A_350 = arith.constant 2 : index
      %swap3A_351 = arith.constant 0 : index
      %swap3A_352 = arith.constant 0 : index
      %swap3A_353 = vector.load %arg7[%swap3A_350, %swap3A_351, %swap3A_352] : memref<4x1024x384xf32, #tpu.memory_space<vmem>>, vector<1x1024x384xf32>
      %swap3A_354 = vector.shape_cast %swap3A_353 : vector<1x1024x384xf32> to vector<1024x384xf32>
      %swap3A_355 = vector.shape_cast %reshape3A_349 : vector<1024x384xf32> to vector<1x1024x384xf32>
      tpu.vector_store %arg7[%swap3A_350, %swap3A_351, %swap3A_352], %swap3A_355 {strides = array<i32>} : memref<4x1024x384xf32, #tpu.memory_space<vmem>>, vector<1x1024x384xf32>,
      %get3A_356 = arith.constant 3 : index
      %get3A_357 = arith.constant 0 : index
      %get3A_358 = arith.constant 0 : index
      %get3A_359 = vector.load %arg7[%get3A_356, %get3A_357, %get3A_358] : memref<4x1024x384xf32, #tpu.memory_space<vmem>>, vector<1x1024x384xf32>
      %get3A_360 = vector.shape_cast %get3A_359 : vector<1x1024x384xf32> to vector<1024x384xf32>
      %reshape3A_361 = vector.shape_cast %get3A_360 : vector<1024x384xf32> to vector<128x8x384xf32>
      %mul3A_362 = arith.mulf %reshape3A_361, %select_n3A_288 : vector<128x8x384xf32>
      %add3A_363 = arith.addf %mul3A_362, %select_n3A_302 : vector<128x8x384xf32>
      %max3A_364 = arith.constant 0.000000e+00 : f32
      %max3A_365 = vector.broadcast %max3A_364 : f32 to vector<128x8x384xf32>
      %max3A_366 = arith.maximumf %add3A_363, %max3A_365 : vector<128x8x384xf32>
      %reshape3A_367 = vector.shape_cast %max3A_366 : vector<128x8x384xf32> to vector<1024x384xf32>
      %swap3A_368 = arith.constant 3 : index
      %swap3A_369 = arith.constant 0 : index
      %swap3A_370 = arith.constant 0 : index
      %swap3A_371 = vector.load %arg7[%swap3A_368, %swap3A_369, %swap3A_370] : memref<4x1024x384xf32, #tpu.memory_space<vmem>>, vector<1x1024x384xf32>
      %swap3A_372 = vector.shape_cast %swap3A_371 : vector<1x1024x384xf32> to vector<1024x384xf32>
      %swap3A_373 = vector.shape_cast %reshape3A_367 : vector<1024x384xf32> to vector<1x1024x384xf32>
      tpu.vector_store %arg7[%swap3A_368, %swap3A_369, %swap3A_370], %swap3A_373 {strides = array<i32>} : memref<4x1024x384xf32, #tpu.memory_space<vmem>>, vector<1x1024x384xf32>,
    } else {
    }
    return
  }
  func.func @transform_0(%arg0: i32) -> (i32, i32, i32) {
    %c0_i32 = arith.constant 0 : i32
    %c0_i32_0 = arith.constant 0 : i32
    %c0_i32_1 = arith.constant 0 : i32
    return %arg0, %c0_i32, %c0_i32_0 : i32, i32, i32
  }
  func.func @transform_1(%arg0: i32) -> (i32, i32, i32) {
    %c0_i32 = arith.constant 0 : i32
    %c0_i32_0 = arith.constant 0 : i32
    %c0_i32_1 = arith.constant 0 : i32
    return %arg0, %c0_i32, %c0_i32_0 : i32, i32, i32
  }
  func.func @transform_2(%arg0: i32) -> (i32, i32, i32) {
    %c0_i32 = arith.constant 0 : i32
    %c0_i32_0 = arith.constant 0 : i32
    %c0_i32_1 = arith.constant 0 : i32
    return %arg0, %c0_i32, %c0_i32_0 : i32, i32, i32
  }
  func.func @transform_3(%arg0: i32) -> (i32, i32) {
    %c0_i32 = arith.constant 0 : i32
    %c0_i32_0 = arith.constant 0 : i32
    %c0_i32_1 = arith.constant 0 : i32
    return %c0_i32, %c0_i32_0 : i32, i32
  }
  func.func @transform_4(%arg0: i32) -> (i32, i32) {
    %c0_i32 = arith.constant 0 : i32
    %c0_i32_0 = arith.constant 0 : i32
    %c0_i32_1 = arith.constant 0 : i32
    return %c0_i32, %c0_i32_0 : i32, i32
  }
  func.func @transform_5(%arg0: i32) -> (i32, i32) {
    %c0_i32 = arith.constant 0 : i32
    %c0_i32_0 = arith.constant 0 : i32
    %c0_i32_1 = arith.constant 0 : i32
    return %c0_i32, %c0_i32_0 : i32, i32
  }
  func.func @transform_6(%arg0: i32) -> (i32, i32, i32) {
    %c0_i32 = arith.constant 0 : i32
    %c0_i32_0 = arith.constant 0 : i32
    %c0_i32_1 = arith.constant 0 : i32
    %c0_i32_2 = arith.constant 0 : i32
    return %c0_i32, %c0_i32_0, %c0_i32_1 : i32, i32, i32
  }
}

</mosaic_0001>

<sc_bundles>
// kernel: kernel.5.cloned.1.call-start
scs
__scs_entry_jumppad:
0x0: {  	(pc) =	sbr.rel $0x88, $3  }
0x1: {  	(tag) =	ssettag $0x0;
	lr =	simm.s32 $0x1  }
0x2: {  	[smem:$0x3F9C] =	sst lr;
	_ =	strace $0xD0000000  }
0x3: {  	_ = 	snop  }
0x4: {  	_ = 	snop  }
0x5: {  	_ = 	snop  }
0x6: {  	_ = 	snop  }
0x7: {  	_ = 	snop  }
__scs_overlays_trampoline_lowered:
0x8: {  	[smem:$0x3FAB] =	sst s0  }
0x9: {  	[smem:$0x3FAC] =	sst s1  }
0xa: {  	[smem:$0x3FAD] =	sst s2  }
0xb: {  	[smem:$0x3FAE] =	sst s3  }
0xc: {  	[smem:$0x3FAF] =	sst s4  }
0xd: {  	[smem:$0x3FB0] =	sst s5  }
0xe: {  	[smem:$0x3FB1] =	sst s6  }
0xf: {  	[smem:$0x3FB2] =	sst s7  }
0x10: {  	[smem:$0x3FB3] =	sst s8  }
0x11: {  	[smem:$0x3FB4] =	sst s9;
	s0 =	simm.s32 @!p0 $0x0  }
0x12: {  	s1 =	sld [smem:$0x3F9A];
	s0 =	simm.s32 @p0 $0x1  }
0x13: {  	[smem:$0x3FB5] =	sst s0;
	s0 =	simm.s32 @!p1 $0x0  }
0x14: {  	s2 =	sld [smem:$0x3F99];
	s0 =	simm.s32 @p1 $0x1  }
0x15: {  	[smem:$0x3FB6] =	sst s0;
	s0 =	simm.s32 @!p2 $0x0  }
0x16: {  	s3 =	sld [smem:$0x3FDB];
	s0 =	simm.s32 @p2 $0x1  }
0x17: {  	s4 =	simm.s32 $0x1BF5;
	[smem:$0x3FB8] =	sst s0  }
0x18: {  	s0 =	sld [smem:$0x3F9B];
	_ =	swait.ge [sflag:s4], $0x0  }
0x19: {  	s7 =	sld [smem:$0x3F9C]  }
0x1a: {  	s8 =	sadd.s32 $0xFFFFE003, lr  }
0x1b: {  	s9 =	sadd.s32 $0xFFFFFEF7, lr;
	s5 =	simm.s32 $0xFFFFFFFF;
	p2 =	slt.u32 s8, $0xFFFFF086  }
0x1c: {  	p1 =	slt.u32 s9, $0xF7A;
	s5 =	simm.s32 @!p2 $0x0  }
0x1d: {  	s5 =	simm.s32 @p1 $0x1;
	p0 =	seq.s32 s7, s2  }
0x1e: {  	s7 =	smul.u32 @!p0 $0xF7A, s2;
	p2 =	seq.s32 @!p0 s5, $0x0  }
0x1f: {  	s9 =	smul.u32 $0xF7A, s1;
	s8 =	simm.s32 @!p0 $0x1BF5;
	p2 =	por !p2, p0  }
0x20: {  	[sflag:s8] =	ssyncset.s32 @!p0 $0xFFFFF086;
	s6 =	sadd.s32 @!p0 s3, s7;
	s7 =	simm.s32 @!p0 $0x108  }
0x21: {  	s3 =	sadd.s32 s3, s9;
	s6 =	sadd.s32 @!p0 $0x88, s6;
	s7 =	simm.s32 @p2 $0x1082  }
0x22: {  	[simem:s7], [sflag:s8] =	dma.local @!p0 [hbm:s6], $0xF7A  }
0x23: {  	s9 =	sor.u32 $0xD0000000, s2;
	s6 =	simm.s32 $0x108;
	_ =	swait.ge @!p0 [sflag:s8], $0x0  }
0x24: {  	s3 =	sadd.s32 $0x88, s3;
	s6 =	simm.s32 @!p1 $0x1082;
	[sflag:s4] =	ssyncset.s32 $0xFFFFF086  }
0x25: {  	[simem:s6], [sflag:s4] =	dma.local [hbm:s3], $0xF7A  }
0x26: {  	[smem:$0x3F9C] =	sst s1;
	(tag) =	ssettag s2;
	_ =	strace s9  }
0x27: {  	s1 =	sld [smem:$0x3FAC]  }
0x28: {  	s2 =	sld [smem:$0x3FAD]  }
0x29: {  	s4 =	sld [smem:$0x3FAF]  }
0x2a: {  	p0 =	seq.s32 s5, $0x0;
	s5 =	sld [smem:$0x3FB0]  }
0x2b: {  	s6 =	sld [smem:$0x3FB1]  }
0x2c: {  	s7 =	sld [smem:$0x3FB2]  }
0x2d: {  	s3 =	simm.s32 $0x108;
	s8 =	sld [smem:$0x3FB3]  }
0x2e: {  	s3 =	simm.s32 @!p0 $0x1082;
	s9 =	sld [smem:$0x3FB4]  }
0x2f: {  	lr =	sadd.s32 s0, s3;
	s0 =	sld [smem:$0x3FAB]  }
0x30: {  	s3 =	sld [smem:$0x3FAE]  }
0x31: {  	[smem:$0x3FB7] =	sst s10  }
0x32: {  	s10 =	sld [smem:$0x3FB5];
	_ =	sdelay $0x3  }
0x33: {  	p0 =	seq.s32 s10, $0x1;
	s10 =	sld [smem:$0x3FB7];
	_ =	sdelay $0x3  }
0x34: {  	[smem:$0x3FB7] =	sst s10  }
0x35: {  	s10 =	sld [smem:$0x3FB6];
	_ =	sdelay $0x3  }
0x36: {  	p1 =	seq.s32 s10, $0x1;
	s10 =	sld [smem:$0x3FB7];
	_ =	sdelay $0x3  }
0x37: {  	[smem:$0x3FB7] =	sst s10  }
0x38: {  	s10 =	sld [smem:$0x3FB8]  }
0x39: {  	_ = 	snop;
	(pc) =	sbr.ind lr, $3  }
0x3a: {  	_ = 	snop  }
0x3b: {  	_ = 	snop  }
0x3c: {  	p2 =	seq.s32 s10, $0x1;
	s10 =	sld [smem:$0x3FB7]  }
0x3d: {  	_ =	shalt  }
0x3e: {  	_ =	shalt  }
0x3f: {  	_ =	shalt  }
0x40: {  	_ =	shalt  }
0x41: {  	_ =	shalt  }
0x42: {  	_ =	shalt  }
0x43: {  	_ =	shalt  }
0x44: {  	_ =	shalt  }
0x45: {  	_ =	shalt  }
0x46: {  	_ =	shalt  }
0x47: {  	_ =	shalt  }
0x48: {  	_ =	shalt  }
0x49: {  	_ =	shalt  }
0x4a: {  	_ =	shalt  }
0x4b: {  	_ =	shalt  }
0x4c: {  	_ =	shalt  }
0x4d: {  	_ =	shalt  }
0x4e: {  	_ =	shalt  }
0x4f: {  	_ =	shalt  }
0x50: {  	_ =	shalt  }
0x51: {  	_ =	shalt  }
0x52: {  	_ =	shalt  }
0x53: {  	_ =	shalt  }
0x54: {  	_ =	shalt  }
0x55: {  	_ =	shalt  }
0x56: {  	_ =	shalt  }
0x57: {  	_ =	shalt  }
0x58: {  	_ =	shalt  }
0x59: {  	_ =	shalt  }
0x5a: {  	_ =	shalt  }
0x5b: {  	_ =	shalt  }
0x5c: {  	_ =	shalt  }
0x5d: {  	_ =	shalt  }
0x5e: {  	_ =	shalt  }
0x5f: {  	_ =	shalt  }
0x60: {  	_ =	shalt  }
0x61: {  	_ =	shalt  }
0x62: {  	_ =	shalt  }
0x63: {  	_ =	shalt  }
0x64: {  	_ =	shalt  }
0x65: {  	_ =	shalt  }
0x66: {  	_ =	shalt  }
0x67: {  	_ =	shalt  }
0x68: {  	_ =	shalt  }
0x69: {  	_ =	shalt  }
0x6a: {  	_ =	shalt  }
0x6b: {  	_ =	shalt  }
0x6c: {  	_ =	shalt  }
0x6d: {  	_ =	shalt  }
0x6e: {  	_ =	shalt  }
0x6f: {  	_ =	shalt  }
0x70: {  	_ =	shalt  }
0x71: {  	_ =	shalt  }
0x72: {  	_ =	shalt  }
0x73: {  	_ =	shalt  }
0x74: {  	_ =	shalt  }
0x75: {  	_ =	shalt  }
0x76: {  	_ =	shalt  }
0x77: {  	_ =	shalt  }
0x78: {  	_ =	shalt  }
0x79: {  	_ =	shalt  }
0x7a: {  	_ =	shalt  }
0x7b: {  	_ =	shalt  }
0x7c: {  	_ =	shalt  }
0x7d: {  	_ =	shalt  }
0x7e: {  	_ =	shalt  }
0x7f: {  	_ =	shalt  }
0x80: {  	_ =	shalt  }
0x81: {  	_ =	shalt  }
0x82: {  	_ =	shalt  }
0x83: {  	_ =	shalt  }
0x84: {  	_ =	shalt  }
0x85: {  	_ =	shalt  }
0x86: {  	_ =	shalt  }
0x87: {  	_ =	shalt  }
.Lfunc_end0:
.L_simem_size_0:
called_computation_lowered:
.L_overlay_start_0:
0x88: {  	s2 =	sld [smem:$0x3FD9]  }
0x89: {  	s3 =	sld [smem:$0x3FFE];
	_ =	sdelay $0x1  }
0x8a: {  	s1 =	srdreg.scid  }
0x8b: {  	s0 =	sand.u32 $0x1, s1  }
0x8c: {  	s17 =	sshll.u32 s0, $0xA;
	s2 =	sadd.s32 s3, s2  }
0x8d: {  	s2 =	sadd.s32 s2, s17  }
0x8e: {  	[smem:$0x3FC3] =	sst s2  }
0x8f: {  	_ = 	snop  }
0x90: {  	s2 =	sld [smem:$0x3FD0];
	(tm) =	ssettm $0x1  }
0x91: {  	s18 =	sld [smem:$0x3FFB];
	_ =	sdelay $0x3  }
0x92: {  	_ =	strace s18  }
0x93: {  	s3 =	sld [smem:$0x3FFC];
	_ =	sdelay $0x3  }
0x94: {  	_ =	strace s3  }
0x95: {  	s3 =	sld [smem:$0x3FFD];
	_ =	sdelay $0x3  }
0x96: {  	_ =	strace s3  }
0x97: {  	_ =	strace $0x8FFFFFFF  }
0x98: {  	s19 =	sld [smem:$0x3FDB];
	_ =	sdelay $0x1  }
0x99: {  	s4 =	simm.s32 $_scs_section_size  }
0x9a: {  	s5 =	simm.s32 $_size__tile_overlayer_lowered;
	s6 =	simm.s32 $_tile_overlayer_lowered  }
0x9b: {  	s22 =	simm.s32 $0x1BFF;
	s21 =	sshll.u32 s6, $0x1;
	s3 =	sadd.s32 s4, s19  }
0x9c: {  	s7 =	simm.s32 $0x0;
	s20 =	sshll.u32 s5, $0x1;
	s5 =	sadd.s32 s21, s3  }
0x9d: {  	[timem:s7], [sflag:s22] =	dma.local [hbm:s5], s20  }
0x9e: {  	_ =	swait.ge [sflag:s22], s20  }
0x9f: {  	s4 =	ssub.s32 $0x0, s20;
	[sflag:s22] =	ssyncset.done $0x0  }
0xa0: {  	[sflag:s22] =	ssyncadd.s32 s4;
	_ =	sdelay $0x1  }
0xa1: {  	s23 =	simm.s32 $0x1B8B  }
0xa2: {  	_ =	swait.ge [sflag:s23], $0x1  }
0xa3: {  	[sflag:s23] =	ssyncset.done $0x0  }
0xa4: {  	s25 =	simm.s32 $0x1B8E;
	s24 =	sld [smem:$0x3FFE];
	[sflag:s23] =	ssyncadd.s32 $0xFFFFFFFF  }
0xa5: {  	s26 =	simm.s32 $execute0_lowered;
	[smem:$0x3FD2] =	sst s25  }
0xa6: {  	s5 =	sshll.u32 s26, $0x1;
	_ =	strace $0x80000046;
	[dreg:$0x1] =	wrdreg $0xFFFFFFFF  }
0xa7: {  	s28 =	simm.s32 $_size_execute0_lowered;
	s3 =	sadd.s32 s3, s5;
	[dreg:$0x0] =	wrdreg $0x0  }
0xa8: {  	s5 =	sshll.u32 s28, $0x1;
	[dreg:$0x2] =	wrdreg s3  }
0xa9: {  	[dreg:$0x3] =	wrdreg s5  }
0xaa: {  	[dreg:$0x4] =	wrdreg $0xC0  }
0xab: {  	_ =	task [dreg:s7], $0x5FFFF  }
0xac: {  	[dreg:$0x1] =	wrdreg $0xFFFFFFFF  }
0xad: {  	[dreg:$0x0] =	wrdreg $0x60  }
0xae: {  	[dreg:$0x2] =	wrdreg s24  }
0xaf: {  	[dreg:$0x3] =	wrdreg s2  }
0xb0: {  	[dreg:$0x4] =	wrdreg $0x9  }
0xb1: {  	_ =	task.clear_ibuf [dreg:s7], $0x5FFFF;
	_ =	strace $0x90000046  }
0xb2: {  	s29 =	simm.s32 $0x9;
	_ =	strace $0x80000048  }
0xb3: {  	_ =	swait.ge [sflag:s29], $0x1  }
0xb4: {  	[sflag:s29] =	ssyncadd.s32 $0xFFFFFFFF  }
0xb5: {  	_ =	strace $0x90000048  }
0xb6: {  	_ =	sfence  }
0xb7: {  	s30 =	sld [smem:$0x0];
	_ =	sdelay $0x2  }
0xb8: {  	s31 =	sshll.u32 s1, $0xD;
	s1 =	sshrl.u32 s1, $0x2  }
0xb9: {  	s3 =	sand.u32 $0x4000, s31;
	s1 =	sadd.s32 s1, s30  }
0xba: {  	s0 =	sor.u32 s3, s0;
	s1 =	sshll.u32 s1, $0x11  }
0xbb: {  	s0 =	sor.u32 s1, s0  }
0xbc: {  	s0 =	sadd.s32 $0x8F2B, s0  }
0xbd: {  	[sflag:s0] =	ssyncadd.remote.s32 $0x1  }
0xbe: {  	_ =	sfence.sel $0xFFFF  }
0xbf: {  	[dreg:$0x0] =	wrdreg $0xFFFFFFFF;
	(pc) =	sbr.abs _section_cstart, $3  }
0xc0: {  	[dreg:$0x1] =	wrdreg $0xFFFFFFFF  }
0xc1: {  	_ =	task.clear_ibuf [dreg:s7], $0x2FFFF;
	_ =	strace $0x9FFFFFFF  }
0xc2: {  	(tm) =	ssettm $0x7FFFFFFF  }
0xc3: {  	_ =	shalt  }
tec
execute0_lowered:
.L_overlay_start_1:
0x0: {  	(tag) =	ssettag $0x1  }
0x1: {  	s0 =	rddreg [dreg:$0x0]  }
0x2: {  	s2 =	rddreg [dreg:$0x1];
	s1 =	simm.s32 $0x0;
	s4 =	srdreg.scid  }
0x3: {  	s7 =	stileid.u32;
	s14 =	simm.s32 $0x1;
	s17 =	simm.s32 $0x180  }
0x4: {  	s15 =	simm.s32 $0x6180;
	s16 =	simm.s32 $0x6980;
	s18 =	simm.s32 $0x6D80  }
0x5: {  	s19 =	simm.s32 $0x7580;
	s20 =	simm.s32 $0x7980;
	s21 =	simm.s32 $0x8180  }
0x6: {  	s22 =	simm.s32 $0x8580;
	s28 =	simm.s32 $0xB180;
	s29 =	simm.s32 $0xBD80  }
0x7: {  	s30 =	simm.s32 $0x0;
	[smem:$0x7FF] =	sst s1;
	s3 =	sadd.s32 $0x2200, s0  }
0x8: {  	s5 =	sadd.s32 $0x1C00, s0;
	s4 =	sand.u32 $0x1, s4;
	s7 =	sshll.u32 s7, $0x3  }
0x9: {  	s8 =	sadd.s32 $0x1E00, s0;
	s6 =	ssub.s32 $0x2, s4;
	s4 =	sshll.u32 s4, $0x8  }
0xa: {  	s11 =	sadd.s32 $0x2000, s0;
	s9 =	sshrl.u32 s6, $0x1;
	s4 =	sor.u32 s7, s4  }
0xb: {  	_ =	strace $0x80000047;
	s6 =	ssub.s32 s6, s9;
	s7 =	sadd.s32 s5, s4  }
0xc: {  	s23 =	sadd.s32 s8, s4;
	s24 =	smul.u32 $0x180, s4;
	[dreg:$0x3] =	wrdreg s7  }
0xd: {  	s12 =	sor.u32 $0x80, s4;
	s4 =	sadd.s32 s11, s4;
	[dreg:$0x4] =	wrdreg s23  }
0xe: {  	[dreg:$0x5] =	wrdreg s4;
	s7 =	sadd.s32 $0x2300, s0;
	s25 =	smul.u32 $0x180, s12  }
0xf: {  	s31 =	sadd.s32 s5, s12;
	s10 =	sadd.s32 s8, s12;
	s11 =	sadd.s32 s11, s12  }
0x10: {  	s13 =	smax.u32 s6, $0x1;
	s23 =	simm.s32 $0x8D80;
	s4 =	simm.s32 $0x9180  }
0x11: {  	v2 =	vlaneseq.u32;
	s5 =	simm.s32 $0x9D80;
	s26 =	sadd.s32 s2, s24;
	[dreg:$0x7] =	wrdreg s31  }
0x12: {  	vm0 =	vmmov $0xffff;
	vm1 =	vmmov $0xff;
	v1 =	vshrl.u32 v2, $0x3;
	s6 =	simm.s32 $0xB580;
	s24 =	simm.s32 $0x9980;
	[dreg:$0x6] =	wrdreg s26  }
0x13: {  	v0 =	vand.u32 $0x7, v2;
	v2 =	vor.u32 $0x8, v2;
	v1 =	vmul.u32 $0x8, v1;
	s12 =	sadd.s32 s2, s25;
	s25 =	simm.s32 $0xA580;
	s26 =	simm.s32 $0xA980  }
.LBB2_1:
0x14: {  	s0 =	rddreg [dreg:$0x3]  }
0x15: {  	[tilespmem:s1], [sflag:$0x1] =	stream.linear.gather [hbm4b:s0+s1], $0x40, $0x38;
	[tilespmem:$0xC180] =	vst v63  }
0x16: {  	_ =	swait.ge [sflag:s14], $0x40  }
0x17: {  	[sflag:s14] =	ssyncset.done $0x0  }
0x18: {  	s2 =	simm.s32 $0x80;
	s9 =	rddreg [dreg:$0x4];
	[sflag:s14] =	ssyncadd.s32 $0xFFFFFFC0  }
0x19: {  	[tilespmem:s2], [sflag:$0x1] =	stream.linear.gather [hbm4b:s9+s1], $0x40, $0x38;
	[tilespmem:$0xC180] =	vst v63  }
0x1a: {  	_ =	swait.ge [sflag:s14], $0x40  }
0x1b: {  	[sflag:s14] =	ssyncset.done $0x0  }
0x1c: {  	s8 =	simm.s32 $0x100;
	s2 =	rddreg [dreg:$0x5];
	[sflag:s14] =	ssyncadd.s32 $0xFFFFFFC0  }
0x1d: {  	[tilespmem:s8], [sflag:$0x1] =	stream.linear.gather [hbm4b:s2+s1], $0x40, $0x38;
	[tilespmem:$0xC180] =	vst v63  }
0x1e: {  	_ =	swait.ge [sflag:s14], $0x40  }
0x1f: {  	[sflag:s14] =	ssyncset.done $0x0  }
0x20: {  	[sflag:s14] =	ssyncadd.s32 $0xFFFFFFC0  }
0x21: {  	v3 =	vld [tilespmem:$0x0];
	_ =	sdelay $0x4  }
0x22: {  	v4 =	vshrl.u32 v3, $0x3  }
0x23: {  	v4 =	vmul.u32 $0x18, v4  }
0x24: {  	v3 =	vand.u32 $0x7, v3  }
0x25: {  	v3 =	vor.u32 v3, v4  }
0x26: {  	v4 =	vperm.xlane v3, v0;
	_ =	sdelay $0x1  }
0x27: {  	v4 =	vadd.s32 v1, v4;
	_ =	sdelay $0x1  }
0x28: {  	v3 =	vperm.xlane v3, v2;
	_ =	sdelay $0x1  }
0x29: {  	v3 =	vadd.s32 v1, v3  }
0x2a: {  	[tilespmem:s17], [sflag:$0x1] =	stream.indirect_vreg.gather [hbm4b:s3+s1], $0x80, v4, vm0, $0xb8;
	[tilespmem:$0xC180] =	vst v63  }
0x2b: {  	s9 =	simm.s32 $0x980  }
0x2c: {  	[tilespmem:s9], [sflag:$0x1] =	stream.indirect_vreg.gather [hbm4b:s7+s1], $0x80, v4, vm1, $0xb8;
	[tilespmem:$0xC180] =	vst v63  }
0x2d: {  	s2 =	simm.s32 $0xD80  }
0x2e: {  	[tilespmem:s2], [sflag:$0x1] =	stream.indirect_vreg.gather [hbm4b:s3+s1], $0x80, v3, vm0, $0xb8;
	[tilespmem:$0xC180] =	vst v63  }
0x2f: {  	s8 =	simm.s32 $0x1580  }
0x30: {  	[tilespmem:s8], [sflag:$0x1] =	stream.indirect_vreg.gather [hbm4b:s7+s1], $0x80, v3, vm1, $0xb8;
	[tilespmem:$0xC180] =	vst v63  }
0x31: {  	v3 =	vld [tilespmem:$0x10];
	_ =	sdelay $0x4  }
0x32: {  	v4 =	vshrl.u32 v3, $0x3  }
0x33: {  	v4 =	vmul.u32 $0x18, v4  }
0x34: {  	v3 =	vand.u32 $0x7, v3  }
0x35: {  	v3 =	vor.u32 v3, v4  }
0x36: {  	v4 =	vperm.xlane v3, v0;
	_ =	sdelay $0x1  }
0x37: {  	v4 =	vadd.s32 v1, v4;
	_ =	sdelay $0x1  }
0x38: {  	v3 =	vperm.xlane v3, v2;
	_ =	sdelay $0x1  }
0x39: {  	s9 =	simm.s32 $0x1980;
	v3 =	vadd.s32 v1, v3  }
0x3a: {  	[tilespmem:s9], [sflag:$0x1] =	stream.indirect_vreg.gather [hbm4b:s3+s1], $0x80, v4, vm0, $0xb8;
	[tilespmem:$0xC180] =	vst v63  }
0x3b: {  	s2 =	simm.s32 $0x2180  }
0x3c: {  	[tilespmem:s2], [sflag:$0x1] =	stream.indirect_vreg.gather [hbm4b:s7+s1], $0x80, v4, vm1, $0xb8;
	[tilespmem:$0xC180] =	vst v63  }
0x3d: {  	s8 =	simm.s32 $0x2580  }
0x3e: {  	[tilespmem:s8], [sflag:$0x1] =	stream.indirect_vreg.gather [hbm4b:s3+s1], $0x80, v3, vm0, $0xb8;
	[tilespmem:$0xC180] =	vst v63  }
0x3f: {  	s9 =	simm.s32 $0x2D80  }
0x40: {  	[tilespmem:s9], [sflag:$0x1] =	stream.indirect_vreg.gather [hbm4b:s7+s1], $0x80, v3, vm1, $0xb8;
	[tilespmem:$0xC180] =	vst v63  }
0x41: {  	v3 =	vld [tilespmem:$0x20];
	_ =	sdelay $0x4  }
0x42: {  	v4 =	vshrl.u32 v3, $0x3  }
0x43: {  	v4 =	vmul.u32 $0x18, v4  }
0x44: {  	v3 =	vand.u32 $0x7, v3  }
0x45: {  	v3 =	vor.u32 v3, v4  }
0x46: {  	v4 =	vperm.xlane v3, v0;
	_ =	sdelay $0x1  }
0x47: {  	v4 =	vadd.s32 v1, v4;
	_ =	sdelay $0x1  }
0x48: {  	v3 =	vperm.xlane v3, v2;
	_ =	sdelay $0x1  }
0x49: {  	s2 =	simm.s32 $0x3180;
	v3 =	vadd.s32 v1, v3  }
0x4a: {  	[tilespmem:s2], [sflag:$0x1] =	stream.indirect_vreg.gather [hbm4b:s3+s1], $0x80, v4, vm0, $0xb8;
	[tilespmem:$0xC180] =	vst v63  }
0x4b: {  	s8 =	simm.s32 $0x3980  }
0x4c: {  	[tilespmem:s8], [sflag:$0x1] =	stream.indirect_vreg.gather [hbm4b:s7+s1], $0x80, v4, vm1, $0xb8;
	[tilespmem:$0xC180] =	vst v63  }
0x4d: {  	s9 =	simm.s32 $0x3D80  }
0x4e: {  	[tilespmem:s9], [sflag:$0x1] =	stream.indirect_vreg.gather [hbm4b:s3+s1], $0x80, v3, vm0, $0xb8;
	[tilespmem:$0xC180] =	vst v63  }
0x4f: {  	s2 =	simm.s32 $0x4580  }
0x50: {  	[tilespmem:s2], [sflag:$0x1] =	stream.indirect_vreg.gather [hbm4b:s7+s1], $0x80, v3, vm1, $0xb8;
	[tilespmem:$0xC180] =	vst v63  }
0x51: {  	v3 =	vld [tilespmem:$0x30];
	_ =	sdelay $0x4  }
0x52: {  	v4 =	vshrl.u32 v3, $0x3  }
0x53: {  	v4 =	vmul.u32 $0x18, v4  }
0x54: {  	v3 =	vand.u32 $0x7, v3  }
0x55: {  	v3 =	vor.u32 v3, v4  }
0x56: {  	v4 =	vperm.xlane v3, v0;
	_ =	sdelay $0x1  }
0x57: {  	v4 =	vadd.s32 v1, v4;
	_ =	sdelay $0x1  }
0x58: {  	v3 =	vperm.xlane v3, v2;
	_ =	sdelay $0x1  }
0x59: {  	s8 =	simm.s32 $0x4980;
	v3 =	vadd.s32 v1, v3  }
0x5a: {  	[tilespmem:s8], [sflag:$0x1] =	stream.indirect_vreg.gather [hbm4b:s3+s1], $0x80, v4, vm0, $0xb8;
	[tilespmem:$0xC180] =	vst v63  }
0x5b: {  	s9 =	simm.s32 $0x5180  }
0x5c: {  	[tilespmem:s9], [sflag:$0x1] =	stream.indirect_vreg.gather [hbm4b:s7+s1], $0x80, v4, vm1, $0xb8;
	[tilespmem:$0xC180] =	vst v63  }
0x5d: {  	s2 =	simm.s32 $0x5580  }
0x5e: {  	[tilespmem:s2], [sflag:$0x1] =	stream.indirect_vreg.gather [hbm4b:s3+s1], $0x80, v3, vm0, $0xb8;
	[tilespmem:$0xC180] =	vst v63  }
0x5f: {  	s8 =	simm.s32 $0x5D80  }
0x60: {  	[tilespmem:s8], [sflag:$0x1] =	stream.indirect_vreg.gather [hbm4b:s7+s1], $0x80, v3, vm1, $0xb8;
	[tilespmem:$0xC180] =	vst v63  }
0x61: {  	_ =	swait.ge [sflag:s14], $0x6000  }
0x62: {  	[sflag:s14] =	ssyncset.done $0x0  }
0x63: {  	[sflag:s14] =	ssyncadd.s32 $0xFFFFA000  }
0x64: {  	v3 =	vld [tilespmem:$0x80];
	_ =	sdelay $0x4  }
0x65: {  	v4 =	vshrl.u32 v3, $0x3  }
0x66: {  	v4 =	vmul.u32 $0x18, v4  }
0x67: {  	v3 =	vand.u32 $0x7, v3  }
0x68: {  	v3 =	vor.u32 v3, v4  }
0x69: {  	v4 =	vperm.xlane v3, v0;
	_ =	sdelay $0x1  }
0x6a: {  	v4 =	vadd.s32 v1, v4;
	_ =	sdelay $0x1  }
0x6b: {  	v3 =	vperm.xlane v3, v2;
	_ =	sdelay $0x1  }
0x6c: {  	v3 =	vadd.s32 v1, v3  }
0x6d: {  	[tilespmem:s15], [sflag:$0x1] =	stream.indirect_vreg.gather [hbm4b:s3+s1], $0x80, v4, vm0, $0xb8;
	[tilespmem:$0xC180] =	vst v63  }
0x6e: {  	_ = 	snop  }
0x6f: {  	[tilespmem:s16], [sflag:$0x1] =	stream.indirect_vreg.gather [hbm4b:s7+s1], $0x80, v4, vm1, $0xb8;
	[tilespmem:$0xC180] =	vst v63  }
0x70: {  	_ = 	snop  }
0x71: {  	[tilespmem:s18], [sflag:$0x1] =	stream.indirect_vreg.gather [hbm4b:s3+s1], $0x80, v3, vm0, $0xb8;
	[tilespmem:$0xC180] =	vst v63  }
0x72: {  	_ = 	snop  }
0x73: {  	[tilespmem:s19], [sflag:$0x1] =	stream.indirect_vreg.gather [hbm4b:s7+s1], $0x80, v3, vm1, $0xb8;
	[tilespmem:$0xC180] =	vst v63  }
0x74: {  	v3 =	vld [tilespmem:$0x90];
	_ =	sdelay $0x4  }
0x75: {  	v4 =	vshrl.u32 v3, $0x3  }
0x76: {  	v4 =	vmul.u32 $0x18, v4  }
0x77: {  	v3 =	vand.u32 $0x7, v3  }
0x78: {  	v3 =	vor.u32 v3, v4  }
0x79: {  	v4 =	vperm.xlane v3, v0;
	_ =	sdelay $0x1  }
0x7a: {  	v4 =	vadd.s32 v1, v4;
	_ =	sdelay $0x1  }
0x7b: {  	v3 =	vperm.xlane v3, v2;
	_ =	sdelay $0x1  }
0x7c: {  	v3 =	vadd.s32 v1, v3  }
0x7d: {  	[tilespmem:s20], [sflag:$0x1] =	stream.indirect_vreg.gather [hbm4b:s3+s1], $0x80, v4, vm0, $0xb8;
	[tilespmem:$0xC180] =	vst v63  }
0x7e: {  	_ = 	snop  }
0x7f: {  	[tilespmem:s21], [sflag:$0x1] =	stream.indirect_vreg.gather [hbm4b:s7+s1], $0x80, v4, vm1, $0xb8;
	[tilespmem:$0xC180] =	vst v63  }
0x80: {  	_ = 	snop  }
0x81: {  	[tilespmem:s22], [sflag:$0x1] =	stream.indirect_vreg.gather [hbm4b:s3+s1], $0x80, v3, vm0, $0xb8;
	[tilespmem:$0xC180] =	vst v63  }
0x82: {  	_ = 	snop  }
0x83: {  	[tilespmem:s23], [sflag:$0x1] =	stream.indirect_vreg.gather [hbm4b:s7+s1], $0x80, v3, vm1, $0xb8;
	[tilespmem:$0xC180] =	vst v63  }
0x84: {  	v3 =	vld [tilespmem:$0xA0];
	_ =	sdelay $0x4  }
0x85: {  	v4 =	vshrl.u32 v3, $0x3  }
0x86: {  	v4 =	vmul.u32 $0x18, v4  }
0x87: {  	v3 =	vand.u32 $0x7, v3  }
0x88: {  	v3 =	vor.u32 v3, v4  }
0x89: {  	v4 =	vperm.xlane v3, v0;
	_ =	sdelay $0x1  }
0x8a: {  	v4 =	vadd.s32 v1, v4;
	_ =	sdelay $0x1  }
0x8b: {  	v3 =	vperm.xlane v3, v2;
	_ =	sdelay $0x1  }
0x8c: {  	v3 =	vadd.s32 v1, v3  }
0x8d: {  	[tilespmem:s4], [sflag:$0x1] =	stream.indirect_vreg.gather [hbm4b:s3+s1], $0x80, v4, vm0, $0xb8;
	[tilespmem:$0xC180] =	vst v63  }
0x8e: {  	_ = 	snop  }
0x8f: {  	[tilespmem:s24], [sflag:$0x1] =	stream.indirect_vreg.gather [hbm4b:s7+s1], $0x80, v4, vm1, $0xb8;
	[tilespmem:$0xC180] =	vst v63  }
0x90: {  	_ = 	snop  }
0x91: {  	[tilespmem:s5], [sflag:$0x1] =	stream.indirect_vreg.gather [hbm4b:s3+s1], $0x80, v3, vm0, $0xb8;
	[tilespmem:$0xC180] =	vst v63  }
0x92: {  	_ = 	snop  }
0x93: {  	[tilespmem:s25], [sflag:$0x1] =	stream.indirect_vreg.gather [hbm4b:s7+s1], $0x80, v3, vm1, $0xb8;
	[tilespmem:$0xC180] =	vst v63  }
0x94: {  	v3 =	vld [tilespmem:$0xB0];
	_ =	sdelay $0x4  }
0x95: {  	v4 =	vshrl.u32 v3, $0x3  }
0x96: {  	v4 =	vmul.u32 $0x18, v4  }
0x97: {  	v3 =	vand.u32 $0x7, v3  }
0x98: {  	v3 =	vor.u32 v3, v4  }
0x99: {  	v4 =	vperm.xlane v3, v0;
	_ =	sdelay $0x1  }
0x9a: {  	v4 =	vadd.s32 v1, v4;
	_ =	sdelay $0x1  }
0x9b: {  	v3 =	vperm.xlane v3, v2;
	_ =	sdelay $0x1  }
0x9c: {  	v3 =	vadd.s32 v1, v3  }
0x9d: {  	[tilespmem:s26], [sflag:$0x1] =	stream.indirect_vreg.gather [hbm4b:s3+s1], $0x80, v4, vm0, $0xb8;
	[tilespmem:$0xC180] =	vst v63  }
0x9e: {  	_ = 	snop  }
0x9f: {  	[tilespmem:s28], [sflag:$0x1] =	stream.indirect_vreg.gather [hbm4b:s7+s1], $0x80, v4, vm1, $0xb8;
	[tilespmem:$0xC180] =	vst v63  }
0xa0: {  	_ = 	snop  }
0xa1: {  	[tilespmem:s6], [sflag:$0x1] =	stream.indirect_vreg.gather [hbm4b:s3+s1], $0x80, v3, vm0, $0xb8;
	[tilespmem:$0xC180] =	vst v63  }
0xa2: {  	s9 =	simm.s32 $0x0  }
0xa3: {  	[tilespmem:s29], [sflag:$0x1] =	stream.indirect_vreg.gather [hbm4b:s7+s1], $0x80, v3, vm1, $0xb8;
	[tilespmem:$0xC180] =	vst v63  }
0xa4: {  	s0 =	smul.u32 $0xC00, s9;
	_ =	swait.ge [sflag:s14], $0x6000  }
0xa5: {  	s8 =	sand.u32 $0x380, s1;
	[sflag:s14] =	ssyncset.done $0x0  }
0xa6: {  	s31 =	sor.u32 s8, s0;
	[sflag:s14] =	ssyncadd.s32 $0xFFFFA000  }
0xa7: {  	v3 =	vld [tilespmem:s31+$0x6180]  }
0xa8: {  	v12 =	vld [tilespmem:s31+$0x6190]  }
0xa9: {  	v13 =	vld [tilespmem:s31+$0x61A0]  }
0xaa: {  	v14 =	vld [tilespmem:s31+$0x61B0]  }
0xab: {  	v15 =	vld [tilespmem:s31+$0x61C0]  }
0xac: {  	v16 =	vld [tilespmem:s31+$0x61D0]  }
0xad: {  	v17 =	vld [tilespmem:s31+$0x61E0]  }
0xae: {  	v18 =	vld [tilespmem:s31+$0x61F0]  }
0xaf: {  	v19 =	vld [tilespmem:s31+$0x6580]  }
0xb0: {  	v20 =	vld [tilespmem:s31+$0x6590]  }
0xb1: {  	v21 =	vld [tilespmem:s31+$0x65A0]  }
0xb2: {  	v22 =	vld [tilespmem:s31+$0x65B0]  }
0xb3: {  	v23 =	vld [tilespmem:s31+$0x65C0]  }
0xb4: {  	v24 =	vld [tilespmem:s31+$0x65D0]  }
0xb5: {  	v25 =	vld [tilespmem:s31+$0x65E0]  }
0xb6: {  	v11 =	vld [tilespmem:s31+$0x65F0]  }
0xb7: {  	v10 =	vld [tilespmem:s31+$0x6980]  }
0xb8: {  	v9 =	vld [tilespmem:s31+$0x6990]  }
0xb9: {  	v8 =	vld [tilespmem:s31+$0x69A0]  }
0xba: {  	v7 =	vld [tilespmem:s31+$0x69B0]  }
0xbb: {  	v6 =	vld [tilespmem:s31+$0x69C0]  }
0xbc: {  	v26 =	vld [tilespmem:s31+$0x180]  }
0xbd: {  	v27 =	vld [tilespmem:s31+$0x190]  }
0xbe: {  	v5 =	vld [tilespmem:s31+$0x69D0]  }
0xbf: {  	v28 =	vld [tilespmem:s31+$0x1A0]  }
0xc0: {  	v4 =	vld [tilespmem:s31+$0x69E0]  }
0xc1: {  	v29 =	vld [tilespmem:s31+$0x1B0]  }
0xc2: {  	v59 =	vld [tilespmem:s31+$0x1C0]  }
0xc3: {  	v60 =	vld [tilespmem:s31+$0x1D0]  }
0xc4: {  	v61 =	vld [tilespmem:s31+$0x1E0];
	v26 =	vadd.f32 v3, v26  }
0xc5: {  	v62 =	vld [tilespmem:s31+$0x1F0];
	v12 =	vadd.f32 v12, v27  }
0xc6: {  	v63 =	vld [tilespmem:s31+$0x5C0];
	v13 =	vadd.f32 v13, v28;
	[tilespmem:s31+$0x180] =	vst v26  }
0xc7: {  	v3 =	vld [tilespmem:s31+$0x69F0];
	v14 =	vadd.f32 v14, v29;
	[tilespmem:s31+$0x190] =	vst v12  }
0xc8: {  	v15 =	vadd.f32 v15, v59;
	v12 =	vld [tilespmem:s31+$0x580];
	[tilespmem:s31+$0x1A0] =	vst v13  }
0xc9: {  	v16 =	vadd.f32 v16, v60;
	v13 =	vld [tilespmem:s31+$0x590];
	[tilespmem:s31+$0x1B0] =	vst v14  }
0xca: {  	v17 =	vadd.f32 v17, v61;
	v14 =	vld [tilespmem:s31+$0x5A0];
	[tilespmem:s31+$0x1C0] =	vst v15  }
0xcb: {  	v15 =	vld [tilespmem:s31+$0x5B0];
	[tilespmem:s31+$0x1D0] =	vst v16;
	v16 =	vadd.f32 v18, v62  }
0xcc: {  	[tilespmem:s31+$0x1E0] =	vst v17;
	v17 =	vld [tilespmem:s31+$0x5D0];
	v18 =	vadd.f32 v23, v63  }
0xcd: {  	[tilespmem:s31+$0x1F0] =	vst v16;
	v12 =	vadd.f32 v19, v12;
	v19 =	vld [tilespmem:s31+$0x5E0]  }
0xce: {  	v16 =	vld [tilespmem:s31+$0x5F0];
	[tilespmem:s31+$0x5C0] =	vst v18;
	v13 =	vadd.f32 v20, v13  }
0xcf: {  	v14 =	vadd.f32 v21, v14;
	[tilespmem:s31+$0x580] =	vst v12;
	v12 =	vld [tilespmem:s31+$0x980]  }
0xd0: {  	v15 =	vadd.f32 v22, v15;
	[tilespmem:s31+$0x590] =	vst v13;
	v13 =	vld [tilespmem:s31+$0x990]  }
0xd1: {  	v18 =	vadd.f32 v24, v17;
	[tilespmem:s31+$0x5A0] =	vst v14;
	v14 =	vld [tilespmem:s31+$0x9A0]  }
0xd2: {  	s8 =	simm.s32 $0x1;
	s0 =	simm.s32 $0x0;
	[tilespmem:s31+$0x5B0] =	vst v15;
	v15 =	vld [tilespmem:s31+$0x9B0];
	v17 =	vadd.f32 v25, v19  }
.LBB2_2:
0xd3: {  	s9 =	sshrl.u32 s8, $0x3;
	p0 =	sne.s32 s8, $0x3F;
	[tilespmem:s31+$0x5D0] =	vst v18;
	v11 =	vadd.f32 v11, v16;
	v16 =	vld [tilespmem:s31+$0x9C0]  }
0xd4: {  	s0 =	sadd.s32 $0x80, s0;
	s9 =	smul.u32 $0xC00, s9;
	[tilespmem:s31+$0x5E0] =	vst v17;
	v10 =	vadd.f32 v10, v12;
	v12 =	vld [tilespmem:s31+$0x9D0]  }
0xd5: {  	s2 =	sand.u32 $0x380, s0;
	[tilespmem:s31+$0x5F0] =	vst v11;
	v9 =	vadd.f32 v9, v13;
	v11 =	vld [tilespmem:s31+$0x9E0]  }
0xd6: {  	s2 =	sor.u32 s2, s9;
	[tilespmem:s31+$0x980] =	vst v10;
	v8 =	vadd.f32 v8, v14;
	v10 =	vld [tilespmem:s31+$0x9F0]  }
0xd7: {  	v13 =	vld [tilespmem:s2+$0x6180];
	[tilespmem:s31+$0x990] =	vst v9;
	v7 =	vadd.f32 v7, v15  }
0xd8: {  	v14 =	vld [tilespmem:s2+$0x6190];
	[tilespmem:s31+$0x9A0] =	vst v8;
	v6 =	vadd.f32 v6, v16  }
0xd9: {  	v15 =	vld [tilespmem:s2+$0x61A0];
	[tilespmem:s31+$0x9B0] =	vst v7;
	v5 =	vadd.f32 v5, v12  }
0xda: {  	v12 =	vld [tilespmem:s2+$0x61B0];
	[tilespmem:s31+$0x9C0] =	vst v6;
	v4 =	vadd.f32 v4, v11  }
0xdb: {  	v16 =	vld [tilespmem:s2+$0x61C0];
	[tilespmem:s31+$0x9D0] =	vst v5;
	v3 =	vadd.f32 v3, v10  }
0xdc: {  	v17 =	vld [tilespmem:s2+$0x61D0];
	[tilespmem:s31+$0x9E0] =	vst v4  }
0xdd: {  	v18 =	vld [tilespmem:s2+$0x61E0];
	[tilespmem:s31+$0x9F0] =	vst v3;
	s31 =	smov.u32 s2  }
0xde: {  	v19 =	vld [tilespmem:s31+$0x61F0]  }
0xdf: {  	v20 =	vld [tilespmem:s31+$0x6580]  }
0xe0: {  	v21 =	vld [tilespmem:s31+$0x6590]  }
0xe1: {  	v22 =	vld [tilespmem:s31+$0x65A0]  }
0xe2: {  	v23 =	vld [tilespmem:s31+$0x65B0]  }
0xe3: {  	v24 =	vld [tilespmem:s31+$0x65C0]  }
0xe4: {  	v25 =	vld [tilespmem:s31+$0x65D0]  }
0xe5: {  	v26 =	vld [tilespmem:s31+$0x65E0]  }
0xe6: {  	v11 =	vld [tilespmem:s31+$0x65F0]  }
0xe7: {  	v10 =	vld [tilespmem:s31+$0x6980]  }
0xe8: {  	v9 =	vld [tilespmem:s31+$0x6990]  }
0xe9: {  	v8 =	vld [tilespmem:s31+$0x69A0]  }
0xea: {  	v7 =	vld [tilespmem:s31+$0x69B0]  }
0xeb: {  	v6 =	vld [tilespmem:s31+$0x69C0]  }
0xec: {  	v5 =	vld [tilespmem:s31+$0x69D0]  }
0xed: {  	v4 =	vld [tilespmem:s31+$0x69E0]  }
0xee: {  	v3 =	vld [tilespmem:s31+$0x69F0]  }
0xef: {  	v27 =	vld [tilespmem:s31+$0x180]  }
0xf0: {  	v28 =	vld [tilespmem:s31+$0x190]  }
0xf1: {  	v29 =	vld [tilespmem:s31+$0x1A0]  }
0xf2: {  	v30 =	vld [tilespmem:s31+$0x1B0]  }
0xf3: {  	v31 =	vld [tilespmem:s31+$0x1C0]  }
0xf4: {  	v13 =	vadd.f32 v13, v27;
	v27 =	vld [tilespmem:s31+$0x1D0]  }
0xf5: {  	v14 =	vadd.f32 v14, v28;
	v28 =	vld [tilespmem:s31+$0x1E0]  }
0xf6: {  	[tilespmem:s31+$0x180] =	vst v13;
	v13 =	vadd.f32 v15, v29;
	v15 =	vld [tilespmem:s31+$0x1F0]  }
0xf7: {  	[tilespmem:s31+$0x190] =	vst v14;
	v12 =	vadd.f32 v12, v30;
	v14 =	vld [tilespmem:s31+$0x580]  }
0xf8: {  	[tilespmem:s31+$0x1A0] =	vst v13;
	v13 =	vadd.f32 v16, v31;
	v16 =	vld [tilespmem:s31+$0x590]  }
0xf9: {  	[tilespmem:s31+$0x1B0] =	vst v12;
	v12 =	vadd.f32 v17, v27;
	v17 =	vld [tilespmem:s31+$0x5A0]  }
0xfa: {  	[tilespmem:s31+$0x1C0] =	vst v13;
	v13 =	vadd.f32 v18, v28;
	v18 =	vld [tilespmem:s31+$0x5B0]  }
0xfb: {  	[tilespmem:s31+$0x1D0] =	vst v12;
	v12 =	vadd.f32 v19, v15;
	v15 =	vld [tilespmem:s31+$0x5C0]  }
0xfc: {  	[tilespmem:s31+$0x1E0] =	vst v13;
	v13 =	vadd.f32 v20, v14;
	v14 =	vld [tilespmem:s31+$0x5D0]  }
0xfd: {  	[tilespmem:s31+$0x1F0] =	vst v12;
	v12 =	vadd.f32 v21, v16;
	v19 =	vld [tilespmem:s31+$0x5E0]  }
.Ltmp0:
0xfe: {  	[tilespmem:s31+$0x580] =	vst v13;
	v13 =	vadd.f32 v22, v17;
	v16 =	vld [tilespmem:s31+$0x5F0];
	(pc) =	sbr.rel @p0 .LBB2_2-.Ltmp0, $4  }
0xff: {  	[tilespmem:s31+$0x590] =	vst v12;
	v17 =	vadd.f32 v23, v18;
	v12 =	vld [tilespmem:s31+$0x980]  }
0x100: {  	[tilespmem:s31+$0x5A0] =	vst v13;
	v15 =	vadd.f32 v24, v15;
	v13 =	vld [tilespmem:s31+$0x990]  }
0x101: {  	[tilespmem:s31+$0x5B0] =	vst v17;
	v18 =	vadd.f32 v25, v14;
	v14 =	vld [tilespmem:s31+$0x9A0]  }
0x102: {  	s8 =	sadd.s32 $0x1, s8;
	[tilespmem:s31+$0x5C0] =	vst v15;
	v17 =	vadd.f32 v26, v19;
	v15 =	vld [tilespmem:s31+$0x9B0]  }
0x103: {  	[tilespmem:s31+$0x5D0] =	vst v18;
	v18 =	vld [tilespmem:s31+$0x9C0];
	v11 =	vadd.f32 v11, v16  }
0x104: {  	v16 =	vld [tilespmem:s31+$0x9D0];
	[tilespmem:s31+$0x5E0] =	vst v17;
	v10 =	vadd.f32 v10, v12  }
0x105: {  	[tilespmem:s31+$0x5F0] =	vst v11;
	v9 =	vadd.f32 v9, v13;
	v11 =	vld [tilespmem:s31+$0x9E0]  }
0x106: {  	[tilespmem:s31+$0x980] =	vst v10;
	v8 =	vadd.f32 v8, v14;
	v10 =	vld [tilespmem:s31+$0x9F0]  }
0x107: {  	[tilespmem:s31+$0x990] =	vst v9;
	v7 =	vadd.f32 v7, v15  }
0x108: {  	[tilespmem:s31+$0x9A0] =	vst v8;
	v6 =	vadd.f32 v6, v18  }
0x109: {  	v5 =	vadd.f32 v5, v16;
	[tilespmem:s31+$0x9B0] =	vst v7  }
0x10a: {  	[tilespmem:s31+$0x9C0] =	vst v6;
	v4 =	vadd.f32 v4, v11  }
0x10b: {  	[tilespmem:s31+$0x9D0] =	vst v5;
	v3 =	vadd.f32 v3, v10  }
0x10c: {  	[tilespmem:s31+$0x9E0] =	vst v4  }
0x10d: {  	[tilespmem:s31+$0x9F0] =	vst v3  }
0x10e: {  	v3 =	vld [tilespmem:$0x100];
	_ =	sdelay $0x4  }
0x10f: {  	v4 =	vshrl.u32 v3, $0x3  }
0x110: {  	v4 =	vmul.u32 $0x18, v4  }
0x111: {  	v3 =	vand.u32 $0x7, v3  }
0x112: {  	v3 =	vor.u32 v3, v4  }
0x113: {  	v4 =	vperm.xlane v3, v0;
	_ =	sdelay $0x1  }
0x114: {  	v4 =	vadd.s32 v1, v4;
	_ =	sdelay $0x1  }
0x115: {  	v3 =	vperm.xlane v3, v2;
	_ =	sdelay $0x1  }
0x116: {  	s31 =	simm.s32 $0x0;
	v3 =	vadd.s32 v1, v3  }
0x117: {  	[tilespmem:s15], [sflag:$0x1] =	stream.indirect_vreg.gather [hbm4b:s3+s31], $0x80, v4, vm0, $0xb8;
	[tilespmem:$0xC180] =	vst v63  }
0x118: {  	_ = 	snop  }
0x119: {  	[tilespmem:s16], [sflag:$0x1] =	stream.indirect_vreg.gather [hbm4b:s7+s31], $0x80, v4, vm1, $0xb8;
	[tilespmem:$0xC180] =	vst v63  }
0x11a: {  	_ = 	snop  }
0x11b: {  	[tilespmem:s18], [sflag:$0x1] =	stream.indirect_vreg.gather [hbm4b:s3+s31], $0x80, v3, vm0, $0xb8;
	[tilespmem:$0xC180] =	vst v63  }
0x11c: {  	_ = 	snop  }
0x11d: {  	[tilespmem:s19], [sflag:$0x1] =	stream.indirect_vreg.gather [hbm4b:s7+s31], $0x80, v3, vm1, $0xb8;
	[tilespmem:$0xC180] =	vst v63  }
0x11e: {  	v3 =	vld [tilespmem:$0x110];
	_ =	sdelay $0x4  }
0x11f: {  	v4 =	vshrl.u32 v3, $0x3  }
0x120: {  	v4 =	vmul.u32 $0x18, v4  }
0x121: {  	v3 =	vand.u32 $0x7, v3  }
0x122: {  	v3 =	vor.u32 v3, v4  }
0x123: {  	v4 =	vperm.xlane v3, v0;
	_ =	sdelay $0x1  }
0x124: {  	v4 =	vadd.s32 v1, v4;
	_ =	sdelay $0x1  }
0x125: {  	v3 =	vperm.xlane v3, v2;
	_ =	sdelay $0x1  }
0x126: {  	v3 =	vadd.s32 v1, v3  }
0x127: {  	[tilespmem:s20], [sflag:$0x1] =	stream.indirect_vreg.gather [hbm4b:s3+s31], $0x80, v4, vm0, $0xb8;
	[tilespmem:$0xC180] =	vst v63  }
0x128: {  	_ = 	snop  }
0x129: {  	[tilespmem:s21], [sflag:$0x1] =	stream.indirect_vreg.gather [hbm4b:s7+s31], $0x80, v4, vm1, $0xb8;
	[tilespmem:$0xC180] =	vst v63  }
0x12a: {  	_ = 	snop  }
0x12b: {  	[tilespmem:s22], [sflag:$0x1] =	stream.indirect_vreg.gather [hbm4b:s3+s31], $0x80, v3, vm0, $0xb8;
	[tilespmem:$0xC180] =	vst v63  }
0x12c: {  	_ = 	snop  }
0x12d: {  	[tilespmem:s23], [sflag:$0x1] =	stream.indirect_vreg.gather [hbm4b:s7+s31], $0x80, v3, vm1, $0xb8;
	[tilespmem:$0xC180] =	vst v63  }
0x12e: {  	v3 =	vld [tilespmem:$0x120];
	_ =	sdelay $0x4  }
0x12f: {  	v4 =	vshrl.u32 v3, $0x3  }
0x130: {  	v4 =	vmul.u32 $0x18, v4  }
0x131: {  	v3 =	vand.u32 $0x7, v3  }
0x132: {  	v3 =	vor.u32 v3, v4  }
0x133: {  	v4 =	vperm.xlane v3, v0;
	_ =	sdelay $0x1  }
0x134: {  	v4 =	vadd.s32 v1, v4;
	_ =	sdelay $0x1  }
0x135: {  	v3 =	vperm.xlane v3, v2;
	_ =	sdelay $0x1  }
0x136: {  	v3 =	vadd.s32 v1, v3  }
0x137: {  	[tilespmem:s4], [sflag:$0x1] =	stream.indirect_vreg.gather [hbm4b:s3+s31], $0x80, v4, vm0, $0xb8;
	[tilespmem:$0xC180] =	vst v63  }
0x138: {  	_ = 	snop  }
0x139: {  	[tilespmem:s24], [sflag:$0x1] =	stream.indirect_vreg.gather [hbm4b:s7+s31], $0x80, v4, vm1, $0xb8;
	[tilespmem:$0xC180] =	vst v63  }
0x13a: {  	_ = 	snop  }
0x13b: {  	[tilespmem:s5], [sflag:$0x1] =	stream.indirect_vreg.gather [hbm4b:s3+s31], $0x80, v3, vm0, $0xb8;
	[tilespmem:$0xC180] =	vst v63  }
0x13c: {  	_ = 	snop  }
0x13d: {  	[tilespmem:s25], [sflag:$0x1] =	stream.indirect_vreg.gather [hbm4b:s7+s31], $0x80, v3, vm1, $0xb8;
	[tilespmem:$0xC180] =	vst v63  }
0x13e: {  	v3 =	vld [tilespmem:$0x130];
	_ =	sdelay $0x4  }
0x13f: {  	v4 =	vshrl.u32 v3, $0x3  }
0x140: {  	v4 =	vmul.u32 $0x18, v4  }
0x141: {  	v3 =	vand.u32 $0x7, v3  }
0x142: {  	v3 =	vor.u32 v3, v4  }
0x143: {  	v4 =	vperm.xlane v3, v0;
	_ =	sdelay $0x1  }
0x144: {  	v4 =	vadd.s32 v1, v4;
	_ =	sdelay $0x1  }
0x145: {  	v3 =	vperm.xlane v3, v2;
	_ =	sdelay $0x1  }
0x146: {  	v3 =	vadd.s32 v1, v3  }
0x147: {  	[tilespmem:s26], [sflag:$0x1] =	stream.indirect_vreg.gather [hbm4b:s3+s31], $0x80, v4, vm0, $0xb8;
	[tilespmem:$0xC180] =	vst v63  }
0x148: {  	_ = 	snop  }
0x149: {  	[tilespmem:s28], [sflag:$0x1] =	stream.indirect_vreg.gather [hbm4b:s7+s31], $0x80, v4, vm1, $0xb8;
	[tilespmem:$0xC180] =	vst v63  }
0x14a: {  	_ = 	snop  }
0x14b: {  	[tilespmem:s6], [sflag:$0x1] =	stream.indirect_vreg.gather [hbm4b:s3+s31], $0x80, v3, vm0, $0xb8;
	[tilespmem:$0xC180] =	vst v63  }
0x14c: {  	s0 =	simm.s32 $0x0  }
0x14d: {  	[tilespmem:s29], [sflag:$0x1] =	stream.indirect_vreg.gather [hbm4b:s7+s31], $0x80, v3, vm1, $0xb8;
	[tilespmem:$0xC180] =	vst v63  }
0x14e: {  	s0 =	smul.u32 $0xC00, s0;
	_ =	swait.ge [sflag:s14], $0x6000  }
0x14f: {  	s2 =	sand.u32 $0x380, s31;
	[sflag:s14] =	ssyncset.done $0x0  }
0x150: {  	s8 =	sor.u32 s2, s0;
	[sflag:s14] =	ssyncadd.s32 $0xFFFFA000  }
0x151: {  	v3 =	vld [tilespmem:s8+$0x6180]  }
0x152: {  	v12 =	vld [tilespmem:s8+$0x6190]  }
0x153: {  	v13 =	vld [tilespmem:s8+$0x61A0]  }
0x154: {  	v14 =	vld [tilespmem:s8+$0x61B0]  }
0x155: {  	v15 =	vld [tilespmem:s8+$0x61C0]  }
0x156: {  	v16 =	vld [tilespmem:s8+$0x61D0]  }
0x157: {  	v17 =	vld [tilespmem:s8+$0x61E0]  }
0x158: {  	v18 =	vld [tilespmem:s8+$0x61F0]  }
0x159: {  	v19 =	vld [tilespmem:s8+$0x6580]  }
0x15a: {  	v20 =	vld [tilespmem:s8+$0x6590]  }
0x15b: {  	v21 =	vld [tilespmem:s8+$0x65A0]  }
0x15c: {  	v22 =	vld [tilespmem:s8+$0x65B0]  }
0x15d: {  	v23 =	vld [tilespmem:s8+$0x65C0]  }
0x15e: {  	v24 =	vld [tilespmem:s8+$0x65D0]  }
0x15f: {  	v25 =	vld [tilespmem:s8+$0x65E0]  }
0x160: {  	v11 =	vld [tilespmem:s8+$0x65F0]  }
0x161: {  	v10 =	vld [tilespmem:s8+$0x6980]  }
0x162: {  	v9 =	vld [tilespmem:s8+$0x6990]  }
0x163: {  	v8 =	vld [tilespmem:s8+$0x69A0]  }
0x164: {  	v7 =	vld [tilespmem:s8+$0x69B0]  }
0x165: {  	v6 =	vld [tilespmem:s8+$0x69C0]  }
0x166: {  	v26 =	vld [tilespmem:s8+$0x180]  }
0x167: {  	v27 =	vld [tilespmem:s8+$0x190]  }
0x168: {  	v5 =	vld [tilespmem:s8+$0x69D0]  }
0x169: {  	v28 =	vld [tilespmem:s8+$0x1A0]  }
0x16a: {  	v4 =	vld [tilespmem:s8+$0x69E0]  }
0x16b: {  	v29 =	vld [tilespmem:s8+$0x1B0]  }
0x16c: {  	v59 =	vld [tilespmem:s8+$0x1C0]  }
0x16d: {  	v60 =	vld [tilespmem:s8+$0x1D0]  }
0x16e: {  	v61 =	vld [tilespmem:s8+$0x1E0];
	v26 =	vadd.f32 v3, v26  }
0x16f: {  	v62 =	vld [tilespmem:s8+$0x1F0];
	v12 =	vadd.f32 v12, v27  }
0x170: {  	v63 =	vld [tilespmem:s8+$0x5C0];
	v13 =	vadd.f32 v13, v28;
	[tilespmem:s8+$0x180] =	vst v26  }
0x171: {  	v3 =	vld [tilespmem:s8+$0x69F0];
	v14 =	vadd.f32 v14, v29;
	[tilespmem:s8+$0x190] =	vst v12  }
0x172: {  	v15 =	vadd.f32 v15, v59;
	v12 =	vld [tilespmem:s8+$0x580];
	[tilespmem:s8+$0x1A0] =	vst v13  }
0x173: {  	v16 =	vadd.f32 v16, v60;
	v13 =	vld [tilespmem:s8+$0x590];
	[tilespmem:s8+$0x1B0] =	vst v14  }
0x174: {  	v17 =	vadd.f32 v17, v61;
	v14 =	vld [tilespmem:s8+$0x5A0];
	[tilespmem:s8+$0x1C0] =	vst v15  }
0x175: {  	v15 =	vld [tilespmem:s8+$0x5B0];
	[tilespmem:s8+$0x1D0] =	vst v16;
	v16 =	vadd.f32 v18, v62  }
0x176: {  	[tilespmem:s8+$0x1E0] =	vst v17;
	v17 =	vld [tilespmem:s8+$0x5D0];
	v18 =	vadd.f32 v23, v63  }
0x177: {  	[tilespmem:s8+$0x1F0] =	vst v16;
	v12 =	vadd.f32 v19, v12;
	v19 =	vld [tilespmem:s8+$0x5E0]  }
0x178: {  	v16 =	vld [tilespmem:s8+$0x5F0];
	[tilespmem:s8+$0x5C0] =	vst v18;
	v13 =	vadd.f32 v20, v13  }
0x179: {  	v14 =	vadd.f32 v21, v14;
	[tilespmem:s8+$0x580] =	vst v12;
	v12 =	vld [tilespmem:s8+$0x980]  }
0x17a: {  	v15 =	vadd.f32 v22, v15;
	[tilespmem:s8+$0x590] =	vst v13;
	v13 =	vld [tilespmem:s8+$0x990]  }
0x17b: {  	v18 =	vadd.f32 v24, v17;
	[tilespmem:s8+$0x5A0] =	vst v14;
	v14 =	vld [tilespmem:s8+$0x9A0]  }
0x17c: {  	s0 =	simm.s32 $0x1;
	[tilespmem:s8+$0x5B0] =	vst v15;
	v15 =	vld [tilespmem:s8+$0x9B0];
	v17 =	vadd.f32 v25, v19  }
.LBB2_4:
0x17d: {  	s2 =	sshrl.u32 s0, $0x3;
	p0 =	sne.s32 s0, $0x3F;
	[tilespmem:s8+$0x5D0] =	vst v18;
	v11 =	vadd.f32 v11, v16;
	v16 =	vld [tilespmem:s8+$0x9C0]  }
0x17e: {  	s31 =	sadd.s32 $0x80, s31;
	s2 =	smul.u32 $0xC00, s2;
	[tilespmem:s8+$0x5E0] =	vst v17;
	v10 =	vadd.f32 v10, v12;
	v12 =	vld [tilespmem:s8+$0x9D0]  }
0x17f: {  	s9 =	sand.u32 $0x380, s31;
	[tilespmem:s8+$0x5F0] =	vst v11;
	v9 =	vadd.f32 v9, v13;
	v11 =	vld [tilespmem:s8+$0x9E0]  }
0x180: {  	s2 =	sor.u32 s9, s2;
	[tilespmem:s8+$0x980] =	vst v10;
	v8 =	vadd.f32 v8, v14;
	v10 =	vld [tilespmem:s8+$0x9F0]  }
0x181: {  	v13 =	vld [tilespmem:s2+$0x6180];
	[tilespmem:s8+$0x990] =	vst v9;
	v7 =	vadd.f32 v7, v15  }
0x182: {  	v14 =	vld [tilespmem:s2+$0x6190];
	[tilespmem:s8+$0x9A0] =	vst v8;
	v6 =	vadd.f32 v6, v16  }
0x183: {  	v15 =	vld [tilespmem:s2+$0x61A0];
	[tilespmem:s8+$0x9B0] =	vst v7;
	v5 =	vadd.f32 v5, v12  }
0x184: {  	v12 =	vld [tilespmem:s2+$0x61B0];
	[tilespmem:s8+$0x9C0] =	vst v6;
	v4 =	vadd.f32 v4, v11  }
0x185: {  	v16 =	vld [tilespmem:s2+$0x61C0];
	[tilespmem:s8+$0x9D0] =	vst v5;
	v3 =	vadd.f32 v3, v10  }
0x186: {  	v17 =	vld [tilespmem:s2+$0x61D0];
	[tilespmem:s8+$0x9E0] =	vst v4  }
0x187: {  	v18 =	vld [tilespmem:s2+$0x61E0];
	[tilespmem:s8+$0x9F0] =	vst v3;
	s8 =	smov.u32 s2  }
0x188: {  	v19 =	vld [tilespmem:s8+$0x61F0]  }
0x189: {  	v20 =	vld [tilespmem:s8+$0x6580]  }
0x18a: {  	v21 =	vld [tilespmem:s8+$0x6590]  }
0x18b: {  	v22 =	vld [tilespmem:s8+$0x65A0]  }
0x18c: {  	v23 =	vld [tilespmem:s8+$0x65B0]  }
0x18d: {  	v24 =	vld [tilespmem:s8+$0x65C0]  }
0x18e: {  	v25 =	vld [tilespmem:s8+$0x65D0]  }
0x18f: {  	v26 =	vld [tilespmem:s8+$0x65E0]  }
0x190: {  	v11 =	vld [tilespmem:s8+$0x65F0]  }
0x191: {  	v10 =	vld [tilespmem:s8+$0x6980]  }
0x192: {  	v9 =	vld [tilespmem:s8+$0x6990]  }
0x193: {  	v8 =	vld [tilespmem:s8+$0x69A0]  }
0x194: {  	v7 =	vld [tilespmem:s8+$0x69B0]  }
0x195: {  	v6 =	vld [tilespmem:s8+$0x69C0]  }
0x196: {  	v5 =	vld [tilespmem:s8+$0x69D0]  }
0x197: {  	v4 =	vld [tilespmem:s8+$0x69E0]  }
0x198: {  	v3 =	vld [tilespmem:s8+$0x69F0]  }
0x199: {  	v27 =	vld [tilespmem:s8+$0x180]  }
0x19a: {  	v28 =	vld [tilespmem:s8+$0x190]  }
0x19b: {  	v29 =	vld [tilespmem:s8+$0x1A0]  }
0x19c: {  	v30 =	vld [tilespmem:s8+$0x1B0]  }
0x19d: {  	v31 =	vld [tilespmem:s8+$0x1C0]  }
0x19e: {  	v13 =	vadd.f32 v13, v27;
	v27 =	vld [tilespmem:s8+$0x1D0]  }
0x19f: {  	v14 =	vadd.f32 v14, v28;
	v28 =	vld [tilespmem:s8+$0x1E0]  }
0x1a0: {  	[tilespmem:s8+$0x180] =	vst v13;
	v13 =	vadd.f32 v15, v29;
	v15 =	vld [tilespmem:s8+$0x1F0]  }
0x1a1: {  	[tilespmem:s8+$0x190] =	vst v14;
	v12 =	vadd.f32 v12, v30;
	v14 =	vld [tilespmem:s8+$0x580]  }
0x1a2: {  	[tilespmem:s8+$0x1A0] =	vst v13;
	v13 =	vadd.f32 v16, v31;
	v16 =	vld [tilespmem:s8+$0x590]  }
0x1a3: {  	[tilespmem:s8+$0x1B0] =	vst v12;
	v12 =	vadd.f32 v17, v27;
	v17 =	vld [tilespmem:s8+$0x5A0]  }
0x1a4: {  	[tilespmem:s8+$0x1C0] =	vst v13;
	v13 =	vadd.f32 v18, v28;
	v18 =	vld [tilespmem:s8+$0x5B0]  }
0x1a5: {  	[tilespmem:s8+$0x1D0] =	vst v12;
	v12 =	vadd.f32 v19, v15;
	v15 =	vld [tilespmem:s8+$0x5C0]  }
0x1a6: {  	[tilespmem:s8+$0x1E0] =	vst v13;
	v13 =	vadd.f32 v20, v14;
	v14 =	vld [tilespmem:s8+$0x5D0]  }
0x1a7: {  	[tilespmem:s8+$0x1F0] =	vst v12;
	v12 =	vadd.f32 v21, v16;
	v19 =	vld [tilespmem:s8+$0x5E0]  }
.Ltmp1:
0x1a8: {  	[tilespmem:s8+$0x580] =	vst v13;
	v13 =	vadd.f32 v22, v17;
	v16 =	vld [tilespmem:s8+$0x5F0];
	(pc) =	sbr.rel @p0 .LBB2_4-.Ltmp1, $4  }
0x1a9: {  	[tilespmem:s8+$0x590] =	vst v12;
	v17 =	vadd.f32 v23, v18;
	v12 =	vld [tilespmem:s8+$0x980]  }
0x1aa: {  	[tilespmem:s8+$0x5A0] =	vst v13;
	v15 =	vadd.f32 v24, v15;
	v13 =	vld [tilespmem:s8+$0x990]  }
0x1ab: {  	[tilespmem:s8+$0x5B0] =	vst v17;
	v18 =	vadd.f32 v25, v14;
	v14 =	vld [tilespmem:s8+$0x9A0]  }
0x1ac: {  	s0 =	sadd.s32 $0x1, s0;
	[tilespmem:s8+$0x5C0] =	vst v15;
	v17 =	vadd.f32 v26, v19;
	v15 =	vld [tilespmem:s8+$0x9B0]  }
0x1ad: {  	[tilespmem:s8+$0x5D0] =	vst v18;
	v18 =	vld [tilespmem:s8+$0x9C0];
	v11 =	vadd.f32 v11, v16  }
0x1ae: {  	v16 =	vld [tilespmem:s8+$0x9D0];
	[tilespmem:s8+$0x5E0] =	vst v17;
	v10 =	vadd.f32 v10, v12  }
0x1af: {  	[tilespmem:s8+$0x5F0] =	vst v11;
	v9 =	vadd.f32 v9, v13;
	v11 =	vld [tilespmem:s8+$0x9E0]  }
0x1b0: {  	[tilespmem:s8+$0x980] =	vst v10;
	v8 =	vadd.f32 v8, v14;
	v10 =	vld [tilespmem:s8+$0x9F0]  }
0x1b1: {  	[tilespmem:s8+$0x990] =	vst v9;
	v7 =	vadd.f32 v7, v15  }
0x1b2: {  	[tilespmem:s8+$0x9A0] =	vst v8;
	v6 =	vadd.f32 v6, v18  }
0x1b3: {  	v5 =	vadd.f32 v5, v16;
	[tilespmem:s8+$0x9B0] =	vst v7  }
0x1b4: {  	[tilespmem:s8+$0x9C0] =	vst v6;
	v4 =	vadd.f32 v4, v11  }
0x1b5: {  	[tilespmem:s8+$0x9D0] =	vst v5;
	v3 =	vadd.f32 v3, v10  }
0x1b6: {  	[tilespmem:s8+$0x9E0] =	vst v4  }
0x1b7: {  	s31 =	simm.s32 $0x0;
	s0 =	rddreg [dreg:$0x6];
	[tilespmem:s8+$0x9F0] =	vst v3  }
0x1b8: {  	[hbm4b:s0+s31] =	stream.linear.scatter [tilespmem:s17], [sflag:$0x1], $0x6000, $0x38;
	[tilespmem:$0xC180] =	vst v63  }
0x1b9: {  	_ =	swait.ge [sflag:s14], $0x6000  }
0x1ba: {  	[sflag:s14] =	ssyncset.done $0x0  }
0x1bb: {  	s9 =	rddreg [dreg:$0x7];
	[sflag:s14] =	ssyncadd.s32 $0xFFFFA000  }
0x1bc: {  	[tilespmem:s31], [sflag:$0x1] =	stream.linear.gather [hbm4b:s9+s31], $0x40, $0x38;
	[tilespmem:$0xC180] =	vst v63  }
0x1bd: {  	_ =	swait.ge [sflag:s14], $0x40  }
0x1be: {  	[sflag:s14] =	ssyncset.done $0x0  }
0x1bf: {  	s2 =	simm.s32 $0x80;
	[sflag:s14] =	ssyncadd.s32 $0xFFFFFFC0  }
0x1c0: {  	[tilespmem:s2], [sflag:$0x1] =	stream.linear.gather [hbm4b:s10+s31], $0x40, $0x38;
	[tilespmem:$0xC180] =	vst v63  }
0x1c1: {  	_ =	swait.ge [sflag:s14], $0x40  }
0x1c2: {  	[sflag:s14] =	ssyncset.done $0x0  }
0x1c3: {  	s8 =	simm.s32 $0x100;
	[sflag:s14] =	ssyncadd.s32 $0xFFFFFFC0  }
0x1c4: {  	[tilespmem:s8], [sflag:$0x1] =	stream.linear.gather [hbm4b:s11+s31], $0x40, $0x38;
	[tilespmem:$0xC180] =	vst v63  }
0x1c5: {  	_ =	swait.ge [sflag:s14], $0x40  }
0x1c6: {  	[sflag:s14] =	ssyncset.done $0x0  }
0x1c7: {  	[sflag:s14] =	ssyncadd.s32 $0xFFFFFFC0  }
0x1c8: {  	v3 =	vld [tilespmem:$0x0];
	_ =	sdelay $0x4  }
0x1c9: {  	v4 =	vshrl.u32 v3, $0x3  }
0x1ca: {  	v4 =	vmul.u32 $0x18, v4  }
0x1cb: {  	v3 =	vand.u32 $0x7, v3  }
0x1cc: {  	v3 =	vor.u32 v3, v4  }
0x1cd: {  	v4 =	vperm.xlane v3, v0;
	_ =	sdelay $0x1  }
0x1ce: {  	v4 =	vadd.s32 v1, v4;
	_ =	sdelay $0x1  }
0x1cf: {  	v3 =	vperm.xlane v3, v2;
	_ =	sdelay $0x1  }
0x1d0: {  	v3 =	vadd.s32 v1, v3  }
0x1d1: {  	[tilespmem:s17], [sflag:$0x1] =	stream.indirect_vreg.gather [hbm4b:s3+s31], $0x80, v4, vm0, $0xb8;
	[tilespmem:$0xC180] =	vst v63  }
0x1d2: {  	s9 =	simm.s32 $0x980  }
0x1d3: {  	[tilespmem:s9], [sflag:$0x1] =	stream.indirect_vreg.gather [hbm4b:s7+s31], $0x80, v4, vm1, $0xb8;
	[tilespmem:$0xC180] =	vst v63  }
0x1d4: {  	s2 =	simm.s32 $0xD80  }
0x1d5: {  	[tilespmem:s2], [sflag:$0x1] =	stream.indirect_vreg.gather [hbm4b:s3+s31], $0x80, v3, vm0, $0xb8;
	[tilespmem:$0xC180] =	vst v63  }
0x1d6: {  	s8 =	simm.s32 $0x1580  }
0x1d7: {  	[tilespmem:s8], [sflag:$0x1] =	stream.indirect_vreg.gather [hbm4b:s7+s31], $0x80, v3, vm1, $0xb8;
	[tilespmem:$0xC180] =	vst v63  }
0x1d8: {  	v3 =	vld [tilespmem:$0x10];
	_ =	sdelay $0x4  }
0x1d9: {  	v4 =	vshrl.u32 v3, $0x3  }
0x1da: {  	v4 =	vmul.u32 $0x18, v4  }
0x1db: {  	v3 =	vand.u32 $0x7, v3  }
0x1dc: {  	v3 =	vor.u32 v3, v4  }
0x1dd: {  	v4 =	vperm.xlane v3, v0;
	_ =	sdelay $0x1  }
0x1de: {  	v4 =	vadd.s32 v1, v4;
	_ =	sdelay $0x1  }
0x1df: {  	v3 =	vperm.xlane v3, v2;
	_ =	sdelay $0x1  }
0x1e0: {  	s9 =	simm.s32 $0x1980;
	v3 =	vadd.s32 v1, v3  }
0x1e1: {  	[tilespmem:s9], [sflag:$0x1] =	stream.indirect_vreg.gather [hbm4b:s3+s31], $0x80, v4, vm0, $0xb8;
	[tilespmem:$0xC180] =	vst v63  }
0x1e2: {  	s2 =	simm.s32 $0x2180  }
0x1e3: {  	[tilespmem:s2], [sflag:$0x1] =	stream.indirect_vreg.gather [hbm4b:s7+s31], $0x80, v4, vm1, $0xb8;
	[tilespmem:$0xC180] =	vst v63  }
0x1e4: {  	s8 =	simm.s32 $0x2580  }
0x1e5: {  	[tilespmem:s8], [sflag:$0x1] =	stream.indirect_vreg.gather [hbm4b:s3+s31], $0x80, v3, vm0, $0xb8;
	[tilespmem:$0xC180] =	vst v63  }
0x1e6: {  	s9 =	simm.s32 $0x2D80  }
0x1e7: {  	[tilespmem:s9], [sflag:$0x1] =	stream.indirect_vreg.gather [hbm4b:s7+s31], $0x80, v3, vm1, $0xb8;
	[tilespmem:$0xC180] =	vst v63  }
0x1e8: {  	v3 =	vld [tilespmem:$0x20];
	_ =	sdelay $0x4  }
0x1e9: {  	v4 =	vshrl.u32 v3, $0x3  }
0x1ea: {  	v4 =	vmul.u32 $0x18, v4  }
0x1eb: {  	v3 =	vand.u32 $0x7, v3  }
0x1ec: {  	v3 =	vor.u32 v3, v4  }
0x1ed: {  	v4 =	vperm.xlane v3, v0;
	_ =	sdelay $0x1  }
0x1ee: {  	v4 =	vadd.s32 v1, v4;
	_ =	sdelay $0x1  }
0x1ef: {  	v3 =	vperm.xlane v3, v2;
	_ =	sdelay $0x1  }
0x1f0: {  	s2 =	simm.s32 $0x3180;
	v3 =	vadd.s32 v1, v3  }
0x1f1: {  	[tilespmem:s2], [sflag:$0x1] =	stream.indirect_vreg.gather [hbm4b:s3+s31], $0x80, v4, vm0, $0xb8;
	[tilespmem:$0xC180] =	vst v63  }
0x1f2: {  	s8 =	simm.s32 $0x3980  }
0x1f3: {  	[tilespmem:s8], [sflag:$0x1] =	stream.indirect_vreg.gather [hbm4b:s7+s31], $0x80, v4, vm1, $0xb8;
	[tilespmem:$0xC180] =	vst v63  }
0x1f4: {  	s9 =	simm.s32 $0x3D80  }
0x1f5: {  	[tilespmem:s9], [sflag:$0x1] =	stream.indirect_vreg.gather [hbm4b:s3+s31], $0x80, v3, vm0, $0xb8;
	[tilespmem:$0xC180] =	vst v63  }
0x1f6: {  	s2 =	simm.s32 $0x4580  }
0x1f7: {  	[tilespmem:s2], [sflag:$0x1] =	stream.indirect_vreg.gather [hbm4b:s7+s31], $0x80, v3, vm1, $0xb8;
	[tilespmem:$0xC180] =	vst v63  }
0x1f8: {  	v3 =	vld [tilespmem:$0x30];
	_ =	sdelay $0x4  }
0x1f9: {  	v4 =	vshrl.u32 v3, $0x3  }
0x1fa: {  	v4 =	vmul.u32 $0x18, v4  }
0x1fb: {  	v3 =	vand.u32 $0x7, v3  }
0x1fc: {  	v3 =	vor.u32 v3, v4  }
0x1fd: {  	v4 =	vperm.xlane v3, v0;
	_ =	sdelay $0x1  }
0x1fe: {  	v4 =	vadd.s32 v1, v4;
	_ =	sdelay $0x1  }
0x1ff: {  	v3 =	vperm.xlane v3, v2;
	_ =	sdelay $0x1  }
0x200: {  	s8 =	simm.s32 $0x4980;
	v3 =	vadd.s32 v1, v3  }
0x201: {  	[tilespmem:s8], [sflag:$0x1] =	stream.indirect_vreg.gather [hbm4b:s3+s31], $0x80, v4, vm0, $0xb8;
	[tilespmem:$0xC180] =	vst v63  }
0x202: {  	s9 =	simm.s32 $0x5180  }
0x203: {  	[tilespmem:s9], [sflag:$0x1] =	stream.indirect_vreg.gather [hbm4b:s7+s31], $0x80, v4, vm1, $0xb8;
	[tilespmem:$0xC180] =	vst v63  }
0x204: {  	s2 =	simm.s32 $0x5580  }
0x205: {  	[tilespmem:s2], [sflag:$0x1] =	stream.indirect_vreg.gather [hbm4b:s3+s31], $0x80, v3, vm0, $0xb8;
	[tilespmem:$0xC180] =	vst v63  }
0x206: {  	s8 =	simm.s32 $0x5D80  }
0x207: {  	[tilespmem:s8], [sflag:$0x1] =	stream.indirect_vreg.gather [hbm4b:s7+s31], $0x80, v3, vm1, $0xb8;
	[tilespmem:$0xC180] =	vst v63  }
0x208: {  	_ =	swait.ge [sflag:s14], $0x6000  }
0x209: {  	[sflag:s14] =	ssyncset.done $0x0  }
0x20a: {  	[sflag:s14] =	ssyncadd.s32 $0xFFFFA000  }
0x20b: {  	v3 =	vld [tilespmem:$0x80];
	_ =	sdelay $0x4  }
0x20c: {  	v4 =	vshrl.u32 v3, $0x3  }
0x20d: {  	v4 =	vmul.u32 $0x18, v4  }
0x20e: {  	v3 =	vand.u32 $0x7, v3  }
0x20f: {  	v3 =	vor.u32 v3, v4  }
0x210: {  	v4 =	vperm.xlane v3, v0;
	_ =	sdelay $0x1  }
0x211: {  	v4 =	vadd.s32 v1, v4;
	_ =	sdelay $0x1  }
0x212: {  	v3 =	vperm.xlane v3, v2;
	_ =	sdelay $0x1  }
0x213: {  	v3 =	vadd.s32 v1, v3  }
0x214: {  	[tilespmem:s15], [sflag:$0x1] =	stream.indirect_vreg.gather [hbm4b:s3+s31], $0x80, v4, vm0, $0xb8;
	[tilespmem:$0xC180] =	vst v63  }
0x215: {  	_ = 	snop  }
0x216: {  	[tilespmem:s16], [sflag:$0x1] =	stream.indirect_vreg.gather [hbm4b:s7+s31], $0x80, v4, vm1, $0xb8;
	[tilespmem:$0xC180] =	vst v63  }
0x217: {  	_ = 	snop  }
0x218: {  	[tilespmem:s18], [sflag:$0x1] =	stream.indirect_vreg.gather [hbm4b:s3+s31], $0x80, v3, vm0, $0xb8;
	[tilespmem:$0xC180] =	vst v63  }
0x219: {  	_ = 	snop  }
0x21a: {  	[tilespmem:s19], [sflag:$0x1] =	stream.indirect_vreg.gather [hbm4b:s7+s31], $0x80, v3, vm1, $0xb8;
	[tilespmem:$0xC180] =	vst v63  }
0x21b: {  	v3 =	vld [tilespmem:$0x90];
	_ =	sdelay $0x4  }
0x21c: {  	v4 =	vshrl.u32 v3, $0x3  }
0x21d: {  	v4 =	vmul.u32 $0x18, v4  }
0x21e: {  	v3 =	vand.u32 $0x7, v3  }
0x21f: {  	v3 =	vor.u32 v3, v4  }
0x220: {  	v4 =	vperm.xlane v3, v0;
	_ =	sdelay $0x1  }
0x221: {  	v4 =	vadd.s32 v1, v4;
	_ =	sdelay $0x1  }
0x222: {  	v3 =	vperm.xlane v3, v2;
	_ =	sdelay $0x1  }
0x223: {  	v3 =	vadd.s32 v1, v3  }
0x224: {  	[tilespmem:s20], [sflag:$0x1] =	stream.indirect_vreg.gather [hbm4b:s3+s31], $0x80, v4, vm0, $0xb8;
	[tilespmem:$0xC180] =	vst v63  }
0x225: {  	_ = 	snop  }
0x226: {  	[tilespmem:s21], [sflag:$0x1] =	stream.indirect_vreg.gather [hbm4b:s7+s31], $0x80, v4, vm1, $0xb8;
	[tilespmem:$0xC180] =	vst v63  }
0x227: {  	_ = 	snop  }
0x228: {  	[tilespmem:s22], [sflag:$0x1] =	stream.indirect_vreg.gather [hbm4b:s3+s31], $0x80, v3, vm0, $0xb8;
	[tilespmem:$0xC180] =	vst v63  }
0x229: {  	_ = 	snop  }
0x22a: {  	[tilespmem:s23], [sflag:$0x1] =	stream.indirect_vreg.gather [hbm4b:s7+s31], $0x80, v3, vm1, $0xb8;
	[tilespmem:$0xC180] =	vst v63  }
0x22b: {  	v3 =	vld [tilespmem:$0xA0];
	_ =	sdelay $0x4  }
0x22c: {  	v4 =	vshrl.u32 v3, $0x3  }
0x22d: {  	v4 =	vmul.u32 $0x18, v4  }
0x22e: {  	v3 =	vand.u32 $0x7, v3  }
0x22f: {  	v3 =	vor.u32 v3, v4  }
0x230: {  	v4 =	vperm.xlane v3, v0;
	_ =	sdelay $0x1  }
0x231: {  	v4 =	vadd.s32 v1, v4;
	_ =	sdelay $0x1  }
0x232: {  	v3 =	vperm.xlane v3, v2;
	_ =	sdelay $0x1  }
0x233: {  	v3 =	vadd.s32 v1, v3  }
0x234: {  	[tilespmem:s4], [sflag:$0x1] =	stream.indirect_vreg.gather [hbm4b:s3+s31], $0x80, v4, vm0, $0xb8;
	[tilespmem:$0xC180] =	vst v63  }
0x235: {  	_ = 	snop  }
0x236: {  	[tilespmem:s24], [sflag:$0x1] =	stream.indirect_vreg.gather [hbm4b:s7+s31], $0x80, v4, vm1, $0xb8;
	[tilespmem:$0xC180] =	vst v63  }
0x237: {  	_ = 	snop  }
0x238: {  	[tilespmem:s5], [sflag:$0x1] =	stream.indirect_vreg.gather [hbm4b:s3+s31], $0x80, v3, vm0, $0xb8;
	[tilespmem:$0xC180] =	vst v63  }
0x239: {  	_ = 	snop  }
0x23a: {  	[tilespmem:s25], [sflag:$0x1] =	stream.indirect_vreg.gather [hbm4b:s7+s31], $0x80, v3, vm1, $0xb8;
	[tilespmem:$0xC180] =	vst v63  }
0x23b: {  	v3 =	vld [tilespmem:$0xB0];
	_ =	sdelay $0x4  }
0x23c: {  	v4 =	vshrl.u32 v3, $0x3  }
0x23d: {  	v4 =	vmul.u32 $0x18, v4  }
0x23e: {  	v3 =	vand.u32 $0x7, v3  }
0x23f: {  	v3 =	vor.u32 v3, v4  }
0x240: {  	v4 =	vperm.xlane v3, v0;
	_ =	sdelay $0x1  }
0x241: {  	v4 =	vadd.s32 v1, v4;
	_ =	sdelay $0x1  }
0x242: {  	v3 =	vperm.xlane v3, v2;
	_ =	sdelay $0x1  }
0x243: {  	v3 =	vadd.s32 v1, v3  }
0x244: {  	[tilespmem:s26], [sflag:$0x1] =	stream.indirect_vreg.gather [hbm4b:s3+s31], $0x80, v4, vm0, $0xb8;
	[tilespmem:$0xC180] =	vst v63  }
0x245: {  	_ = 	snop  }
0x246: {  	[tilespmem:s28], [sflag:$0x1] =	stream.indirect_vreg.gather [hbm4b:s7+s31], $0x80, v4, vm1, $0xb8;
	[tilespmem:$0xC180] =	vst v63  }
0x247: {  	_ = 	snop  }
0x248: {  	[tilespmem:s6], [sflag:$0x1] =	stream.indirect_vreg.gather [hbm4b:s3+s31], $0x80, v3, vm0, $0xb8;
	[tilespmem:$0xC180] =	vst v63  }
0x249: {  	s9 =	simm.s32 $0x0  }
0x24a: {  	[tilespmem:s29], [sflag:$0x1] =	stream.indirect_vreg.gather [hbm4b:s7+s31], $0x80, v3, vm1, $0xb8;
	[tilespmem:$0xC180] =	vst v63  }
0x24b: {  	s0 =	smul.u32 $0xC00, s9;
	_ =	swait.ge [sflag:s14], $0x6000  }
0x24c: {  	s2 =	sand.u32 $0x380, s31;
	[sflag:s14] =	ssyncset.done $0x0  }
0x24d: {  	s8 =	sor.u32 s2, s0;
	[sflag:s14] =	ssyncadd.s32 $0xFFFFA000  }
0x24e: {  	v3 =	vld [tilespmem:s8+$0x6180]  }
0x24f: {  	v12 =	vld [tilespmem:s8+$0x6190]  }
0x250: {  	v13 =	vld [tilespmem:s8+$0x61A0]  }
0x251: {  	v14 =	vld [tilespmem:s8+$0x61B0]  }
0x252: {  	v15 =	vld [tilespmem:s8+$0x61C0]  }
0x253: {  	v16 =	vld [tilespmem:s8+$0x61D0]  }
0x254: {  	v17 =	vld [tilespmem:s8+$0x61E0]  }
0x255: {  	v18 =	vld [tilespmem:s8+$0x61F0]  }
0x256: {  	v19 =	vld [tilespmem:s8+$0x6580]  }
0x257: {  	v20 =	vld [tilespmem:s8+$0x6590]  }
0x258: {  	v21 =	vld [tilespmem:s8+$0x65A0]  }
0x259: {  	v22 =	vld [tilespmem:s8+$0x65B0]  }
0x25a: {  	v23 =	vld [tilespmem:s8+$0x65C0]  }
0x25b: {  	v24 =	vld [tilespmem:s8+$0x65D0]  }
0x25c: {  	v25 =	vld [tilespmem:s8+$0x65E0]  }
0x25d: {  	v11 =	vld [tilespmem:s8+$0x65F0]  }
0x25e: {  	v10 =	vld [tilespmem:s8+$0x6980]  }
0x25f: {  	v9 =	vld [tilespmem:s8+$0x6990]  }
0x260: {  	v8 =	vld [tilespmem:s8+$0x69A0]  }
0x261: {  	v7 =	vld [tilespmem:s8+$0x69B0]  }
0x262: {  	v6 =	vld [tilespmem:s8+$0x69C0]  }
0x263: {  	v26 =	vld [tilespmem:s8+$0x180]  }
0x264: {  	v27 =	vld [tilespmem:s8+$0x190]  }
0x265: {  	v5 =	vld [tilespmem:s8+$0x69D0]  }
0x266: {  	v28 =	vld [tilespmem:s8+$0x1A0]  }
0x267: {  	v4 =	vld [tilespmem:s8+$0x69E0]  }
0x268: {  	v29 =	vld [tilespmem:s8+$0x1B0]  }
0x269: {  	v59 =	vld [tilespmem:s8+$0x1C0]  }
0x26a: {  	v60 =	vld [tilespmem:s8+$0x1D0]  }
0x26b: {  	v61 =	vld [tilespmem:s8+$0x1E0];
	v26 =	vadd.f32 v3, v26  }
0x26c: {  	v62 =	vld [tilespmem:s8+$0x1F0];
	v12 =	vadd.f32 v12, v27  }
0x26d: {  	v63 =	vld [tilespmem:s8+$0x5C0];
	v13 =	vadd.f32 v13, v28;
	[tilespmem:s8+$0x180] =	vst v26  }
0x26e: {  	v3 =	vld [tilespmem:s8+$0x69F0];
	v14 =	vadd.f32 v14, v29;
	[tilespmem:s8+$0x190] =	vst v12  }
0x26f: {  	v15 =	vadd.f32 v15, v59;
	v12 =	vld [tilespmem:s8+$0x580];
	[tilespmem:s8+$0x1A0] =	vst v13  }
0x270: {  	v16 =	vadd.f32 v16, v60;
	v13 =	vld [tilespmem:s8+$0x590];
	[tilespmem:s8+$0x1B0] =	vst v14  }
0x271: {  	v17 =	vadd.f32 v17, v61;
	v14 =	vld [tilespmem:s8+$0x5A0];
	[tilespmem:s8+$0x1C0] =	vst v15  }
0x272: {  	v15 =	vld [tilespmem:s8+$0x5B0];
	[tilespmem:s8+$0x1D0] =	vst v16;
	v16 =	vadd.f32 v18, v62  }
0x273: {  	[tilespmem:s8+$0x1E0] =	vst v17;
	v17 =	vld [tilespmem:s8+$0x5D0];
	v18 =	vadd.f32 v23, v63  }
0x274: {  	[tilespmem:s8+$0x1F0] =	vst v16;
	v12 =	vadd.f32 v19, v12;
	v19 =	vld [tilespmem:s8+$0x5E0]  }
0x275: {  	v16 =	vld [tilespmem:s8+$0x5F0];
	[tilespmem:s8+$0x5C0] =	vst v18;
	v13 =	vadd.f32 v20, v13  }
0x276: {  	v14 =	vadd.f32 v21, v14;
	[tilespmem:s8+$0x580] =	vst v12;
	v12 =	vld [tilespmem:s8+$0x980]  }
0x277: {  	v15 =	vadd.f32 v22, v15;
	[tilespmem:s8+$0x590] =	vst v13;
	v13 =	vld [tilespmem:s8+$0x990]  }
0x278: {  	v18 =	vadd.f32 v24, v17;
	[tilespmem:s8+$0x5A0] =	vst v14;
	v14 =	vld [tilespmem:s8+$0x9A0]  }
0x279: {  	s0 =	simm.s32 $0x1;
	[tilespmem:s8+$0x5B0] =	vst v15;
	v15 =	vld [tilespmem:s8+$0x9B0];
	v17 =	vadd.f32 v25, v19  }
.LBB2_6:
0x27a: {  	s2 =	sshrl.u32 s0, $0x3;
	p0 =	sne.s32 s0, $0x3F;
	[tilespmem:s8+$0x5D0] =	vst v18;
	v11 =	vadd.f32 v11, v16;
	v16 =	vld [tilespmem:s8+$0x9C0]  }
0x27b: {  	s31 =	sadd.s32 $0x80, s31;
	s2 =	smul.u32 $0xC00, s2;
	[tilespmem:s8+$0x5E0] =	vst v17;
	v10 =	vadd.f32 v10, v12;
	v12 =	vld [tilespmem:s8+$0x9D0]  }
0x27c: {  	s9 =	sand.u32 $0x380, s31;
	[tilespmem:s8+$0x5F0] =	vst v11;
	v9 =	vadd.f32 v9, v13;
	v11 =	vld [tilespmem:s8+$0x9E0]  }
0x27d: {  	s2 =	sor.u32 s9, s2;
	[tilespmem:s8+$0x980] =	vst v10;
	v8 =	vadd.f32 v8, v14;
	v10 =	vld [tilespmem:s8+$0x9F0]  }
0x27e: {  	v13 =	vld [tilespmem:s2+$0x6180];
	[tilespmem:s8+$0x990] =	vst v9;
	v7 =	vadd.f32 v7, v15  }
0x27f: {  	v14 =	vld [tilespmem:s2+$0x6190];
	[tilespmem:s8+$0x9A0] =	vst v8;
	v6 =	vadd.f32 v6, v16  }
0x280: {  	v15 =	vld [tilespmem:s2+$0x61A0];
	[tilespmem:s8+$0x9B0] =	vst v7;
	v5 =	vadd.f32 v5, v12  }
0x281: {  	v12 =	vld [tilespmem:s2+$0x61B0];
	[tilespmem:s8+$0x9C0] =	vst v6;
	v4 =	vadd.f32 v4, v11  }
0x282: {  	v16 =	vld [tilespmem:s2+$0x61C0];
	[tilespmem:s8+$0x9D0] =	vst v5;
	v3 =	vadd.f32 v3, v10  }
0x283: {  	v17 =	vld [tilespmem:s2+$0x61D0];
	[tilespmem:s8+$0x9E0] =	vst v4  }
0x284: {  	v18 =	vld [tilespmem:s2+$0x61E0];
	[tilespmem:s8+$0x9F0] =	vst v3;
	s8 =	smov.u32 s2  }
0x285: {  	v19 =	vld [tilespmem:s8+$0x61F0]  }
0x286: {  	v20 =	vld [tilespmem:s8+$0x6580]  }
0x287: {  	v21 =	vld [tilespmem:s8+$0x6590]  }
0x288: {  	v22 =	vld [tilespmem:s8+$0x65A0]  }
0x289: {  	v23 =	vld [tilespmem:s8+$0x65B0]  }
0x28a: {  	v24 =	vld [tilespmem:s8+$0x65C0]  }
0x28b: {  	v25 =	vld [tilespmem:s8+$0x65D0]  }
0x28c: {  	v26 =	vld [tilespmem:s8+$0x65E0]  }
0x28d: {  	v11 =	vld [tilespmem:s8+$0x65F0]  }
0x28e: {  	v10 =	vld [tilespmem:s8+$0x6980]  }
0x28f: {  	v9 =	vld [tilespmem:s8+$0x6990]  }
0x290: {  	v8 =	vld [tilespmem:s8+$0x69A0]  }
0x291: {  	v7 =	vld [tilespmem:s8+$0x69B0]  }
0x292: {  	v6 =	vld [tilespmem:s8+$0x69C0]  }
0x293: {  	v5 =	vld [tilespmem:s8+$0x69D0]  }
0x294: {  	v4 =	vld [tilespmem:s8+$0x69E0]  }
0x295: {  	v3 =	vld [tilespmem:s8+$0x69F0]  }
0x296: {  	v27 =	vld [tilespmem:s8+$0x180]  }
0x297: {  	v28 =	vld [tilespmem:s8+$0x190]  }
0x298: {  	v29 =	vld [tilespmem:s8+$0x1A0]  }
0x299: {  	v30 =	vld [tilespmem:s8+$0x1B0]  }
0x29a: {  	v31 =	vld [tilespmem:s8+$0x1C0]  }
0x29b: {  	v13 =	vadd.f32 v13, v27;
	v27 =	vld [tilespmem:s8+$0x1D0]  }
0x29c: {  	v14 =	vadd.f32 v14, v28;
	v28 =	vld [tilespmem:s8+$0x1E0]  }
0x29d: {  	[tilespmem:s8+$0x180] =	vst v13;
	v13 =	vadd.f32 v15, v29;
	v15 =	vld [tilespmem:s8+$0x1F0]  }
0x29e: {  	[tilespmem:s8+$0x190] =	vst v14;
	v12 =	vadd.f32 v12, v30;
	v14 =	vld [tilespmem:s8+$0x580]  }
0x29f: {  	[tilespmem:s8+$0x1A0] =	vst v13;
	v13 =	vadd.f32 v16, v31;
	v16 =	vld [tilespmem:s8+$0x590]  }
0x2a0: {  	[tilespmem:s8+$0x1B0] =	vst v12;
	v12 =	vadd.f32 v17, v27;
	v17 =	vld [tilespmem:s8+$0x5A0]  }
0x2a1: {  	[tilespmem:s8+$0x1C0] =	vst v13;
	v13 =	vadd.f32 v18, v28;
	v18 =	vld [tilespmem:s8+$0x5B0]  }
0x2a2: {  	[tilespmem:s8+$0x1D0] =	vst v12;
	v12 =	vadd.f32 v19, v15;
	v15 =	vld [tilespmem:s8+$0x5C0]  }
0x2a3: {  	[tilespmem:s8+$0x1E0] =	vst v13;
	v13 =	vadd.f32 v20, v14;
	v14 =	vld [tilespmem:s8+$0x5D0]  }
0x2a4: {  	[tilespmem:s8+$0x1F0] =	vst v12;
	v12 =	vadd.f32 v21, v16;
	v19 =	vld [tilespmem:s8+$0x5E0]  }
.Ltmp2:
0x2a5: {  	[tilespmem:s8+$0x580] =	vst v13;
	v13 =	vadd.f32 v22, v17;
	v16 =	vld [tilespmem:s8+$0x5F0];
	(pc) =	sbr.rel @p0 .LBB2_6-.Ltmp2, $4  }
0x2a6: {  	[tilespmem:s8+$0x590] =	vst v12;
	v17 =	vadd.f32 v23, v18;
	v12 =	vld [tilespmem:s8+$0x980]  }
0x2a7: {  	[tilespmem:s8+$0x5A0] =	vst v13;
	v15 =	vadd.f32 v24, v15;
	v13 =	vld [tilespmem:s8+$0x990]  }
0x2a8: {  	[tilespmem:s8+$0x5B0] =	vst v17;
	v18 =	vadd.f32 v25, v14;
	v14 =	vld [tilespmem:s8+$0x9A0]  }
0x2a9: {  	s0 =	sadd.s32 $0x1, s0;
	[tilespmem:s8+$0x5C0] =	vst v15;
	v17 =	vadd.f32 v26, v19;
	v15 =	vld [tilespmem:s8+$0x9B0]  }
0x2aa: {  	[tilespmem:s8+$0x5D0] =	vst v18;
	v18 =	vld [tilespmem:s8+$0x9C0];
	v11 =	vadd.f32 v11, v16  }
0x2ab: {  	v16 =	vld [tilespmem:s8+$0x9D0];
	[tilespmem:s8+$0x5E0] =	vst v17;
	v10 =	vadd.f32 v10, v12  }
0x2ac: {  	[tilespmem:s8+$0x5F0] =	vst v11;
	v9 =	vadd.f32 v9, v13;
	v11 =	vld [tilespmem:s8+$0x9E0]  }
0x2ad: {  	[tilespmem:s8+$0x980] =	vst v10;
	v8 =	vadd.f32 v8, v14;
	v10 =	vld [tilespmem:s8+$0x9F0]  }
0x2ae: {  	[tilespmem:s8+$0x990] =	vst v9;
	v7 =	vadd.f32 v7, v15  }
0x2af: {  	[tilespmem:s8+$0x9A0] =	vst v8;
	v6 =	vadd.f32 v6, v18  }
0x2b0: {  	v5 =	vadd.f32 v5, v16;
	[tilespmem:s8+$0x9B0] =	vst v7  }
0x2b1: {  	[tilespmem:s8+$0x9C0] =	vst v6;
	v4 =	vadd.f32 v4, v11  }
0x2b2: {  	[tilespmem:s8+$0x9D0] =	vst v5;
	v3 =	vadd.f32 v3, v10  }
0x2b3: {  	[tilespmem:s8+$0x9E0] =	vst v4  }
0x2b4: {  	[tilespmem:s8+$0x9F0] =	vst v3  }
0x2b5: {  	v3 =	vld [tilespmem:$0x100];
	_ =	sdelay $0x4  }
0x2b6: {  	v4 =	vshrl.u32 v3, $0x3  }
0x2b7: {  	v4 =	vmul.u32 $0x18, v4  }
0x2b8: {  	v3 =	vand.u32 $0x7, v3  }
0x2b9: {  	v3 =	vor.u32 v3, v4  }
0x2ba: {  	v4 =	vperm.xlane v3, v0;
	_ =	sdelay $0x1  }
0x2bb: {  	v4 =	vadd.s32 v1, v4;
	_ =	sdelay $0x1  }
0x2bc: {  	v3 =	vperm.xlane v3, v2;
	_ =	sdelay $0x1  }
0x2bd: {  	s31 =	simm.s32 $0x0;
	v3 =	vadd.s32 v1, v3  }
0x2be: {  	[tilespmem:s15], [sflag:$0x1] =	stream.indirect_vreg.gather [hbm4b:s3+s31], $0x80, v4, vm0, $0xb8;
	[tilespmem:$0xC180] =	vst v63  }
0x2bf: {  	_ = 	snop  }
0x2c0: {  	[tilespmem:s16], [sflag:$0x1] =	stream.indirect_vreg.gather [hbm4b:s7+s31], $0x80, v4, vm1, $0xb8;
	[tilespmem:$0xC180] =	vst v63  }
0x2c1: {  	_ = 	snop  }
0x2c2: {  	[tilespmem:s18], [sflag:$0x1] =	stream.indirect_vreg.gather [hbm4b:s3+s31], $0x80, v3, vm0, $0xb8;
	[tilespmem:$0xC180] =	vst v63  }
0x2c3: {  	_ = 	snop  }
0x2c4: {  	[tilespmem:s19], [sflag:$0x1] =	stream.indirect_vreg.gather [hbm4b:s7+s31], $0x80, v3, vm1, $0xb8;
	[tilespmem:$0xC180] =	vst v63  }
0x2c5: {  	v3 =	vld [tilespmem:$0x110];
	_ =	sdelay $0x4  }
0x2c6: {  	v4 =	vshrl.u32 v3, $0x3  }
0x2c7: {  	v4 =	vmul.u32 $0x18, v4  }
0x2c8: {  	v3 =	vand.u32 $0x7, v3  }
0x2c9: {  	v3 =	vor.u32 v3, v4  }
0x2ca: {  	v4 =	vperm.xlane v3, v0;
	_ =	sdelay $0x1  }
0x2cb: {  	v4 =	vadd.s32 v1, v4;
	_ =	sdelay $0x1  }
0x2cc: {  	v3 =	vperm.xlane v3, v2;
	_ =	sdelay $0x1  }
0x2cd: {  	v3 =	vadd.s32 v1, v3  }
0x2ce: {  	[tilespmem:s20], [sflag:$0x1] =	stream.indirect_vreg.gather [hbm4b:s3+s31], $0x80, v4, vm0, $0xb8;
	[tilespmem:$0xC180] =	vst v63  }
0x2cf: {  	_ = 	snop  }
0x2d0: {  	[tilespmem:s21], [sflag:$0x1] =	stream.indirect_vreg.gather [hbm4b:s7+s31], $0x80, v4, vm1, $0xb8;
	[tilespmem:$0xC180] =	vst v63  }
0x2d1: {  	_ = 	snop  }
0x2d2: {  	[tilespmem:s22], [sflag:$0x1] =	stream.indirect_vreg.gather [hbm4b:s3+s31], $0x80, v3, vm0, $0xb8;
	[tilespmem:$0xC180] =	vst v63  }
0x2d3: {  	_ = 	snop  }
0x2d4: {  	[tilespmem:s23], [sflag:$0x1] =	stream.indirect_vreg.gather [hbm4b:s7+s31], $0x80, v3, vm1, $0xb8;
	[tilespmem:$0xC180] =	vst v63  }
0x2d5: {  	v3 =	vld [tilespmem:$0x120];
	_ =	sdelay $0x4  }
0x2d6: {  	v4 =	vshrl.u32 v3, $0x3  }
0x2d7: {  	v4 =	vmul.u32 $0x18, v4  }
0x2d8: {  	v3 =	vand.u32 $0x7, v3  }
0x2d9: {  	v3 =	vor.u32 v3, v4  }
0x2da: {  	v4 =	vperm.xlane v3, v0;
	_ =	sdelay $0x1  }
0x2db: {  	v4 =	vadd.s32 v1, v4;
	_ =	sdelay $0x1  }
0x2dc: {  	v3 =	vperm.xlane v3, v2;
	_ =	sdelay $0x1  }
0x2dd: {  	v3 =	vadd.s32 v1, v3  }
0x2de: {  	[tilespmem:s4], [sflag:$0x1] =	stream.indirect_vreg.gather [hbm4b:s3+s31], $0x80, v4, vm0, $0xb8;
	[tilespmem:$0xC180] =	vst v63  }
0x2df: {  	_ = 	snop  }
0x2e0: {  	[tilespmem:s24], [sflag:$0x1] =	stream.indirect_vreg.gather [hbm4b:s7+s31], $0x80, v4, vm1, $0xb8;
	[tilespmem:$0xC180] =	vst v63  }
0x2e1: {  	_ = 	snop  }
0x2e2: {  	[tilespmem:s5], [sflag:$0x1] =	stream.indirect_vreg.gather [hbm4b:s3+s31], $0x80, v3, vm0, $0xb8;
	[tilespmem:$0xC180] =	vst v63  }
0x2e3: {  	_ = 	snop  }
0x2e4: {  	[tilespmem:s25], [sflag:$0x1] =	stream.indirect_vreg.gather [hbm4b:s7+s31], $0x80, v3, vm1, $0xb8;
	[tilespmem:$0xC180] =	vst v63  }
0x2e5: {  	v3 =	vld [tilespmem:$0x130];
	_ =	sdelay $0x4  }
0x2e6: {  	v4 =	vshrl.u32 v3, $0x3  }
0x2e7: {  	v4 =	vmul.u32 $0x18, v4  }
0x2e8: {  	v3 =	vand.u32 $0x7, v3  }
0x2e9: {  	v3 =	vor.u32 v3, v4  }
0x2ea: {  	v4 =	vperm.xlane v3, v0;
	_ =	sdelay $0x1  }
0x2eb: {  	v4 =	vadd.s32 v1, v4;
	_ =	sdelay $0x1  }
0x2ec: {  	v3 =	vperm.xlane v3, v2;
	_ =	sdelay $0x1  }
0x2ed: {  	v3 =	vadd.s32 v1, v3  }
0x2ee: {  	[tilespmem:s26], [sflag:$0x1] =	stream.indirect_vreg.gather [hbm4b:s3+s31], $0x80, v4, vm0, $0xb8;
	[tilespmem:$0xC180] =	vst v63  }
0x2ef: {  	_ = 	snop  }
0x2f0: {  	[tilespmem:s28], [sflag:$0x1] =	stream.indirect_vreg.gather [hbm4b:s7+s31], $0x80, v4, vm1, $0xb8;
	[tilespmem:$0xC180] =	vst v63  }
0x2f1: {  	_ = 	snop  }
0x2f2: {  	[tilespmem:s6], [sflag:$0x1] =	stream.indirect_vreg.gather [hbm4b:s3+s31], $0x80, v3, vm0, $0xb8;
	[tilespmem:$0xC180] =	vst v63  }
0x2f3: {  	s0 =	simm.s32 $0x0  }
0x2f4: {  	[tilespmem:s29], [sflag:$0x1] =	stream.indirect_vreg.gather [hbm4b:s7+s31], $0x80, v3, vm1, $0xb8;
	[tilespmem:$0xC180] =	vst v63  }
0x2f5: {  	s0 =	smul.u32 $0xC00, s0;
	_ =	swait.ge [sflag:s14], $0x6000  }
0x2f6: {  	s2 =	sand.u32 $0x380, s31;
	[sflag:s14] =	ssyncset.done $0x0  }
0x2f7: {  	s8 =	sor.u32 s2, s0;
	[sflag:s14] =	ssyncadd.s32 $0xFFFFA000  }
0x2f8: {  	v3 =	vld [tilespmem:s8+$0x6180]  }
0x2f9: {  	v12 =	vld [tilespmem:s8+$0x6190]  }
0x2fa: {  	v13 =	vld [tilespmem:s8+$0x61A0]  }
0x2fb: {  	v14 =	vld [tilespmem:s8+$0x61B0]  }
0x2fc: {  	v15 =	vld [tilespmem:s8+$0x61C0]  }
0x2fd: {  	v16 =	vld [tilespmem:s8+$0x61D0]  }
0x2fe: {  	v17 =	vld [tilespmem:s8+$0x61E0]  }
0x2ff: {  	v18 =	vld [tilespmem:s8+$0x61F0]  }
0x300: {  	v19 =	vld [tilespmem:s8+$0x6580]  }
0x301: {  	v20 =	vld [tilespmem:s8+$0x6590]  }
0x302: {  	v21 =	vld [tilespmem:s8+$0x65A0]  }
0x303: {  	v22 =	vld [tilespmem:s8+$0x65B0]  }
0x304: {  	v23 =	vld [tilespmem:s8+$0x65C0]  }
0x305: {  	v24 =	vld [tilespmem:s8+$0x65D0]  }
0x306: {  	v25 =	vld [tilespmem:s8+$0x65E0]  }
0x307: {  	v11 =	vld [tilespmem:s8+$0x65F0]  }
0x308: {  	v10 =	vld [tilespmem:s8+$0x6980]  }
0x309: {  	v9 =	vld [tilespmem:s8+$0x6990]  }
0x30a: {  	v8 =	vld [tilespmem:s8+$0x69A0]  }
0x30b: {  	v7 =	vld [tilespmem:s8+$0x69B0]  }
0x30c: {  	v6 =	vld [tilespmem:s8+$0x69C0]  }
0x30d: {  	v26 =	vld [tilespmem:s8+$0x180]  }
0x30e: {  	v27 =	vld [tilespmem:s8+$0x190]  }
0x30f: {  	v5 =	vld [tilespmem:s8+$0x69D0]  }
0x310: {  	v28 =	vld [tilespmem:s8+$0x1A0]  }
0x311: {  	v4 =	vld [tilespmem:s8+$0x69E0]  }
0x312: {  	v29 =	vld [tilespmem:s8+$0x1B0]  }
0x313: {  	v59 =	vld [tilespmem:s8+$0x1C0]  }
0x314: {  	v60 =	vld [tilespmem:s8+$0x1D0]  }
0x315: {  	v61 =	vld [tilespmem:s8+$0x1E0];
	v26 =	vadd.f32 v3, v26  }
0x316: {  	v62 =	vld [tilespmem:s8+$0x1F0];
	v12 =	vadd.f32 v12, v27  }
0x317: {  	v63 =	vld [tilespmem:s8+$0x5C0];
	v13 =	vadd.f32 v13, v28;
	[tilespmem:s8+$0x180] =	vst v26  }
0x318: {  	v3 =	vld [tilespmem:s8+$0x69F0];
	v14 =	vadd.f32 v14, v29;
	[tilespmem:s8+$0x190] =	vst v12  }
0x319: {  	v15 =	vadd.f32 v15, v59;
	v12 =	vld [tilespmem:s8+$0x580];
	[tilespmem:s8+$0x1A0] =	vst v13  }
0x31a: {  	v16 =	vadd.f32 v16, v60;
	v13 =	vld [tilespmem:s8+$0x590];
	[tilespmem:s8+$0x1B0] =	vst v14  }
0x31b: {  	v17 =	vadd.f32 v17, v61;
	v14 =	vld [tilespmem:s8+$0x5A0];
	[tilespmem:s8+$0x1C0] =	vst v15  }
0x31c: {  	v15 =	vld [tilespmem:s8+$0x5B0];
	[tilespmem:s8+$0x1D0] =	vst v16;
	v16 =	vadd.f32 v18, v62  }
0x31d: {  	[tilespmem:s8+$0x1E0] =	vst v17;
	v17 =	vld [tilespmem:s8+$0x5D0];
	v18 =	vadd.f32 v23, v63  }
0x31e: {  	[tilespmem:s8+$0x1F0] =	vst v16;
	v12 =	vadd.f32 v19, v12;
	v19 =	vld [tilespmem:s8+$0x5E0]  }
0x31f: {  	v16 =	vld [tilespmem:s8+$0x5F0];
	[tilespmem:s8+$0x5C0] =	vst v18;
	v13 =	vadd.f32 v20, v13  }
0x320: {  	v14 =	vadd.f32 v21, v14;
	[tilespmem:s8+$0x580] =	vst v12;
	v12 =	vld [tilespmem:s8+$0x980]  }
0x321: {  	v15 =	vadd.f32 v22, v15;
	[tilespmem:s8+$0x590] =	vst v13;
	v13 =	vld [tilespmem:s8+$0x990]  }
0x322: {  	v18 =	vadd.f32 v24, v17;
	[tilespmem:s8+$0x5A0] =	vst v14;
	v14 =	vld [tilespmem:s8+$0x9A0]  }
0x323: {  	s0 =	simm.s32 $0x1;
	[tilespmem:s8+$0x5B0] =	vst v15;
	v15 =	vld [tilespmem:s8+$0x9B0];
	v17 =	vadd.f32 v25, v19  }
.LBB2_8:
0x324: {  	s2 =	sshrl.u32 s0, $0x3;
	p0 =	sne.s32 s0, $0x3F;
	[tilespmem:s8+$0x5D0] =	vst v18;
	v11 =	vadd.f32 v11, v16;
	v16 =	vld [tilespmem:s8+$0x9C0]  }
0x325: {  	s31 =	sadd.s32 $0x80, s31;
	s2 =	smul.u32 $0xC00, s2;
	[tilespmem:s8+$0x5E0] =	vst v17;
	v10 =	vadd.f32 v10, v12;
	v12 =	vld [tilespmem:s8+$0x9D0]  }
0x326: {  	s9 =	sand.u32 $0x380, s31;
	[tilespmem:s8+$0x5F0] =	vst v11;
	v9 =	vadd.f32 v9, v13;
	v11 =	vld [tilespmem:s8+$0x9E0]  }
0x327: {  	s2 =	sor.u32 s9, s2;
	[tilespmem:s8+$0x980] =	vst v10;
	v8 =	vadd.f32 v8, v14;
	v10 =	vld [tilespmem:s8+$0x9F0]  }
0x328: {  	v13 =	vld [tilespmem:s2+$0x6180];
	[tilespmem:s8+$0x990] =	vst v9;
	v7 =	vadd.f32 v7, v15  }
0x329: {  	v14 =	vld [tilespmem:s2+$0x6190];
	[tilespmem:s8+$0x9A0] =	vst v8;
	v6 =	vadd.f32 v6, v16  }
0x32a: {  	v15 =	vld [tilespmem:s2+$0x61A0];
	[tilespmem:s8+$0x9B0] =	vst v7;
	v5 =	vadd.f32 v5, v12  }
0x32b: {  	v12 =	vld [tilespmem:s2+$0x61B0];
	[tilespmem:s8+$0x9C0] =	vst v6;
	v4 =	vadd.f32 v4, v11  }
0x32c: {  	v16 =	vld [tilespmem:s2+$0x61C0];
	[tilespmem:s8+$0x9D0] =	vst v5;
	v3 =	vadd.f32 v3, v10  }
0x32d: {  	v17 =	vld [tilespmem:s2+$0x61D0];
	[tilespmem:s8+$0x9E0] =	vst v4  }
0x32e: {  	v18 =	vld [tilespmem:s2+$0x61E0];
	[tilespmem:s8+$0x9F0] =	vst v3;
	s8 =	smov.u32 s2  }
0x32f: {  	v19 =	vld [tilespmem:s8+$0x61F0]  }
0x330: {  	v20 =	vld [tilespmem:s8+$0x6580]  }
0x331: {  	v21 =	vld [tilespmem:s8+$0x6590]  }
0x332: {  	v22 =	vld [tilespmem:s8+$0x65A0]  }
0x333: {  	v23 =	vld [tilespmem:s8+$0x65B0]  }
0x334: {  	v24 =	vld [tilespmem:s8+$0x65C0]  }
0x335: {  	v25 =	vld [tilespmem:s8+$0x65D0]  }
0x336: {  	v26 =	vld [tilespmem:s8+$0x65E0]  }
0x337: {  	v11 =	vld [tilespmem:s8+$0x65F0]  }
0x338: {  	v10 =	vld [tilespmem:s8+$0x6980]  }
0x339: {  	v9 =	vld [tilespmem:s8+$0x6990]  }
0x33a: {  	v8 =	vld [tilespmem:s8+$0x69A0]  }
0x33b: {  	v7 =	vld [tilespmem:s8+$0x69B0]  }
0x33c: {  	v6 =	vld [tilespmem:s8+$0x69C0]  }
0x33d: {  	v5 =	vld [tilespmem:s8+$0x69D0]  }
0x33e: {  	v4 =	vld [tilespmem:s8+$0x69E0]  }
0x33f: {  	v3 =	vld [tilespmem:s8+$0x69F0]  }
0x340: {  	v27 =	vld [tilespmem:s8+$0x180]  }
0x341: {  	v28 =	vld [tilespmem:s8+$0x190]  }
0x342: {  	v29 =	vld [tilespmem:s8+$0x1A0]  }
0x343: {  	v30 =	vld [tilespmem:s8+$0x1B0]  }
0x344: {  	v31 =	vld [tilespmem:s8+$0x1C0]  }
0x345: {  	v13 =	vadd.f32 v13, v27;
	v27 =	vld [tilespmem:s8+$0x1D0]  }
0x346: {  	v14 =	vadd.f32 v14, v28;
	v28 =	vld [tilespmem:s8+$0x1E0]  }
0x347: {  	[tilespmem:s8+$0x180] =	vst v13;
	v13 =	vadd.f32 v15, v29;
	v15 =	vld [tilespmem:s8+$0x1F0]  }
0x348: {  	[tilespmem:s8+$0x190] =	vst v14;
	v12 =	vadd.f32 v12, v30;
	v14 =	vld [tilespmem:s8+$0x580]  }
0x349: {  	[tilespmem:s8+$0x1A0] =	vst v13;
	v13 =	vadd.f32 v16, v31;
	v16 =	vld [tilespmem:s8+$0x590]  }
0x34a: {  	[tilespmem:s8+$0x1B0] =	vst v12;
	v12 =	vadd.f32 v17, v27;
	v17 =	vld [tilespmem:s8+$0x5A0]  }
0x34b: {  	[tilespmem:s8+$0x1C0] =	vst v13;
	v13 =	vadd.f32 v18, v28;
	v18 =	vld [tilespmem:s8+$0x5B0]  }
0x34c: {  	[tilespmem:s8+$0x1D0] =	vst v12;
	v12 =	vadd.f32 v19, v15;
	v15 =	vld [tilespmem:s8+$0x5C0]  }
0x34d: {  	[tilespmem:s8+$0x1E0] =	vst v13;
	v13 =	vadd.f32 v20, v14;
	v14 =	vld [tilespmem:s8+$0x5D0]  }
0x34e: {  	[tilespmem:s8+$0x1F0] =	vst v12;
	v12 =	vadd.f32 v21, v16;
	v19 =	vld [tilespmem:s8+$0x5E0]  }
.Ltmp3:
0x34f: {  	[tilespmem:s8+$0x580] =	vst v13;
	v13 =	vadd.f32 v22, v17;
	v16 =	vld [tilespmem:s8+$0x5F0];
	(pc) =	sbr.rel @p0 .LBB2_8-.Ltmp3, $4  }
0x350: {  	[tilespmem:s8+$0x590] =	vst v12;
	v17 =	vadd.f32 v23, v18;
	v12 =	vld [tilespmem:s8+$0x980]  }
0x351: {  	[tilespmem:s8+$0x5A0] =	vst v13;
	v15 =	vadd.f32 v24, v15;
	v13 =	vld [tilespmem:s8+$0x990]  }
0x352: {  	[tilespmem:s8+$0x5B0] =	vst v17;
	v18 =	vadd.f32 v25, v14;
	v14 =	vld [tilespmem:s8+$0x9A0]  }
0x353: {  	s0 =	sadd.s32 $0x1, s0;
	[tilespmem:s8+$0x5C0] =	vst v15;
	v17 =	vadd.f32 v26, v19;
	v15 =	vld [tilespmem:s8+$0x9B0]  }
0x354: {  	[tilespmem:s8+$0x5D0] =	vst v18;
	v60 =	vld [tilespmem:s8+$0x9C0];
	v11 =	vadd.f32 v11, v16  }
0x355: {  	v61 =	vld [tilespmem:s8+$0x9D0];
	[tilespmem:s8+$0x5E0] =	vst v17;
	v10 =	vadd.f32 v10, v12  }
0x356: {  	v62 =	vld [tilespmem:s8+$0x9E0];
	[tilespmem:s8+$0x5F0] =	vst v11;
	v9 =	vadd.f32 v9, v13  }
0x357: {  	v63 =	vld [tilespmem:s8+$0x9F0];
	[tilespmem:s8+$0x980] =	vst v10;
	v8 =	vadd.f32 v8, v14  }
0x358: {  	[tilespmem:s8+$0x990] =	vst v9;
	v7 =	vadd.f32 v7, v15  }
0x359: {  	[tilespmem:s8+$0x9A0] =	vst v8;
	v6 =	vadd.f32 v6, v60  }
0x35a: {  	v5 =	vadd.f32 v5, v61;
	[tilespmem:s8+$0x9B0] =	vst v7  }
0x35b: {  	v4 =	vadd.f32 v4, v62;
	[tilespmem:s8+$0x9C0] =	vst v6  }
0x35c: {  	s30 =	sadd.s32 $0x1, s30;
	v3 =	vadd.f32 v3, v63;
	[tilespmem:s8+$0x9D0] =	vst v5  }
0x35d: {  	p0 =	sne.s32 s30, s13;
	[tilespmem:s8+$0x9E0] =	vst v4  }
.Ltmp4:
0x35e: {  	[tilespmem:s8+$0x9F0] =	vst v3;
	(pc) =	sbr.rel @p0 .LBB2_1-.Ltmp4, $4  }
0x35f: {  	[hbm4b:s12+s1] =	stream.linear.scatter [tilespmem:s17], [sflag:$0x1], $0x6000, $0x38;
	[tilespmem:$0xC180] =	vst v63  }
0x360: {  	_ =	swait.ge [sflag:s14], $0x6000  }
0x361: {  	[sflag:s14] =	ssyncset.done $0x0  }
0x362: {  	[sflag:s14] =	ssyncadd.s32 $0xFFFFA000  }
0x363: {  	_ =	sfence.sel $0x180000  }
0x364: {  	[bflag:$0x0] =	sbarrier.arrive $0xFFFF  }
0x365: {  	_ =	strace $0x90000047  }
0x366: {  	s0 =	stileid.u32;
	[bflag:$0x2] =	sbarrier.arrive $0xFFFF  }
0x367: {  	p0 =	sne.s32 s0, $0x0;
	s0 =	rddreg [dreg:$0x2]  }
0x368: {  	s0 =	sadd.s32 @!p0 $0x100000, s0  }
0x369: {  	[sflag:s0] =	ssyncadd.tile.s32 @!p0 $0x1;
	_ =	shalt  }
.Lfunc_end2:
_tile_overlayer_lowered:
.L_overlay_start_2:
0x36a: {  	(tag) =	ssettag $0x2  }
0x36b: {  	s0 =	rddreg [dreg:$0x0];
	s2 =	stileid.u32  }
0x36c: {  	s1 =	rddreg [dreg:$0x1];
	p0 =	sne.s32 s2, $0x0  }
0x36d: {  	s3 =	rddreg [dreg:$0x2];
	[bflag:$0x3] =	sbarrier.arrive $0xFFFF;
	s2 =	simm.s32 @!p0 $0x1C01  }
0x36e: {  	[timem:s3], [sflag:s2] =	dma.local @!p0 [hbm:s0], s1  }
0x36f: {  	s0 =	simm.s32 @!p0 $0x1  }
0x370: {  	_ =	swait.ge @!p0 [sflag:s0], s1  }
0x371: {  	s1 =	ssub.s32 @!p0 $0x0, s1;
	[sflag:s0] =	ssyncset.done @!p0 $0x0  }
0x372: {  	[sflag:s0] =	ssyncadd.s32 @!p0 s1  }
0x373: {  	[bflag:$0x3] =	sbarrier.arrive $0xFFFF  }
0x374: {  	_ =	shalt  }

</sc_bundles>
